<compile_context>
chip_gen: v7x
topology: tpu7x:2x2x1
jax: 0.10.2.dev20260603
libtpu: 0.0.44.dev20260713+nightly
codegen_flags: <defaults>
</compile_context>

<pallas_src>
import functools
import math

import jax
import jax.numpy as jnp
from jax import lax
from jax.experimental import pallas as pl
from jax.experimental.pallas import tpu as pltpu
from jax.experimental.pallas import tpu_sc as plsc

N = 1024
D = 128
NSUB = 4
H = 2 * D
BLK = 256
GRID = N // BLK

_HIGH = lax.Precision.HIGHEST
_ENT_CONST = 0.5 + 0.5 * math.log(2.0 * math.pi)

NC = 2
NS = 16
L = 16
NW = NC * NS
ROWS_PER_W = N // NW
GROUPS = ROWS_PER_W // L


def _dist_body(x_ref, dist_ref):
    pid = pl.program_id(0)
    x_all = x_ref[...]
    xb = x_ref[pl.ds(pid * BLK, BLK), :]
    g = lax.dot_general(xb, x_all, (((1,), (1,)), ((), ())),
                        preferred_element_type=jnp.float32,
                        precision=_HIGH)
    n_all = jnp.sum(x_all * x_all, axis=1)[None, :]
    n_blk = jnp.sum(xb * xb, axis=1)[:, None]
    dist_ref[...] = n_blk + n_all - 2.0 * g


def _dist(x):
    return pl.pallas_call(
        _dist_body,
        grid=(GRID,),
        in_specs=[pl.BlockSpec((N, D), lambda i: (0, 0))],
        out_specs=pl.BlockSpec((BLK, N), lambda i: (i, 0)),
        out_shape=jax.ShapeDtypeStruct((N, N), jnp.float32),
    )(x)


def _topk_scan(buf, lanes):
    stripes = 8
    sl = N // stripes
    sub = 4
    ssl = sl // sub
    unroll = 4
    inf = jnp.full((L,), jnp.inf, jnp.float32)
    zero = jnp.zeros((L,), jnp.int32)

    def cheap_body(i, ms):
        t = i * unroll
        for u in range(unroll):
            ms = tuple(jnp.minimum(ms[s], buf[s * sl + t + u])
                       for s in range(stripes))
        return ms
    ms = list(lax.fori_loop(0, sl // unroll, cheap_body,
                            tuple(inf for _ in range(stripes))))

    picks = []
    for r in range(NSUB):
        gm = ms[0]
        for s in range(1, stripes):
            gm = jnp.minimum(gm, ms[s])
        sid = jnp.full((L,), stripes - 1, jnp.int32)
        for s in range(stripes - 2, -1, -1):
            sid = jnp.where(ms[s] == gm, jnp.int32(s), sid)
        colbase = sid * sl

        excl = picks

        def rs_body(t, st):
            out = []
            for h in range(sub):
                u1, j1, u2 = st[3 * h:3 * h + 3]
                rv = colbase + (h * ssl + t)
                v = plsc.load_gather(buf, [rv, lanes])
                for ee in excl:
                    v = jnp.where(rv == ee, jnp.inf, v)
                ba = v < u1
                bb = v < u2
                u2n = jnp.where(ba, u1, jnp.where(bb, v, u2))
                u1n = jnp.where(ba, v, u1)
                j1n = jnp.where(ba, rv, j1)
                out += [u1n, j1n, u2n]
            return tuple(out)

        st = lax.fori_loop(0, ssl, rs_body,
                           tuple(x for _ in range(sub)
                                 for x in (inf, zero, inf)))

        def merge(a, b):
            a1, aj, a2 = a
            b1, bj, b2 = b
            sel = b1 < a1
            m1 = jnp.where(sel, b1, a1)
            mj = jnp.where(sel, bj, aj)
            loser = jnp.where(sel, a1, b1)
            m2 = jnp.minimum(jnp.minimum(a2, b2), loser)
            return m1, mj, m2

        chunks = [tuple(st[3 * h:3 * h + 3]) for h in range(sub)]
        _, j1, u2 = merge(merge(chunks[0], chunks[1]),
                          merge(chunks[2], chunks[3]))
        picks.append(j1)
        for s in range(stripes):
            ms[s] = jnp.where(sid == jnp.int32(s), u2, ms[s])
    return picks


def _sc_topk_kernel(dist_hbm, subs_hbm, buf0, buf1, obuf, sem0, sem1):
    wid = lax.axis_index("s") * NC + lax.axis_index("c")
    base = wid * ROWS_PER_W
    cp0 = pltpu.async_copy(dist_hbm.at[:, pl.ds(base, L)], buf0, sem0)
    cp1 = pltpu.async_copy(dist_hbm.at[:, pl.ds(base + L, L)], buf1, sem1)
    lanes = lax.iota(jnp.int32, L)
    for g, (buf, cp) in enumerate(((buf0, cp0), (buf1, cp1))):
        cp.wait()
        idxs = _topk_scan(buf, lanes)
        for k in range(NSUB):
            kv = jnp.full((L,), k, jnp.int32)
            plsc.store_scatter(obuf, [lanes, kv], idxs[k])
        pltpu.sync_copy(obuf, subs_hbm.at[pl.ds(base + g * L, L), :])


def _sc_topk(dist):
    fn = functools.partial(
        pl.kernel,
        mesh=plsc.VectorSubcoreMesh(core_axis_name="c", subcore_axis_name="s"),
        out_type=jax.ShapeDtypeStruct((N, NSUB), jnp.int32),
        scratch_types=[
            pltpu.VMEM((N, L), jnp.float32),
            pltpu.VMEM((N, L), jnp.float32),
            pltpu.VMEM((L, NSUB), jnp.int32),
            pltpu.SemaphoreType.DMA,
            pltpu.SemaphoreType.DMA,
        ],
        compiler_params=pltpu.CompilerParams(needs_layout_passes=False,
                                             use_tc_tiling_on_sc=False),
    )(_sc_topk_kernel)
    return fn(dist)


def _dec_body(x_ref, subs_ref, w1_ref, b1_ref, w2_ref, b2_ref, eps_ref,
              xout_ref, ent_ref):
    pid = pl.program_id(0)
    x_all = x_ref[...]
    xb = x_ref[pl.ds(pid * BLK, BLK), :]
    subs = subs_ref[...]
    iota_j = lax.broadcasted_iota(jnp.int32, (BLK, N), 1)

    zs = []
    for k in range(NSUB):
        onehot = (iota_j == subs[:, k:k + 1]).astype(jnp.float32)
        zk = lax.dot_general(onehot, x_all, (((1,), (0,)), ((), ())),
                             preferred_element_type=jnp.float32)
        zs.append(zk)

    mu = (zs[0] + zs[1] + zs[2] + zs[3]) * 0.25
    mx = jnp.maximum(jnp.maximum(zs[0], zs[1]), jnp.maximum(zs[2], zs[3]))
    z = jnp.concatenate((mu, mx), axis=1)

    hdn = lax.dot_general(z, w1_ref[...], (((1,), (1,)), ((), ())),
                          preferred_element_type=jnp.float32) + b1_ref[...][None, :]
    hdn = jnp.where(hdn >= 0, hdn, 0.01 * hdn)
    z2 = lax.dot_general(hdn, w2_ref[...], (((1,), (1,)), ((), ())),
                         preferred_element_type=jnp.float32) + b2_ref[...][None, :]

    loc = z2[:, :D]
    half_log_var = z2[:, D:] * 0.5
    scale = jnp.exp(half_log_var)
    xout_ref[...] = xb + loc + scale * eps_ref[...]

    part = jnp.sum(half_log_var).reshape(1, 1)

    @pl.when(pid == 0)
    def _():
        ent_ref[...] = jnp.zeros((1, 1), jnp.float32)
    ent_ref[...] += part

    @pl.when(pid == GRID - 1)
    def _():
        ent_ref[...] = _ENT_CONST + ent_ref[...] / (N * D)


def _decode(x, subs, W1, b1, W2, b2, eps):
    return pl.pallas_call(
        _dec_body,
        grid=(GRID,),
        in_specs=[
            pl.BlockSpec((N, D), lambda i: (0, 0)),
            pl.BlockSpec((BLK, NSUB), lambda i: (i, 0)),
            pl.BlockSpec((H, H), lambda i: (0, 0)),
            pl.BlockSpec((H,), lambda i: (0,)),
            pl.BlockSpec((H, H), lambda i: (0, 0)),
            pl.BlockSpec((H,), lambda i: (0,)),
            pl.BlockSpec((BLK, D), lambda i: (i, 0)),
        ],
        out_specs=[
            pl.BlockSpec((BLK, D), lambda i: (i, 0)),
            pl.BlockSpec((1, 1), lambda i: (0, 0)),
        ],
        out_shape=[
            jax.ShapeDtypeStruct((N, D), jnp.float32),
            jax.ShapeDtypeStruct((1, 1), jnp.float32),
        ],
    )(x, subs, W1, b1, W2, b2, eps)


@jax.jit
def _run(x, W1, b1, W2, b2, eps):
    dist = _dist(x)
    subs = _sc_topk(dist)
    xout, ent = _decode(x, subs, W1, b1, W2, b2, eps)
    return xout, subs, ent


def kernel(x, W1, b1, W2, b2, eps):
    xout, subs, ent = _run(x, W1, b1, W2, b2, eps)
    rows = jnp.repeat(jnp.arange(x.shape[0]), NSUB).astype(jnp.int64)
    cols = subs.reshape(-1).astype(jnp.int64)
    return (xout, ent[0, 0], rows, cols)

# --- scband reference (transcript-rebuilt; emitter-appended) ---
"""Pipeline reference for scband-latent-perturber-11175504904888 (READ-ONLY COPY).

The authoritative reference and input builder live on the scoring server;
editing this copy changes nothing except your own understanding.
"""

import jax, jax.numpy as jnp
import numpy as np

IN_DIM = 128
N_PTS = 1024
N_SUB = 4  # fixed draw replacing torch.randint(1, 5, (1,)) for determinism


def setup_inputs(seed: int = 0) -> dict:
    key = jax.random.key(seed)
    k1, k2, k3, k4, k5, k6 = jax.random.split(key, 6)
    h = 2 * IN_DIM
    x = jax.random.normal(k1, (N_PTS, IN_DIM), dtype=jnp.float32)
    W1 = jax.random.normal(k2, (h, h), dtype=jnp.float32) * (1.0 / np.sqrt(h))
    b1 = jax.random.normal(k3, (h,), dtype=jnp.float32) * 0.01
    W2 = jax.random.normal(k4, (h, h), dtype=jnp.float32) * (1.0 / np.sqrt(h))
    b2 = jax.random.normal(k5, (h,), dtype=jnp.float32) * 0.01
    # reparameterization noise for dist.rsample()
    eps = jax.random.normal(k6, (N_PTS, IN_DIM), dtype=jnp.float32)
    return {"x": x, "W1": W1, "b1": b1, "W2": W2, "b2": b2, "eps": eps}


def reference(x, W1, b1, W2, b2, eps):
    n = N_SUB
    # pairwise squared euclidean distances: d[i, j] = ||x[j] - x[i]||^2
    d = ((x[None, :, :] - x[:, None, :]) ** 2).sum(axis=2)
    # n nearest neighbors per point (includes self at distance 0)
    subsets = jnp.argsort(d, axis=1)[:, :n]
    rows = jnp.repeat(jnp.arange(x.shape[0]), n).astype(jnp.int64)
    cols = subsets.reshape(-1).astype(jnp.int64)
    # gather neighbor features and pool (mean + max), like a set encoder
    z = x[subsets]                      # [N, n, in_dim]
    mu = z.mean(axis=1)                 # [N, in_dim]
    mx = z.max(axis=1)                  # [N, in_dim]
    z = jnp.concatenate((mu, mx), axis=1)  # [N, 2*in_dim]
    # decoder MLP: Linear -> LeakyReLU(0.01) -> Linear
    hdn = z @ W1.T + b1
    hdn = jnp.where(hdn >= 0, hdn, 0.01 * hdn)
    z = hdn @ W2.T + b2
    loc = z[:, :IN_DIM]
    scale = jnp.exp(z[:, IN_DIM:] / 2)
    # dist.rsample() = loc + scale * eps
    x_out = x + loc + scale * eps
    # Normal entropy: 0.5 + 0.5*log(2*pi) + log(scale)
    entropy = (0.5 + 0.5 * jnp.log(2.0 * jnp.pi) + jnp.log(scale)).mean()
    return (x_out, entropy, rows, cols)

if __name__ == "__main__":
    import jax
    _d = setup_inputs()
    print(jax.jit(kernel)(*tuple(_d.values())))

</pallas_src>

<mosaic_0001>
#map = affine_map<(d0, d1) -> (0, 0)>
module attributes {stable_mosaic.version = 14 : i64} {
  func.func @_sc_topk_kernel(%arg0: i32, %arg1: i32, %arg2: memref<1024x1024xf32, #tpu.memory_space<hbm>>, %arg3: memref<1024x4xi32, #tpu.memory_space<hbm>>, %arg4: memref<1024x16xf32, #tpu.memory_space<vmem>>, %arg5: memref<1024x16xf32, #tpu.memory_space<vmem>>, %arg6: memref<16x4xi32, #tpu.memory_space<vmem>>, %arg7: memref<!tpu.dma_semaphore, #tpu.memory_space<semaphore_mem>>, %arg8: memref<!tpu.dma_semaphore, #tpu.memory_space<semaphore_mem>>) attributes {dimension_semantics = [#tpu.dimension_semantics<core_parallel>, #tpu.dimension_semantics<subcore_parallel>], iteration_bounds = array<i64: 2, 16>, scalar_prefetch = 0 : i64, scratch_operands = 5 : i64, tpu.core_type = #tpu.core_type<sc_vector_subcore>, window_params = [{transform_indices = #map}, {transform_indices = #map}]} {
    %mul3A = arith.constant 2 : i32
    %mul3A_0 = arith.muli %arg1, %mul3A : i32
    %add3A = arith.addi %mul3A_0, %arg0 : i32
    %mul3A_1 = arith.constant 32 : i32
    %mul3A_2 = arith.muli %add3A, %mul3A_1 : i32
    %dma_start3A = arith.constant 0 : i32
    %dma_start3A_3 = tpu.memref_slice %arg2[%dma_start3A, %mul3A_2] : memref<1024x1024xf32, #tpu.memory_space<hbm>> -> memref<1024x16xf32, #tpu.memory_space<hbm>>
    %dma_start3A_4 = arith.constant 0 : i32
    %dma_start3A_5 = tpu.memref_slice %arg2[%dma_start3A_4, %mul3A_2] : memref<1024x1024xf32, #tpu.memory_space<hbm>> -> memref<1024x16xf32, #tpu.memory_space<hbm>>
    tpu.enqueue_dma source(%dma_start3A_5 : memref<1024x16xf32, #tpu.memory_space<hbm>>) target(%arg4 : memref<1024x16xf32, #tpu.memory_space<vmem>>) target_semaphore(%arg7 : memref<!tpu.dma_semaphore, #tpu.memory_space<semaphore_mem>>)
    %add3A_6 = arith.constant 16 : i32
    %add3A_7 = arith.addi %mul3A_2, %add3A_6 : i32
    %dma_start3A_8 = arith.constant 0 : i32
    %dma_start3A_9 = tpu.memref_slice %arg2[%dma_start3A_8, %add3A_7] : memref<1024x1024xf32, #tpu.memory_space<hbm>> -> memref<1024x16xf32, #tpu.memory_space<hbm>>
    %dma_start3A_10 = arith.constant 0 : i32
    %dma_start3A_11 = tpu.memref_slice %arg2[%dma_start3A_10, %add3A_7] : memref<1024x1024xf32, #tpu.memory_space<hbm>> -> memref<1024x16xf32, #tpu.memory_space<hbm>>
    tpu.enqueue_dma source(%dma_start3A_11 : memref<1024x16xf32, #tpu.memory_space<hbm>>) target(%arg5 : memref<1024x16xf32, #tpu.memory_space<vmem>>) target_semaphore(%arg8 : memref<!tpu.dma_semaphore, #tpu.memory_space<semaphore_mem>>)
    %iota3A = tpu.iota {dimensions = array<i32: 0>} : vector<16xi32>
    %dma_wait3A = arith.constant 0 : i32
    %dma_wait3A_12 = tpu.memref_slice %arg2[%dma_wait3A, %mul3A_2] : memref<1024x1024xf32, #tpu.memory_space<hbm>> -> memref<1024x16xf32, #tpu.memory_space<hbm>>
    %dma_wait3A_13 = arith.constant 0 : i32
    %dma_wait3A_14 = tpu.memref_slice %arg2[%dma_wait3A_13, %mul3A_2] : memref<1024x1024xf32, #tpu.memory_space<hbm>> -> memref<1024x16xf32, #tpu.memory_space<hbm>>
    tpu.wait_dma2 semaphore(%arg7 : memref<!tpu.dma_semaphore, #tpu.memory_space<semaphore_mem>>) src(%dma_wait3A_14 : memref<1024x16xf32, #tpu.memory_space<hbm>>) dst(%arg4 : memref<1024x16xf32, #tpu.memory_space<vmem>>)
    %broadcast_in_dim3A = arith.constant 0x7F800000 : f32
    %broadcast_in_dim3A_15 = vector.broadcast %broadcast_in_dim3A : f32 to vector<16xf32>
    %broadcast_in_dim3A_16 = arith.constant 0 : i32
    %broadcast_in_dim3A_17 = vector.broadcast %broadcast_in_dim3A_16 : i32 to vector<16xi32>
    %scan3A = arith.constant 0 : i32
    %scan3A_18 = arith.constant 32 : i32
    %scan3A_19 = arith.addi %scan3A, %scan3A_18 : i32
    %scan3A_20 = arith.constant 1 : i32
    %scan3A_21:8 = scf.for %scan3A_820 = %scan3A to %scan3A_19 step %scan3A_20 iter_args(%scan3A_821 = %broadcast_in_dim3A_15, %scan3A_822 = %broadcast_in_dim3A_15, %scan3A_823 = %broadcast_in_dim3A_15, %scan3A_824 = %broadcast_in_dim3A_15, %scan3A_825 = %broadcast_in_dim3A_15, %scan3A_826 = %broadcast_in_dim3A_15, %scan3A_827 = %broadcast_in_dim3A_15, %scan3A_828 = %broadcast_in_dim3A_15) -> (vector<16xf32>, vector<16xf32>, vector<16xf32>, vector<16xf32>, vector<16xf32>, vector<16xf32>, vector<16xf32>, vector<16xf32>)  : i32 {
      %mul3A_829 = arith.constant 4 : i32
      %mul3A_830 = arith.muli %scan3A_820, %mul3A_829 : i32
      %add3A_831 = arith.constant 0 : i32
      %add3A_832 = arith.addi %add3A_831, %mul3A_830 : i32
      %add3A_833 = arith.constant 0 : i32
      %add3A_834 = arith.addi %add3A_832, %add3A_833 : i32
      %get3A = arith.index_cast %add3A_834 : i32 to index
      %get3A_835 = arith.constant 0 : index
      %get3A_836 = tpu.vector_load %arg4[%get3A, %get3A_835] {strides = array<i32>} : memref<1024x16xf32, #tpu.memory_space<vmem>>, vector<16xf32>,
      %min3A_837 = arith.minimumf %scan3A_821, %get3A_836 : vector<16xf32>
      %add3A_838 = arith.constant 128 : i32
      %add3A_839 = arith.addi %add3A_838, %mul3A_830 : i32
      %add3A_840 = arith.constant 0 : i32
      %add3A_841 = arith.addi %add3A_839, %add3A_840 : i32
      %get3A_842 = arith.index_cast %add3A_841 : i32 to index
      %get3A_843 = arith.constant 0 : index
      %get3A_844 = tpu.vector_load %arg4[%get3A_842, %get3A_843] {strides = array<i32>} : memref<1024x16xf32, #tpu.memory_space<vmem>>, vector<16xf32>,
      %min3A_845 = arith.minimumf %scan3A_822, %get3A_844 : vector<16xf32>
      %add3A_846 = arith.constant 256 : i32
      %add3A_847 = arith.addi %add3A_846, %mul3A_830 : i32
      %add3A_848 = arith.constant 0 : i32
      %add3A_849 = arith.addi %add3A_847, %add3A_848 : i32
      %get3A_850 = arith.index_cast %add3A_849 : i32 to index
      %get3A_851 = arith.constant 0 : index
      %get3A_852 = tpu.vector_load %arg4[%get3A_850, %get3A_851] {strides = array<i32>} : memref<1024x16xf32, #tpu.memory_space<vmem>>, vector<16xf32>,
      %min3A_853 = arith.minimumf %scan3A_823, %get3A_852 : vector<16xf32>
      %add3A_854 = arith.constant 384 : i32
      %add3A_855 = arith.addi %add3A_854, %mul3A_830 : i32
      %add3A_856 = arith.constant 0 : i32
      %add3A_857 = arith.addi %add3A_855, %add3A_856 : i32
      %get3A_858 = arith.index_cast %add3A_857 : i32 to index
      %get3A_859 = arith.constant 0 : index
      %get3A_860 = tpu.vector_load %arg4[%get3A_858, %get3A_859] {strides = array<i32>} : memref<1024x16xf32, #tpu.memory_space<vmem>>, vector<16xf32>,
      %min3A_861 = arith.minimumf %scan3A_824, %get3A_860 : vector<16xf32>
      %add3A_862 = arith.constant 512 : i32
      %add3A_863 = arith.addi %add3A_862, %mul3A_830 : i32
      %add3A_864 = arith.constant 0 : i32
      %add3A_865 = arith.addi %add3A_863, %add3A_864 : i32
      %get3A_866 = arith.index_cast %add3A_865 : i32 to index
      %get3A_867 = arith.constant 0 : index
      %get3A_868 = tpu.vector_load %arg4[%get3A_866, %get3A_867] {strides = array<i32>} : memref<1024x16xf32, #tpu.memory_space<vmem>>, vector<16xf32>,
      %min3A_869 = arith.minimumf %scan3A_825, %get3A_868 : vector<16xf32>
      %add3A_870 = arith.constant 640 : i32
      %add3A_871 = arith.addi %add3A_870, %mul3A_830 : i32
      %add3A_872 = arith.constant 0 : i32
      %add3A_873 = arith.addi %add3A_871, %add3A_872 : i32
      %get3A_874 = arith.index_cast %add3A_873 : i32 to index
      %get3A_875 = arith.constant 0 : index
      %get3A_876 = tpu.vector_load %arg4[%get3A_874, %get3A_875] {strides = array<i32>} : memref<1024x16xf32, #tpu.memory_space<vmem>>, vector<16xf32>,
      %min3A_877 = arith.minimumf %scan3A_826, %get3A_876 : vector<16xf32>
      %add3A_878 = arith.constant 768 : i32
      %add3A_879 = arith.addi %add3A_878, %mul3A_830 : i32
      %add3A_880 = arith.constant 0 : i32
      %add3A_881 = arith.addi %add3A_879, %add3A_880 : i32
      %get3A_882 = arith.index_cast %add3A_881 : i32 to index
      %get3A_883 = arith.constant 0 : index
      %get3A_884 = tpu.vector_load %arg4[%get3A_882, %get3A_883] {strides = array<i32>} : memref<1024x16xf32, #tpu.memory_space<vmem>>, vector<16xf32>,
      %min3A_885 = arith.minimumf %scan3A_827, %get3A_884 : vector<16xf32>
      %add3A_886 = arith.constant 896 : i32
      %add3A_887 = arith.addi %add3A_886, %mul3A_830 : i32
      %add3A_888 = arith.constant 0 : i32
      %add3A_889 = arith.addi %add3A_887, %add3A_888 : i32
      %get3A_890 = arith.index_cast %add3A_889 : i32 to index
      %get3A_891 = arith.constant 0 : index
      %get3A_892 = tpu.vector_load %arg4[%get3A_890, %get3A_891] {strides = array<i32>} : memref<1024x16xf32, #tpu.memory_space<vmem>>, vector<16xf32>,
      %min3A_893 = arith.minimumf %scan3A_828, %get3A_892 : vector<16xf32>
      %add3A_894 = arith.constant 0 : i32
      %add3A_895 = arith.addi %add3A_894, %mul3A_830 : i32
      %add3A_896 = arith.constant 1 : i32
      %add3A_897 = arith.addi %add3A_895, %add3A_896 : i32
      %get3A_898 = arith.index_cast %add3A_897 : i32 to index
      %get3A_899 = arith.constant 0 : index
      %get3A_900 = tpu.vector_load %arg4[%get3A_898, %get3A_899] {strides = array<i32>} : memref<1024x16xf32, #tpu.memory_space<vmem>>, vector<16xf32>,
      %min3A_901 = arith.minimumf %min3A_837, %get3A_900 : vector<16xf32>
      %add3A_902 = arith.constant 128 : i32
      %add3A_903 = arith.addi %add3A_902, %mul3A_830 : i32
      %add3A_904 = arith.constant 1 : i32
      %add3A_905 = arith.addi %add3A_903, %add3A_904 : i32
      %get3A_906 = arith.index_cast %add3A_905 : i32 to index
      %get3A_907 = arith.constant 0 : index
      %get3A_908 = tpu.vector_load %arg4[%get3A_906, %get3A_907] {strides = array<i32>} : memref<1024x16xf32, #tpu.memory_space<vmem>>, vector<16xf32>,
      %min3A_909 = arith.minimumf %min3A_845, %get3A_908 : vector<16xf32>
      %add3A_910 = arith.constant 256 : i32
      %add3A_911 = arith.addi %add3A_910, %mul3A_830 : i32
      %add3A_912 = arith.constant 1 : i32
      %add3A_913 = arith.addi %add3A_911, %add3A_912 : i32
      %get3A_914 = arith.index_cast %add3A_913 : i32 to index
      %get3A_915 = arith.constant 0 : index
      %get3A_916 = tpu.vector_load %arg4[%get3A_914, %get3A_915] {strides = array<i32>} : memref<1024x16xf32, #tpu.memory_space<vmem>>, vector<16xf32>,
      %min3A_917 = arith.minimumf %min3A_853, %get3A_916 : vector<16xf32>
      %add3A_918 = arith.constant 384 : i32
      %add3A_919 = arith.addi %add3A_918, %mul3A_830 : i32
      %add3A_920 = arith.constant 1 : i32
      %add3A_921 = arith.addi %add3A_919, %add3A_920 : i32
      %get3A_922 = arith.index_cast %add3A_921 : i32 to index
      %get3A_923 = arith.constant 0 : index
      %get3A_924 = tpu.vector_load %arg4[%get3A_922, %get3A_923] {strides = array<i32>} : memref<1024x16xf32, #tpu.memory_space<vmem>>, vector<16xf32>,
      %min3A_925 = arith.minimumf %min3A_861, %get3A_924 : vector<16xf32>
      %add3A_926 = arith.constant 512 : i32
      %add3A_927 = arith.addi %add3A_926, %mul3A_830 : i32
      %add3A_928 = arith.constant 1 : i32
      %add3A_929 = arith.addi %add3A_927, %add3A_928 : i32
      %get3A_930 = arith.index_cast %add3A_929 : i32 to index
      %get3A_931 = arith.constant 0 : index
      %get3A_932 = tpu.vector_load %arg4[%get3A_930, %get3A_931] {strides = array<i32>} : memref<1024x16xf32, #tpu.memory_space<vmem>>, vector<16xf32>,
      %min3A_933 = arith.minimumf %min3A_869, %get3A_932 : vector<16xf32>
      %add3A_934 = arith.constant 640 : i32
      %add3A_935 = arith.addi %add3A_934, %mul3A_830 : i32
      %add3A_936 = arith.constant 1 : i32
      %add3A_937 = arith.addi %add3A_935, %add3A_936 : i32
      %get3A_938 = arith.index_cast %add3A_937 : i32 to index
      %get3A_939 = arith.constant 0 : index
      %get3A_940 = tpu.vector_load %arg4[%get3A_938, %get3A_939] {strides = array<i32>} : memref<1024x16xf32, #tpu.memory_space<vmem>>, vector<16xf32>,
      %min3A_941 = arith.minimumf %min3A_877, %get3A_940 : vector<16xf32>
      %add3A_942 = arith.constant 768 : i32
      %add3A_943 = arith.addi %add3A_942, %mul3A_830 : i32
      %add3A_944 = arith.constant 1 : i32
      %add3A_945 = arith.addi %add3A_943, %add3A_944 : i32
      %get3A_946 = arith.index_cast %add3A_945 : i32 to index
      %get3A_947 = arith.constant 0 : index
      %get3A_948 = tpu.vector_load %arg4[%get3A_946, %get3A_947] {strides = array<i32>} : memref<1024x16xf32, #tpu.memory_space<vmem>>, vector<16xf32>,
      %min3A_949 = arith.minimumf %min3A_885, %get3A_948 : vector<16xf32>
      %add3A_950 = arith.constant 896 : i32
      %add3A_951 = arith.addi %add3A_950, %mul3A_830 : i32
      %add3A_952 = arith.constant 1 : i32
      %add3A_953 = arith.addi %add3A_951, %add3A_952 : i32
      %get3A_954 = arith.index_cast %add3A_953 : i32 to index
      %get3A_955 = arith.constant 0 : index
      %get3A_956 = tpu.vector_load %arg4[%get3A_954, %get3A_955] {strides = array<i32>} : memref<1024x16xf32, #tpu.memory_space<vmem>>, vector<16xf32>,
      %min3A_957 = arith.minimumf %min3A_893, %get3A_956 : vector<16xf32>
      %add3A_958 = arith.constant 0 : i32
      %add3A_959 = arith.addi %add3A_958, %mul3A_830 : i32
      %add3A_960 = arith.constant 2 : i32
      %add3A_961 = arith.addi %add3A_959, %add3A_960 : i32
      %get3A_962 = arith.index_cast %add3A_961 : i32 to index
      %get3A_963 = arith.constant 0 : index
      %get3A_964 = tpu.vector_load %arg4[%get3A_962, %get3A_963] {strides = array<i32>} : memref<1024x16xf32, #tpu.memory_space<vmem>>, vector<16xf32>,
      %min3A_965 = arith.minimumf %min3A_901, %get3A_964 : vector<16xf32>
      %add3A_966 = arith.constant 128 : i32
      %add3A_967 = arith.addi %add3A_966, %mul3A_830 : i32
      %add3A_968 = arith.constant 2 : i32
      %add3A_969 = arith.addi %add3A_967, %add3A_968 : i32
      %get3A_970 = arith.index_cast %add3A_969 : i32 to index
      %get3A_971 = arith.constant 0 : index
      %get3A_972 = tpu.vector_load %arg4[%get3A_970, %get3A_971] {strides = array<i32>} : memref<1024x16xf32, #tpu.memory_space<vmem>>, vector<16xf32>,
      %min3A_973 = arith.minimumf %min3A_909, %get3A_972 : vector<16xf32>
      %add3A_974 = arith.constant 256 : i32
      %add3A_975 = arith.addi %add3A_974, %mul3A_830 : i32
      %add3A_976 = arith.constant 2 : i32
      %add3A_977 = arith.addi %add3A_975, %add3A_976 : i32
      %get3A_978 = arith.index_cast %add3A_977 : i32 to index
      %get3A_979 = arith.constant 0 : index
      %get3A_980 = tpu.vector_load %arg4[%get3A_978, %get3A_979] {strides = array<i32>} : memref<1024x16xf32, #tpu.memory_space<vmem>>, vector<16xf32>,
      %min3A_981 = arith.minimumf %min3A_917, %get3A_980 : vector<16xf32>
      %add3A_982 = arith.constant 384 : i32
      %add3A_983 = arith.addi %add3A_982, %mul3A_830 : i32
      %add3A_984 = arith.constant 2 : i32
      %add3A_985 = arith.addi %add3A_983, %add3A_984 : i32
      %get3A_986 = arith.index_cast %add3A_985 : i32 to index
      %get3A_987 = arith.constant 0 : index
      %get3A_988 = tpu.vector_load %arg4[%get3A_986, %get3A_987] {strides = array<i32>} : memref<1024x16xf32, #tpu.memory_space<vmem>>, vector<16xf32>,
      %min3A_989 = arith.minimumf %min3A_925, %get3A_988 : vector<16xf32>
      %add3A_990 = arith.constant 512 : i32
      %add3A_991 = arith.addi %add3A_990, %mul3A_830 : i32
      %add3A_992 = arith.constant 2 : i32
      %add3A_993 = arith.addi %add3A_991, %add3A_992 : i32
      %get3A_994 = arith.index_cast %add3A_993 : i32 to index
      %get3A_995 = arith.constant 0 : index
      %get3A_996 = tpu.vector_load %arg4[%get3A_994, %get3A_995] {strides = array<i32>} : memref<1024x16xf32, #tpu.memory_space<vmem>>, vector<16xf32>,
      %min3A_997 = arith.minimumf %min3A_933, %get3A_996 : vector<16xf32>
      %add3A_998 = arith.constant 640 : i32
      %add3A_999 = arith.addi %add3A_998, %mul3A_830 : i32
      %add3A_1000 = arith.constant 2 : i32
      %add3A_1001 = arith.addi %add3A_999, %add3A_1000 : i32
      %get3A_1002 = arith.index_cast %add3A_1001 : i32 to index
      %get3A_1003 = arith.constant 0 : index
      %get3A_1004 = tpu.vector_load %arg4[%get3A_1002, %get3A_1003] {strides = array<i32>} : memref<1024x16xf32, #tpu.memory_space<vmem>>, vector<16xf32>,
      %min3A_1005 = arith.minimumf %min3A_941, %get3A_1004 : vector<16xf32>
      %add3A_1006 = arith.constant 768 : i32
      %add3A_1007 = arith.addi %add3A_1006, %mul3A_830 : i32
      %add3A_1008 = arith.constant 2 : i32
      %add3A_1009 = arith.addi %add3A_1007, %add3A_1008 : i32
      %get3A_1010 = arith.index_cast %add3A_1009 : i32 to index
      %get3A_1011 = arith.constant 0 : index
      %get3A_1012 = tpu.vector_load %arg4[%get3A_1010, %get3A_1011] {strides = array<i32>} : memref<1024x16xf32, #tpu.memory_space<vmem>>, vector<16xf32>,
      %min3A_1013 = arith.minimumf %min3A_949, %get3A_1012 : vector<16xf32>
      %add3A_1014 = arith.constant 896 : i32
      %add3A_1015 = arith.addi %add3A_1014, %mul3A_830 : i32
      %add3A_1016 = arith.constant 2 : i32
      %add3A_1017 = arith.addi %add3A_1015, %add3A_1016 : i32
      %get3A_1018 = arith.index_cast %add3A_1017 : i32 to index
      %get3A_1019 = arith.constant 0 : index
      %get3A_1020 = tpu.vector_load %arg4[%get3A_1018, %get3A_1019] {strides = array<i32>} : memref<1024x16xf32, #tpu.memory_space<vmem>>, vector<16xf32>,
      %min3A_1021 = arith.minimumf %min3A_957, %get3A_1020 : vector<16xf32>
      %add3A_1022 = arith.constant 0 : i32
      %add3A_1023 = arith.addi %add3A_1022, %mul3A_830 : i32
      %add3A_1024 = arith.constant 3 : i32
      %add3A_1025 = arith.addi %add3A_1023, %add3A_1024 : i32
      %get3A_1026 = arith.index_cast %add3A_1025 : i32 to index
      %get3A_1027 = arith.constant 0 : index
      %get3A_1028 = tpu.vector_load %arg4[%get3A_1026, %get3A_1027] {strides = array<i32>} : memref<1024x16xf32, #tpu.memory_space<vmem>>, vector<16xf32>,
      %min3A_1029 = arith.minimumf %min3A_965, %get3A_1028 : vector<16xf32>
      %add3A_1030 = arith.constant 128 : i32
      %add3A_1031 = arith.addi %add3A_1030, %mul3A_830 : i32
      %add3A_1032 = arith.constant 3 : i32
      %add3A_1033 = arith.addi %add3A_1031, %add3A_1032 : i32
      %get3A_1034 = arith.index_cast %add3A_1033 : i32 to index
      %get3A_1035 = arith.constant 0 : index
      %get3A_1036 = tpu.vector_load %arg4[%get3A_1034, %get3A_1035] {strides = array<i32>} : memref<1024x16xf32, #tpu.memory_space<vmem>>, vector<16xf32>,
      %min3A_1037 = arith.minimumf %min3A_973, %get3A_1036 : vector<16xf32>
      %add3A_1038 = arith.constant 256 : i32
      %add3A_1039 = arith.addi %add3A_1038, %mul3A_830 : i32
      %add3A_1040 = arith.constant 3 : i32
      %add3A_1041 = arith.addi %add3A_1039, %add3A_1040 : i32
      %get3A_1042 = arith.index_cast %add3A_1041 : i32 to index
      %get3A_1043 = arith.constant 0 : index
      %get3A_1044 = tpu.vector_load %arg4[%get3A_1042, %get3A_1043] {strides = array<i32>} : memref<1024x16xf32, #tpu.memory_space<vmem>>, vector<16xf32>,
      %min3A_1045 = arith.minimumf %min3A_981, %get3A_1044 : vector<16xf32>
      %add3A_1046 = arith.constant 384 : i32
      %add3A_1047 = arith.addi %add3A_1046, %mul3A_830 : i32
      %add3A_1048 = arith.constant 3 : i32
      %add3A_1049 = arith.addi %add3A_1047, %add3A_1048 : i32
      %get3A_1050 = arith.index_cast %add3A_1049 : i32 to index
      %get3A_1051 = arith.constant 0 : index
      %get3A_1052 = tpu.vector_load %arg4[%get3A_1050, %get3A_1051] {strides = array<i32>} : memref<1024x16xf32, #tpu.memory_space<vmem>>, vector<16xf32>,
      %min3A_1053 = arith.minimumf %min3A_989, %get3A_1052 : vector<16xf32>
      %add3A_1054 = arith.constant 512 : i32
      %add3A_1055 = arith.addi %add3A_1054, %mul3A_830 : i32
      %add3A_1056 = arith.constant 3 : i32
      %add3A_1057 = arith.addi %add3A_1055, %add3A_1056 : i32
      %get3A_1058 = arith.index_cast %add3A_1057 : i32 to index
      %get3A_1059 = arith.constant 0 : index
      %get3A_1060 = tpu.vector_load %arg4[%get3A_1058, %get3A_1059] {strides = array<i32>} : memref<1024x16xf32, #tpu.memory_space<vmem>>, vector<16xf32>,
      %min3A_1061 = arith.minimumf %min3A_997, %get3A_1060 : vector<16xf32>
      %add3A_1062 = arith.constant 640 : i32
      %add3A_1063 = arith.addi %add3A_1062, %mul3A_830 : i32
      %add3A_1064 = arith.constant 3 : i32
      %add3A_1065 = arith.addi %add3A_1063, %add3A_1064 : i32
      %get3A_1066 = arith.index_cast %add3A_1065 : i32 to index
      %get3A_1067 = arith.constant 0 : index
      %get3A_1068 = tpu.vector_load %arg4[%get3A_1066, %get3A_1067] {strides = array<i32>} : memref<1024x16xf32, #tpu.memory_space<vmem>>, vector<16xf32>,
      %min3A_1069 = arith.minimumf %min3A_1005, %get3A_1068 : vector<16xf32>
      %add3A_1070 = arith.constant 768 : i32
      %add3A_1071 = arith.addi %add3A_1070, %mul3A_830 : i32
      %add3A_1072 = arith.constant 3 : i32
      %add3A_1073 = arith.addi %add3A_1071, %add3A_1072 : i32
      %get3A_1074 = arith.index_cast %add3A_1073 : i32 to index
      %get3A_1075 = arith.constant 0 : index
      %get3A_1076 = tpu.vector_load %arg4[%get3A_1074, %get3A_1075] {strides = array<i32>} : memref<1024x16xf32, #tpu.memory_space<vmem>>, vector<16xf32>,
      %min3A_1077 = arith.minimumf %min3A_1013, %get3A_1076 : vector<16xf32>
      %add3A_1078 = arith.constant 896 : i32
      %add3A_1079 = arith.addi %add3A_1078, %mul3A_830 : i32
      %add3A_1080 = arith.constant 3 : i32
      %add3A_1081 = arith.addi %add3A_1079, %add3A_1080 : i32
      %get3A_1082 = arith.index_cast %add3A_1081 : i32 to index
      %get3A_1083 = arith.constant 0 : index
      %get3A_1084 = tpu.vector_load %arg4[%get3A_1082, %get3A_1083] {strides = array<i32>} : memref<1024x16xf32, #tpu.memory_space<vmem>>, vector<16xf32>,
      %min3A_1085 = arith.minimumf %min3A_1021, %get3A_1084 : vector<16xf32>
      scf.yield %min3A_1029, %min3A_1037, %min3A_1045, %min3A_1053, %min3A_1061, %min3A_1069, %min3A_1077, %min3A_1085 : vector<16xf32>, vector<16xf32>, vector<16xf32>, vector<16xf32>, vector<16xf32>, vector<16xf32>, vector<16xf32>, vector<16xf32>
    }
    %scan3A_22 = arith.constant 32 : i32
    %min3A = arith.minimumf %scan3A_21#0, %scan3A_21#1 : vector<16xf32>
    %min3A_23 = arith.minimumf %min3A, %scan3A_21#2 : vector<16xf32>
    %min3A_24 = arith.minimumf %min3A_23, %scan3A_21#3 : vector<16xf32>
    %min3A_25 = arith.minimumf %min3A_24, %scan3A_21#4 : vector<16xf32>
    %min3A_26 = arith.minimumf %min3A_25, %scan3A_21#5 : vector<16xf32>
    %min3A_27 = arith.minimumf %min3A_26, %scan3A_21#6 : vector<16xf32>
    %min3A_28 = arith.minimumf %min3A_27, %scan3A_21#7 : vector<16xf32>
    %broadcast_in_dim3A_29 = arith.constant 7 : i32
    %broadcast_in_dim3A_30 = vector.broadcast %broadcast_in_dim3A_29 : i32 to vector<16xi32>
    %eq3A = arith.cmpf oeq, %scan3A_21#6, %min3A_28 : vector<16xf32>
    %jit3A = arith.constant 6 : i32
    %broadcast_in_dim3A_31 = vector.broadcast %jit3A : i32 to vector<16xi32>
    %select_n3A = arith.select %eq3A, %broadcast_in_dim3A_31, %broadcast_in_dim3A_30 : vector<16xi1>, vector<16xi32>
    %eq3A_32 = arith.cmpf oeq, %scan3A_21#5, %min3A_28 : vector<16xf32>
    %jit3A_33 = arith.constant 5 : i32
    %broadcast_in_dim3A_34 = vector.broadcast %jit3A_33 : i32 to vector<16xi32>
    %select_n3A_35 = arith.select %eq3A_32, %broadcast_in_dim3A_34, %select_n3A : vector<16xi1>, vector<16xi32>
    %eq3A_36 = arith.cmpf oeq, %scan3A_21#4, %min3A_28 : vector<16xf32>
    %jit3A_37 = arith.constant 4 : i32
    %broadcast_in_dim3A_38 = vector.broadcast %jit3A_37 : i32 to vector<16xi32>
    %select_n3A_39 = arith.select %eq3A_36, %broadcast_in_dim3A_38, %select_n3A_35 : vector<16xi1>, vector<16xi32>
    %eq3A_40 = arith.cmpf oeq, %scan3A_21#3, %min3A_28 : vector<16xf32>
    %jit3A_41 = arith.constant 3 : i32
    %broadcast_in_dim3A_42 = vector.broadcast %jit3A_41 : i32 to vector<16xi32>
    %select_n3A_43 = arith.select %eq3A_40, %broadcast_in_dim3A_42, %select_n3A_39 : vector<16xi1>, vector<16xi32>
    %eq3A_44 = arith.cmpf oeq, %scan3A_21#2, %min3A_28 : vector<16xf32>
    %jit3A_45 = arith.constant 2 : i32
    %broadcast_in_dim3A_46 = vector.broadcast %jit3A_45 : i32 to vector<16xi32>
    %select_n3A_47 = arith.select %eq3A_44, %broadcast_in_dim3A_46, %select_n3A_43 : vector<16xi1>, vector<16xi32>
    %eq3A_48 = arith.cmpf oeq, %scan3A_21#1, %min3A_28 : vector<16xf32>
    %jit3A_49 = arith.constant 1 : i32
    %broadcast_in_dim3A_50 = vector.broadcast %jit3A_49 : i32 to vector<16xi32>
    %select_n3A_51 = arith.select %eq3A_48, %broadcast_in_dim3A_50, %select_n3A_47 : vector<16xi1>, vector<16xi32>
    %eq3A_52 = arith.cmpf oeq, %scan3A_21#0, %min3A_28 : vector<16xf32>
    %jit3A_53 = arith.constant 0 : i32
    %broadcast_in_dim3A_54 = vector.broadcast %jit3A_53 : i32 to vector<16xi32>
    %select_n3A_55 = arith.select %eq3A_52, %broadcast_in_dim3A_54, %select_n3A_51 : vector<16xi1>, vector<16xi32>
    %mul3A_56 = arith.constant 128 : i32
    %mul3A_57 = vector.broadcast %mul3A_56 : i32 to vector<16xi32>
    %mul3A_58 = arith.muli %select_n3A_55, %mul3A_57 : vector<16xi32>
    %scan3A_59 = arith.constant 0 : i32
    %scan3A_60 = arith.constant 32 : i32
    %scan3A_61 = arith.addi %scan3A_59, %scan3A_60 : i32
    %scan3A_62 = arith.constant 1 : i32
    %scan3A_63:12 = scf.for %scan3A_820 = %scan3A_59 to %scan3A_61 step %scan3A_62 iter_args(%scan3A_821 = %broadcast_in_dim3A_15, %scan3A_822 = %broadcast_in_dim3A_17, %scan3A_823 = %broadcast_in_dim3A_15, %scan3A_824 = %broadcast_in_dim3A_15, %scan3A_825 = %broadcast_in_dim3A_17, %scan3A_826 = %broadcast_in_dim3A_15, %scan3A_827 = %broadcast_in_dim3A_15, %scan3A_828 = %broadcast_in_dim3A_17, %scan3A_829 = %broadcast_in_dim3A_15, %scan3A_830 = %broadcast_in_dim3A_15, %scan3A_831 = %broadcast_in_dim3A_17, %scan3A_832 = %broadcast_in_dim3A_15) -> (vector<16xf32>, vector<16xi32>, vector<16xf32>, vector<16xf32>, vector<16xi32>, vector<16xf32>, vector<16xf32>, vector<16xi32>, vector<16xf32>, vector<16xf32>, vector<16xi32>, vector<16xf32>)  : i32 {
      %add3A_833 = arith.constant 0 : i32
      %add3A_834 = arith.addi %add3A_833, %scan3A_820 : i32
      %add3A_835 = vector.broadcast %add3A_834 : i32 to vector<16xi32>
      %add3A_836 = arith.addi %mul3A_58, %add3A_835 : vector<16xi32>
      %gather3A = tpu.vector_load_idx %arg4[%add3A_836, %iota3A] : memref<1024x16xf32, #tpu.memory_space<vmem>>[vector<16xi32>, vector<16xi32>], vector<16xf32>,
      %lt3A_837 = arith.cmpf olt, %gather3A, %scan3A_821 : vector<16xf32>
      %lt3A_838 = arith.cmpf olt, %gather3A, %scan3A_823 : vector<16xf32>
      %select_n3A_839 = arith.select %lt3A_838, %gather3A, %scan3A_823 : vector<16xi1>, vector<16xf32>
      %select_n3A_840 = arith.select %lt3A_837, %scan3A_821, %select_n3A_839 : vector<16xi1>, vector<16xf32>
      %select_n3A_841 = arith.select %lt3A_837, %gather3A, %scan3A_821 : vector<16xi1>, vector<16xf32>
      %select_n3A_842 = arith.select %lt3A_837, %add3A_836, %scan3A_822 : vector<16xi1>, vector<16xi32>
      %add3A_843 = arith.constant 32 : i32
      %add3A_844 = arith.addi %add3A_843, %scan3A_820 : i32
      %add3A_845 = vector.broadcast %add3A_844 : i32 to vector<16xi32>
      %add3A_846 = arith.addi %mul3A_58, %add3A_845 : vector<16xi32>
      %gather3A_847 = tpu.vector_load_idx %arg4[%add3A_846, %iota3A] : memref<1024x16xf32, #tpu.memory_space<vmem>>[vector<16xi32>, vector<16xi32>], vector<16xf32>,
      %lt3A_848 = arith.cmpf olt, %gather3A_847, %scan3A_824 : vector<16xf32>
      %lt3A_849 = arith.cmpf olt, %gather3A_847, %scan3A_826 : vector<16xf32>
      %select_n3A_850 = arith.select %lt3A_849, %gather3A_847, %scan3A_826 : vector<16xi1>, vector<16xf32>
      %select_n3A_851 = arith.select %lt3A_848, %scan3A_824, %select_n3A_850 : vector<16xi1>, vector<16xf32>
      %select_n3A_852 = arith.select %lt3A_848, %gather3A_847, %scan3A_824 : vector<16xi1>, vector<16xf32>
      %select_n3A_853 = arith.select %lt3A_848, %add3A_846, %scan3A_825 : vector<16xi1>, vector<16xi32>
      %add3A_854 = arith.constant 64 : i32
      %add3A_855 = arith.addi %add3A_854, %scan3A_820 : i32
      %add3A_856 = vector.broadcast %add3A_855 : i32 to vector<16xi32>
      %add3A_857 = arith.addi %mul3A_58, %add3A_856 : vector<16xi32>
      %gather3A_858 = tpu.vector_load_idx %arg4[%add3A_857, %iota3A] : memref<1024x16xf32, #tpu.memory_space<vmem>>[vector<16xi32>, vector<16xi32>], vector<16xf32>,
      %lt3A_859 = arith.cmpf olt, %gather3A_858, %scan3A_827 : vector<16xf32>
      %lt3A_860 = arith.cmpf olt, %gather3A_858, %scan3A_829 : vector<16xf32>
      %select_n3A_861 = arith.select %lt3A_860, %gather3A_858, %scan3A_829 : vector<16xi1>, vector<16xf32>
      %select_n3A_862 = arith.select %lt3A_859, %scan3A_827, %select_n3A_861 : vector<16xi1>, vector<16xf32>
      %select_n3A_863 = arith.select %lt3A_859, %gather3A_858, %scan3A_827 : vector<16xi1>, vector<16xf32>
      %select_n3A_864 = arith.select %lt3A_859, %add3A_857, %scan3A_828 : vector<16xi1>, vector<16xi32>
      %add3A_865 = arith.constant 96 : i32
      %add3A_866 = arith.addi %add3A_865, %scan3A_820 : i32
      %add3A_867 = vector.broadcast %add3A_866 : i32 to vector<16xi32>
      %add3A_868 = arith.addi %mul3A_58, %add3A_867 : vector<16xi32>
      %gather3A_869 = tpu.vector_load_idx %arg4[%add3A_868, %iota3A] : memref<1024x16xf32, #tpu.memory_space<vmem>>[vector<16xi32>, vector<16xi32>], vector<16xf32>,
      %lt3A_870 = arith.cmpf olt, %gather3A_869, %scan3A_830 : vector<16xf32>
      %lt3A_871 = arith.cmpf olt, %gather3A_869, %scan3A_832 : vector<16xf32>
      %select_n3A_872 = arith.select %lt3A_871, %gather3A_869, %scan3A_832 : vector<16xi1>, vector<16xf32>
      %select_n3A_873 = arith.select %lt3A_870, %scan3A_830, %select_n3A_872 : vector<16xi1>, vector<16xf32>
      %select_n3A_874 = arith.select %lt3A_870, %gather3A_869, %scan3A_830 : vector<16xi1>, vector<16xf32>
      %select_n3A_875 = arith.select %lt3A_870, %add3A_868, %scan3A_831 : vector<16xi1>, vector<16xi32>
      scf.yield %select_n3A_841, %select_n3A_842, %select_n3A_840, %select_n3A_852, %select_n3A_853, %select_n3A_851, %select_n3A_863, %select_n3A_864, %select_n3A_862, %select_n3A_874, %select_n3A_875, %select_n3A_873 : vector<16xf32>, vector<16xi32>, vector<16xf32>, vector<16xf32>, vector<16xi32>, vector<16xf32>, vector<16xf32>, vector<16xi32>, vector<16xf32>, vector<16xf32>, vector<16xi32>, vector<16xf32>
    }
    %scan3A_64 = arith.constant 32 : i32
    %lt3A = arith.cmpf olt, %scan3A_63#3, %scan3A_63#0 : vector<16xf32>
    %select_n3A_65 = arith.select %lt3A, %scan3A_63#3, %scan3A_63#0 : vector<16xi1>, vector<16xf32>
    %select_n3A_66 = arith.select %lt3A, %scan3A_63#4, %scan3A_63#1 : vector<16xi1>, vector<16xi32>
    %select_n3A_67 = arith.select %lt3A, %scan3A_63#0, %scan3A_63#3 : vector<16xi1>, vector<16xf32>
    %min3A_68 = arith.minimumf %scan3A_63#2, %scan3A_63#5 : vector<16xf32>
    %min3A_69 = arith.minimumf %min3A_68, %select_n3A_67 : vector<16xf32>
    %lt3A_70 = arith.cmpf olt, %scan3A_63#9, %scan3A_63#6 : vector<16xf32>
    %select_n3A_71 = arith.select %lt3A_70, %scan3A_63#9, %scan3A_63#6 : vector<16xi1>, vector<16xf32>
    %select_n3A_72 = arith.select %lt3A_70, %scan3A_63#10, %scan3A_63#7 : vector<16xi1>, vector<16xi32>
    %select_n3A_73 = arith.select %lt3A_70, %scan3A_63#6, %scan3A_63#9 : vector<16xi1>, vector<16xf32>
    %min3A_74 = arith.minimumf %scan3A_63#8, %scan3A_63#11 : vector<16xf32>
    %min3A_75 = arith.minimumf %min3A_74, %select_n3A_73 : vector<16xf32>
    %lt3A_76 = arith.cmpf olt, %select_n3A_71, %select_n3A_65 : vector<16xf32>
    %select_n3A_77 = arith.select %lt3A_76, %select_n3A_71, %select_n3A_65 : vector<16xi1>, vector<16xf32>
    %select_n3A_78 = arith.select %lt3A_76, %select_n3A_72, %select_n3A_66 : vector<16xi1>, vector<16xi32>
    %select_n3A_79 = arith.select %lt3A_76, %select_n3A_65, %select_n3A_71 : vector<16xi1>, vector<16xf32>
    %min3A_80 = arith.minimumf %min3A_69, %min3A_75 : vector<16xf32>
    %min3A_81 = arith.minimumf %min3A_80, %select_n3A_79 : vector<16xf32>
    %eq3A_82 = arith.constant 0 : i32
    %eq3A_83 = vector.broadcast %eq3A_82 : i32 to vector<16xi32>
    %eq3A_84 = arith.cmpi eq, %select_n3A_55, %eq3A_83 : vector<16xi32>
    %select_n3A_85 = arith.select %eq3A_84, %min3A_81, %scan3A_21#0 : vector<16xi1>, vector<16xf32>
    %eq3A_86 = arith.constant 1 : i32
    %eq3A_87 = vector.broadcast %eq3A_86 : i32 to vector<16xi32>
    %eq3A_88 = arith.cmpi eq, %select_n3A_55, %eq3A_87 : vector<16xi32>
    %select_n3A_89 = arith.select %eq3A_88, %min3A_81, %scan3A_21#1 : vector<16xi1>, vector<16xf32>
    %eq3A_90 = arith.constant 2 : i32
    %eq3A_91 = vector.broadcast %eq3A_90 : i32 to vector<16xi32>
    %eq3A_92 = arith.cmpi eq, %select_n3A_55, %eq3A_91 : vector<16xi32>
    %select_n3A_93 = arith.select %eq3A_92, %min3A_81, %scan3A_21#2 : vector<16xi1>, vector<16xf32>
    %eq3A_94 = arith.constant 3 : i32
    %eq3A_95 = vector.broadcast %eq3A_94 : i32 to vector<16xi32>
    %eq3A_96 = arith.cmpi eq, %select_n3A_55, %eq3A_95 : vector<16xi32>
    %select_n3A_97 = arith.select %eq3A_96, %min3A_81, %scan3A_21#3 : vector<16xi1>, vector<16xf32>
    %eq3A_98 = arith.constant 4 : i32
    %eq3A_99 = vector.broadcast %eq3A_98 : i32 to vector<16xi32>
    %eq3A_100 = arith.cmpi eq, %select_n3A_55, %eq3A_99 : vector<16xi32>
    %select_n3A_101 = arith.select %eq3A_100, %min3A_81, %scan3A_21#4 : vector<16xi1>, vector<16xf32>
    %eq3A_102 = arith.constant 5 : i32
    %eq3A_103 = vector.broadcast %eq3A_102 : i32 to vector<16xi32>
    %eq3A_104 = arith.cmpi eq, %select_n3A_55, %eq3A_103 : vector<16xi32>
    %select_n3A_105 = arith.select %eq3A_104, %min3A_81, %scan3A_21#5 : vector<16xi1>, vector<16xf32>
    %eq3A_106 = arith.constant 6 : i32
    %eq3A_107 = vector.broadcast %eq3A_106 : i32 to vector<16xi32>
    %eq3A_108 = arith.cmpi eq, %select_n3A_55, %eq3A_107 : vector<16xi32>
    %select_n3A_109 = arith.select %eq3A_108, %min3A_81, %scan3A_21#6 : vector<16xi1>, vector<16xf32>
    %eq3A_110 = arith.constant 7 : i32
    %eq3A_111 = vector.broadcast %eq3A_110 : i32 to vector<16xi32>
    %eq3A_112 = arith.cmpi eq, %select_n3A_55, %eq3A_111 : vector<16xi32>
    %select_n3A_113 = arith.select %eq3A_112, %min3A_81, %scan3A_21#7 : vector<16xi1>, vector<16xf32>
    %min3A_114 = arith.minimumf %select_n3A_85, %select_n3A_89 : vector<16xf32>
    %min3A_115 = arith.minimumf %min3A_114, %select_n3A_93 : vector<16xf32>
    %min3A_116 = arith.minimumf %min3A_115, %select_n3A_97 : vector<16xf32>
    %min3A_117 = arith.minimumf %min3A_116, %select_n3A_101 : vector<16xf32>
    %min3A_118 = arith.minimumf %min3A_117, %select_n3A_105 : vector<16xf32>
    %min3A_119 = arith.minimumf %min3A_118, %select_n3A_109 : vector<16xf32>
    %min3A_120 = arith.minimumf %min3A_119, %select_n3A_113 : vector<16xf32>
    %broadcast_in_dim3A_121 = arith.constant 7 : i32
    %broadcast_in_dim3A_122 = vector.broadcast %broadcast_in_dim3A_121 : i32 to vector<16xi32>
    %eq3A_123 = arith.cmpf oeq, %select_n3A_109, %min3A_120 : vector<16xf32>
    %jit3A_124 = arith.constant 6 : i32
    %broadcast_in_dim3A_125 = vector.broadcast %jit3A_124 : i32 to vector<16xi32>
    %select_n3A_126 = arith.select %eq3A_123, %broadcast_in_dim3A_125, %broadcast_in_dim3A_122 : vector<16xi1>, vector<16xi32>
    %eq3A_127 = arith.cmpf oeq, %select_n3A_105, %min3A_120 : vector<16xf32>
    %jit3A_128 = arith.constant 5 : i32
    %broadcast_in_dim3A_129 = vector.broadcast %jit3A_128 : i32 to vector<16xi32>
    %select_n3A_130 = arith.select %eq3A_127, %broadcast_in_dim3A_129, %select_n3A_126 : vector<16xi1>, vector<16xi32>
    %eq3A_131 = arith.cmpf oeq, %select_n3A_101, %min3A_120 : vector<16xf32>
    %jit3A_132 = arith.constant 4 : i32
    %broadcast_in_dim3A_133 = vector.broadcast %jit3A_132 : i32 to vector<16xi32>
    %select_n3A_134 = arith.select %eq3A_131, %broadcast_in_dim3A_133, %select_n3A_130 : vector<16xi1>, vector<16xi32>
    %eq3A_135 = arith.cmpf oeq, %select_n3A_97, %min3A_120 : vector<16xf32>
    %jit3A_136 = arith.constant 3 : i32
    %broadcast_in_dim3A_137 = vector.broadcast %jit3A_136 : i32 to vector<16xi32>
    %select_n3A_138 = arith.select %eq3A_135, %broadcast_in_dim3A_137, %select_n3A_134 : vector<16xi1>, vector<16xi32>
    %eq3A_139 = arith.cmpf oeq, %select_n3A_93, %min3A_120 : vector<16xf32>
    %jit3A_140 = arith.constant 2 : i32
    %broadcast_in_dim3A_141 = vector.broadcast %jit3A_140 : i32 to vector<16xi32>
    %select_n3A_142 = arith.select %eq3A_139, %broadcast_in_dim3A_141, %select_n3A_138 : vector<16xi1>, vector<16xi32>
    %eq3A_143 = arith.cmpf oeq, %select_n3A_89, %min3A_120 : vector<16xf32>
    %jit3A_144 = arith.constant 1 : i32
    %broadcast_in_dim3A_145 = vector.broadcast %jit3A_144 : i32 to vector<16xi32>
    %select_n3A_146 = arith.select %eq3A_143, %broadcast_in_dim3A_145, %select_n3A_142 : vector<16xi1>, vector<16xi32>
    %eq3A_147 = arith.cmpf oeq, %select_n3A_85, %min3A_120 : vector<16xf32>
    %jit3A_148 = arith.constant 0 : i32
    %broadcast_in_dim3A_149 = vector.broadcast %jit3A_148 : i32 to vector<16xi32>
    %select_n3A_150 = arith.select %eq3A_147, %broadcast_in_dim3A_149, %select_n3A_146 : vector<16xi1>, vector<16xi32>
    %mul3A_151 = arith.constant 128 : i32
    %mul3A_152 = vector.broadcast %mul3A_151 : i32 to vector<16xi32>
    %mul3A_153 = arith.muli %select_n3A_150, %mul3A_152 : vector<16xi32>
    %scan3A_154 = arith.constant 0 : i32
    %scan3A_155 = arith.constant 32 : i32
    %scan3A_156 = arith.addi %scan3A_154, %scan3A_155 : i32
    %scan3A_157 = arith.constant 1 : i32
    %scan3A_158:12 = scf.for %scan3A_820 = %scan3A_154 to %scan3A_156 step %scan3A_157 iter_args(%scan3A_821 = %broadcast_in_dim3A_15, %scan3A_822 = %broadcast_in_dim3A_17, %scan3A_823 = %broadcast_in_dim3A_15, %scan3A_824 = %broadcast_in_dim3A_15, %scan3A_825 = %broadcast_in_dim3A_17, %scan3A_826 = %broadcast_in_dim3A_15, %scan3A_827 = %broadcast_in_dim3A_15, %scan3A_828 = %broadcast_in_dim3A_17, %scan3A_829 = %broadcast_in_dim3A_15, %scan3A_830 = %broadcast_in_dim3A_15, %scan3A_831 = %broadcast_in_dim3A_17, %scan3A_832 = %broadcast_in_dim3A_15) -> (vector<16xf32>, vector<16xi32>, vector<16xf32>, vector<16xf32>, vector<16xi32>, vector<16xf32>, vector<16xf32>, vector<16xi32>, vector<16xf32>, vector<16xf32>, vector<16xi32>, vector<16xf32>)  : i32 {
      %add3A_833 = arith.constant 0 : i32
      %add3A_834 = arith.addi %add3A_833, %scan3A_820 : i32
      %add3A_835 = vector.broadcast %add3A_834 : i32 to vector<16xi32>
      %add3A_836 = arith.addi %mul3A_153, %add3A_835 : vector<16xi32>
      %gather3A = tpu.vector_load_idx %arg4[%add3A_836, %iota3A] : memref<1024x16xf32, #tpu.memory_space<vmem>>[vector<16xi32>, vector<16xi32>], vector<16xf32>,
      %eq3A_837 = arith.cmpi eq, %add3A_836, %select_n3A_78 : vector<16xi32>
      %jit3A_838 = arith.constant 0x7F800000 : f32
      %broadcast_in_dim3A_839 = vector.broadcast %jit3A_838 : f32 to vector<16xf32>
      %select_n3A_840 = arith.select %eq3A_837, %broadcast_in_dim3A_839, %gather3A : vector<16xi1>, vector<16xf32>
      %lt3A_841 = arith.cmpf olt, %select_n3A_840, %scan3A_821 : vector<16xf32>
      %lt3A_842 = arith.cmpf olt, %select_n3A_840, %scan3A_823 : vector<16xf32>
      %select_n3A_843 = arith.select %lt3A_842, %select_n3A_840, %scan3A_823 : vector<16xi1>, vector<16xf32>
      %select_n3A_844 = arith.select %lt3A_841, %scan3A_821, %select_n3A_843 : vector<16xi1>, vector<16xf32>
      %select_n3A_845 = arith.select %lt3A_841, %select_n3A_840, %scan3A_821 : vector<16xi1>, vector<16xf32>
      %select_n3A_846 = arith.select %lt3A_841, %add3A_836, %scan3A_822 : vector<16xi1>, vector<16xi32>
      %add3A_847 = arith.constant 32 : i32
      %add3A_848 = arith.addi %add3A_847, %scan3A_820 : i32
      %add3A_849 = vector.broadcast %add3A_848 : i32 to vector<16xi32>
      %add3A_850 = arith.addi %mul3A_153, %add3A_849 : vector<16xi32>
      %gather3A_851 = tpu.vector_load_idx %arg4[%add3A_850, %iota3A] : memref<1024x16xf32, #tpu.memory_space<vmem>>[vector<16xi32>, vector<16xi32>], vector<16xf32>,
      %eq3A_852 = arith.cmpi eq, %add3A_850, %select_n3A_78 : vector<16xi32>
      %jit3A_853 = arith.constant 0x7F800000 : f32
      %broadcast_in_dim3A_854 = vector.broadcast %jit3A_853 : f32 to vector<16xf32>
      %select_n3A_855 = arith.select %eq3A_852, %broadcast_in_dim3A_854, %gather3A_851 : vector<16xi1>, vector<16xf32>
      %lt3A_856 = arith.cmpf olt, %select_n3A_855, %scan3A_824 : vector<16xf32>
      %lt3A_857 = arith.cmpf olt, %select_n3A_855, %scan3A_826 : vector<16xf32>
      %select_n3A_858 = arith.select %lt3A_857, %select_n3A_855, %scan3A_826 : vector<16xi1>, vector<16xf32>
      %select_n3A_859 = arith.select %lt3A_856, %scan3A_824, %select_n3A_858 : vector<16xi1>, vector<16xf32>
      %select_n3A_860 = arith.select %lt3A_856, %select_n3A_855, %scan3A_824 : vector<16xi1>, vector<16xf32>
      %select_n3A_861 = arith.select %lt3A_856, %add3A_850, %scan3A_825 : vector<16xi1>, vector<16xi32>
      %add3A_862 = arith.constant 64 : i32
      %add3A_863 = arith.addi %add3A_862, %scan3A_820 : i32
      %add3A_864 = vector.broadcast %add3A_863 : i32 to vector<16xi32>
      %add3A_865 = arith.addi %mul3A_153, %add3A_864 : vector<16xi32>
      %gather3A_866 = tpu.vector_load_idx %arg4[%add3A_865, %iota3A] : memref<1024x16xf32, #tpu.memory_space<vmem>>[vector<16xi32>, vector<16xi32>], vector<16xf32>,
      %eq3A_867 = arith.cmpi eq, %add3A_865, %select_n3A_78 : vector<16xi32>
      %jit3A_868 = arith.constant 0x7F800000 : f32
      %broadcast_in_dim3A_869 = vector.broadcast %jit3A_868 : f32 to vector<16xf32>
      %select_n3A_870 = arith.select %eq3A_867, %broadcast_in_dim3A_869, %gather3A_866 : vector<16xi1>, vector<16xf32>
      %lt3A_871 = arith.cmpf olt, %select_n3A_870, %scan3A_827 : vector<16xf32>
      %lt3A_872 = arith.cmpf olt, %select_n3A_870, %scan3A_829 : vector<16xf32>
      %select_n3A_873 = arith.select %lt3A_872, %select_n3A_870, %scan3A_829 : vector<16xi1>, vector<16xf32>
      %select_n3A_874 = arith.select %lt3A_871, %scan3A_827, %select_n3A_873 : vector<16xi1>, vector<16xf32>
      %select_n3A_875 = arith.select %lt3A_871, %select_n3A_870, %scan3A_827 : vector<16xi1>, vector<16xf32>
      %select_n3A_876 = arith.select %lt3A_871, %add3A_865, %scan3A_828 : vector<16xi1>, vector<16xi32>
      %add3A_877 = arith.constant 96 : i32
      %add3A_878 = arith.addi %add3A_877, %scan3A_820 : i32
      %add3A_879 = vector.broadcast %add3A_878 : i32 to vector<16xi32>
      %add3A_880 = arith.addi %mul3A_153, %add3A_879 : vector<16xi32>
      %gather3A_881 = tpu.vector_load_idx %arg4[%add3A_880, %iota3A] : memref<1024x16xf32, #tpu.memory_space<vmem>>[vector<16xi32>, vector<16xi32>], vector<16xf32>,
      %eq3A_882 = arith.cmpi eq, %add3A_880, %select_n3A_78 : vector<16xi32>
      %jit3A_883 = arith.constant 0x7F800000 : f32
      %broadcast_in_dim3A_884 = vector.broadcast %jit3A_883 : f32 to vector<16xf32>
      %select_n3A_885 = arith.select %eq3A_882, %broadcast_in_dim3A_884, %gather3A_881 : vector<16xi1>, vector<16xf32>
      %lt3A_886 = arith.cmpf olt, %select_n3A_885, %scan3A_830 : vector<16xf32>
      %lt3A_887 = arith.cmpf olt, %select_n3A_885, %scan3A_832 : vector<16xf32>
      %select_n3A_888 = arith.select %lt3A_887, %select_n3A_885, %scan3A_832 : vector<16xi1>, vector<16xf32>
      %select_n3A_889 = arith.select %lt3A_886, %scan3A_830, %select_n3A_888 : vector<16xi1>, vector<16xf32>
      %select_n3A_890 = arith.select %lt3A_886, %select_n3A_885, %scan3A_830 : vector<16xi1>, vector<16xf32>
      %select_n3A_891 = arith.select %lt3A_886, %add3A_880, %scan3A_831 : vector<16xi1>, vector<16xi32>
      scf.yield %select_n3A_845, %select_n3A_846, %select_n3A_844, %select_n3A_860, %select_n3A_861, %select_n3A_859, %select_n3A_875, %select_n3A_876, %select_n3A_874, %select_n3A_890, %select_n3A_891, %select_n3A_889 : vector<16xf32>, vector<16xi32>, vector<16xf32>, vector<16xf32>, vector<16xi32>, vector<16xf32>, vector<16xf32>, vector<16xi32>, vector<16xf32>, vector<16xf32>, vector<16xi32>, vector<16xf32>
    }
    %scan3A_159 = arith.constant 32 : i32
    %lt3A_160 = arith.cmpf olt, %scan3A_158#3, %scan3A_158#0 : vector<16xf32>
    %select_n3A_161 = arith.select %lt3A_160, %scan3A_158#3, %scan3A_158#0 : vector<16xi1>, vector<16xf32>
    %select_n3A_162 = arith.select %lt3A_160, %scan3A_158#4, %scan3A_158#1 : vector<16xi1>, vector<16xi32>
    %select_n3A_163 = arith.select %lt3A_160, %scan3A_158#0, %scan3A_158#3 : vector<16xi1>, vector<16xf32>
    %min3A_164 = arith.minimumf %scan3A_158#2, %scan3A_158#5 : vector<16xf32>
    %min3A_165 = arith.minimumf %min3A_164, %select_n3A_163 : vector<16xf32>
    %lt3A_166 = arith.cmpf olt, %scan3A_158#9, %scan3A_158#6 : vector<16xf32>
    %select_n3A_167 = arith.select %lt3A_166, %scan3A_158#9, %scan3A_158#6 : vector<16xi1>, vector<16xf32>
    %select_n3A_168 = arith.select %lt3A_166, %scan3A_158#10, %scan3A_158#7 : vector<16xi1>, vector<16xi32>
    %select_n3A_169 = arith.select %lt3A_166, %scan3A_158#6, %scan3A_158#9 : vector<16xi1>, vector<16xf32>
    %min3A_170 = arith.minimumf %scan3A_158#8, %scan3A_158#11 : vector<16xf32>
    %min3A_171 = arith.minimumf %min3A_170, %select_n3A_169 : vector<16xf32>
    %lt3A_172 = arith.cmpf olt, %select_n3A_167, %select_n3A_161 : vector<16xf32>
    %select_n3A_173 = arith.select %lt3A_172, %select_n3A_167, %select_n3A_161 : vector<16xi1>, vector<16xf32>
    %select_n3A_174 = arith.select %lt3A_172, %select_n3A_168, %select_n3A_162 : vector<16xi1>, vector<16xi32>
    %select_n3A_175 = arith.select %lt3A_172, %select_n3A_161, %select_n3A_167 : vector<16xi1>, vector<16xf32>
    %min3A_176 = arith.minimumf %min3A_165, %min3A_171 : vector<16xf32>
    %min3A_177 = arith.minimumf %min3A_176, %select_n3A_175 : vector<16xf32>
    %eq3A_178 = arith.constant 0 : i32
    %eq3A_179 = vector.broadcast %eq3A_178 : i32 to vector<16xi32>
    %eq3A_180 = arith.cmpi eq, %select_n3A_150, %eq3A_179 : vector<16xi32>
    %select_n3A_181 = arith.select %eq3A_180, %min3A_177, %select_n3A_85 : vector<16xi1>, vector<16xf32>
    %eq3A_182 = arith.constant 1 : i32
    %eq3A_183 = vector.broadcast %eq3A_182 : i32 to vector<16xi32>
    %eq3A_184 = arith.cmpi eq, %select_n3A_150, %eq3A_183 : vector<16xi32>
    %select_n3A_185 = arith.select %eq3A_184, %min3A_177, %select_n3A_89 : vector<16xi1>, vector<16xf32>
    %eq3A_186 = arith.constant 2 : i32
    %eq3A_187 = vector.broadcast %eq3A_186 : i32 to vector<16xi32>
    %eq3A_188 = arith.cmpi eq, %select_n3A_150, %eq3A_187 : vector<16xi32>
    %select_n3A_189 = arith.select %eq3A_188, %min3A_177, %select_n3A_93 : vector<16xi1>, vector<16xf32>
    %eq3A_190 = arith.constant 3 : i32
    %eq3A_191 = vector.broadcast %eq3A_190 : i32 to vector<16xi32>
    %eq3A_192 = arith.cmpi eq, %select_n3A_150, %eq3A_191 : vector<16xi32>
    %select_n3A_193 = arith.select %eq3A_192, %min3A_177, %select_n3A_97 : vector<16xi1>, vector<16xf32>
    %eq3A_194 = arith.constant 4 : i32
    %eq3A_195 = vector.broadcast %eq3A_194 : i32 to vector<16xi32>
    %eq3A_196 = arith.cmpi eq, %select_n3A_150, %eq3A_195 : vector<16xi32>
    %select_n3A_197 = arith.select %eq3A_196, %min3A_177, %select_n3A_101 : vector<16xi1>, vector<16xf32>
    %eq3A_198 = arith.constant 5 : i32
    %eq3A_199 = vector.broadcast %eq3A_198 : i32 to vector<16xi32>
    %eq3A_200 = arith.cmpi eq, %select_n3A_150, %eq3A_199 : vector<16xi32>
    %select_n3A_201 = arith.select %eq3A_200, %min3A_177, %select_n3A_105 : vector<16xi1>, vector<16xf32>
    %eq3A_202 = arith.constant 6 : i32
    %eq3A_203 = vector.broadcast %eq3A_202 : i32 to vector<16xi32>
    %eq3A_204 = arith.cmpi eq, %select_n3A_150, %eq3A_203 : vector<16xi32>
    %select_n3A_205 = arith.select %eq3A_204, %min3A_177, %select_n3A_109 : vector<16xi1>, vector<16xf32>
    %eq3A_206 = arith.constant 7 : i32
    %eq3A_207 = vector.broadcast %eq3A_206 : i32 to vector<16xi32>
    %eq3A_208 = arith.cmpi eq, %select_n3A_150, %eq3A_207 : vector<16xi32>
    %select_n3A_209 = arith.select %eq3A_208, %min3A_177, %select_n3A_113 : vector<16xi1>, vector<16xf32>
    %min3A_210 = arith.minimumf %select_n3A_181, %select_n3A_185 : vector<16xf32>
    %min3A_211 = arith.minimumf %min3A_210, %select_n3A_189 : vector<16xf32>
    %min3A_212 = arith.minimumf %min3A_211, %select_n3A_193 : vector<16xf32>
    %min3A_213 = arith.minimumf %min3A_212, %select_n3A_197 : vector<16xf32>
    %min3A_214 = arith.minimumf %min3A_213, %select_n3A_201 : vector<16xf32>
    %min3A_215 = arith.minimumf %min3A_214, %select_n3A_205 : vector<16xf32>
    %min3A_216 = arith.minimumf %min3A_215, %select_n3A_209 : vector<16xf32>
    %broadcast_in_dim3A_217 = arith.constant 7 : i32
    %broadcast_in_dim3A_218 = vector.broadcast %broadcast_in_dim3A_217 : i32 to vector<16xi32>
    %eq3A_219 = arith.cmpf oeq, %select_n3A_205, %min3A_216 : vector<16xf32>
    %jit3A_220 = arith.constant 6 : i32
    %broadcast_in_dim3A_221 = vector.broadcast %jit3A_220 : i32 to vector<16xi32>
    %select_n3A_222 = arith.select %eq3A_219, %broadcast_in_dim3A_221, %broadcast_in_dim3A_218 : vector<16xi1>, vector<16xi32>
    %eq3A_223 = arith.cmpf oeq, %select_n3A_201, %min3A_216 : vector<16xf32>
    %jit3A_224 = arith.constant 5 : i32
    %broadcast_in_dim3A_225 = vector.broadcast %jit3A_224 : i32 to vector<16xi32>
    %select_n3A_226 = arith.select %eq3A_223, %broadcast_in_dim3A_225, %select_n3A_222 : vector<16xi1>, vector<16xi32>
    %eq3A_227 = arith.cmpf oeq, %select_n3A_197, %min3A_216 : vector<16xf32>
    %jit3A_228 = arith.constant 4 : i32
    %broadcast_in_dim3A_229 = vector.broadcast %jit3A_228 : i32 to vector<16xi32>
    %select_n3A_230 = arith.select %eq3A_227, %broadcast_in_dim3A_229, %select_n3A_226 : vector<16xi1>, vector<16xi32>
    %eq3A_231 = arith.cmpf oeq, %select_n3A_193, %min3A_216 : vector<16xf32>
    %jit3A_232 = arith.constant 3 : i32
    %broadcast_in_dim3A_233 = vector.broadcast %jit3A_232 : i32 to vector<16xi32>
    %select_n3A_234 = arith.select %eq3A_231, %broadcast_in_dim3A_233, %select_n3A_230 : vector<16xi1>, vector<16xi32>
    %eq3A_235 = arith.cmpf oeq, %select_n3A_189, %min3A_216 : vector<16xf32>
    %jit3A_236 = arith.constant 2 : i32
    %broadcast_in_dim3A_237 = vector.broadcast %jit3A_236 : i32 to vector<16xi32>
    %select_n3A_238 = arith.select %eq3A_235, %broadcast_in_dim3A_237, %select_n3A_234 : vector<16xi1>, vector<16xi32>
    %eq3A_239 = arith.cmpf oeq, %select_n3A_185, %min3A_216 : vector<16xf32>
    %jit3A_240 = arith.constant 1 : i32
    %broadcast_in_dim3A_241 = vector.broadcast %jit3A_240 : i32 to vector<16xi32>
    %select_n3A_242 = arith.select %eq3A_239, %broadcast_in_dim3A_241, %select_n3A_238 : vector<16xi1>, vector<16xi32>
    %eq3A_243 = arith.cmpf oeq, %select_n3A_181, %min3A_216 : vector<16xf32>
    %jit3A_244 = arith.constant 0 : i32
    %broadcast_in_dim3A_245 = vector.broadcast %jit3A_244 : i32 to vector<16xi32>
    %select_n3A_246 = arith.select %eq3A_243, %broadcast_in_dim3A_245, %select_n3A_242 : vector<16xi1>, vector<16xi32>
    %mul3A_247 = arith.constant 128 : i32
    %mul3A_248 = vector.broadcast %mul3A_247 : i32 to vector<16xi32>
    %mul3A_249 = arith.muli %select_n3A_246, %mul3A_248 : vector<16xi32>
    %scan3A_250 = arith.constant 0 : i32
    %scan3A_251 = arith.constant 32 : i32
    %scan3A_252 = arith.addi %scan3A_250, %scan3A_251 : i32
    %scan3A_253 = arith.constant 1 : i32
    %scan3A_254:12 = scf.for %scan3A_820 = %scan3A_250 to %scan3A_252 step %scan3A_253 iter_args(%scan3A_821 = %broadcast_in_dim3A_15, %scan3A_822 = %broadcast_in_dim3A_17, %scan3A_823 = %broadcast_in_dim3A_15, %scan3A_824 = %broadcast_in_dim3A_15, %scan3A_825 = %broadcast_in_dim3A_17, %scan3A_826 = %broadcast_in_dim3A_15, %scan3A_827 = %broadcast_in_dim3A_15, %scan3A_828 = %broadcast_in_dim3A_17, %scan3A_829 = %broadcast_in_dim3A_15, %scan3A_830 = %broadcast_in_dim3A_15, %scan3A_831 = %broadcast_in_dim3A_17, %scan3A_832 = %broadcast_in_dim3A_15) -> (vector<16xf32>, vector<16xi32>, vector<16xf32>, vector<16xf32>, vector<16xi32>, vector<16xf32>, vector<16xf32>, vector<16xi32>, vector<16xf32>, vector<16xf32>, vector<16xi32>, vector<16xf32>)  : i32 {
      %add3A_833 = arith.constant 0 : i32
      %add3A_834 = arith.addi %add3A_833, %scan3A_820 : i32
      %add3A_835 = vector.broadcast %add3A_834 : i32 to vector<16xi32>
      %add3A_836 = arith.addi %mul3A_249, %add3A_835 : vector<16xi32>
      %gather3A = tpu.vector_load_idx %arg4[%add3A_836, %iota3A] : memref<1024x16xf32, #tpu.memory_space<vmem>>[vector<16xi32>, vector<16xi32>], vector<16xf32>,
      %eq3A_837 = arith.cmpi eq, %add3A_836, %select_n3A_78 : vector<16xi32>
      %jit3A_838 = arith.constant 0x7F800000 : f32
      %broadcast_in_dim3A_839 = vector.broadcast %jit3A_838 : f32 to vector<16xf32>
      %select_n3A_840 = arith.select %eq3A_837, %broadcast_in_dim3A_839, %gather3A : vector<16xi1>, vector<16xf32>
      %eq3A_841 = arith.cmpi eq, %add3A_836, %select_n3A_174 : vector<16xi32>
      %jit3A_842 = arith.constant 0x7F800000 : f32
      %broadcast_in_dim3A_843 = vector.broadcast %jit3A_842 : f32 to vector<16xf32>
      %select_n3A_844 = arith.select %eq3A_841, %broadcast_in_dim3A_843, %select_n3A_840 : vector<16xi1>, vector<16xf32>
      %lt3A_845 = arith.cmpf olt, %select_n3A_844, %scan3A_821 : vector<16xf32>
      %lt3A_846 = arith.cmpf olt, %select_n3A_844, %scan3A_823 : vector<16xf32>
      %select_n3A_847 = arith.select %lt3A_846, %select_n3A_844, %scan3A_823 : vector<16xi1>, vector<16xf32>
      %select_n3A_848 = arith.select %lt3A_845, %scan3A_821, %select_n3A_847 : vector<16xi1>, vector<16xf32>
      %select_n3A_849 = arith.select %lt3A_845, %select_n3A_844, %scan3A_821 : vector<16xi1>, vector<16xf32>
      %select_n3A_850 = arith.select %lt3A_845, %add3A_836, %scan3A_822 : vector<16xi1>, vector<16xi32>
      %add3A_851 = arith.constant 32 : i32
      %add3A_852 = arith.addi %add3A_851, %scan3A_820 : i32
      %add3A_853 = vector.broadcast %add3A_852 : i32 to vector<16xi32>
      %add3A_854 = arith.addi %mul3A_249, %add3A_853 : vector<16xi32>
      %gather3A_855 = tpu.vector_load_idx %arg4[%add3A_854, %iota3A] : memref<1024x16xf32, #tpu.memory_space<vmem>>[vector<16xi32>, vector<16xi32>], vector<16xf32>,
      %eq3A_856 = arith.cmpi eq, %add3A_854, %select_n3A_78 : vector<16xi32>
      %jit3A_857 = arith.constant 0x7F800000 : f32
      %broadcast_in_dim3A_858 = vector.broadcast %jit3A_857 : f32 to vector<16xf32>
      %select_n3A_859 = arith.select %eq3A_856, %broadcast_in_dim3A_858, %gather3A_855 : vector<16xi1>, vector<16xf32>
      %eq3A_860 = arith.cmpi eq, %add3A_854, %select_n3A_174 : vector<16xi32>
      %jit3A_861 = arith.constant 0x7F800000 : f32
      %broadcast_in_dim3A_862 = vector.broadcast %jit3A_861 : f32 to vector<16xf32>
      %select_n3A_863 = arith.select %eq3A_860, %broadcast_in_dim3A_862, %select_n3A_859 : vector<16xi1>, vector<16xf32>
      %lt3A_864 = arith.cmpf olt, %select_n3A_863, %scan3A_824 : vector<16xf32>
      %lt3A_865 = arith.cmpf olt, %select_n3A_863, %scan3A_826 : vector<16xf32>
      %select_n3A_866 = arith.select %lt3A_865, %select_n3A_863, %scan3A_826 : vector<16xi1>, vector<16xf32>
      %select_n3A_867 = arith.select %lt3A_864, %scan3A_824, %select_n3A_866 : vector<16xi1>, vector<16xf32>
      %select_n3A_868 = arith.select %lt3A_864, %select_n3A_863, %scan3A_824 : vector<16xi1>, vector<16xf32>
      %select_n3A_869 = arith.select %lt3A_864, %add3A_854, %scan3A_825 : vector<16xi1>, vector<16xi32>
      %add3A_870 = arith.constant 64 : i32
      %add3A_871 = arith.addi %add3A_870, %scan3A_820 : i32
      %add3A_872 = vector.broadcast %add3A_871 : i32 to vector<16xi32>
      %add3A_873 = arith.addi %mul3A_249, %add3A_872 : vector<16xi32>
      %gather3A_874 = tpu.vector_load_idx %arg4[%add3A_873, %iota3A] : memref<1024x16xf32, #tpu.memory_space<vmem>>[vector<16xi32>, vector<16xi32>], vector<16xf32>,
      %eq3A_875 = arith.cmpi eq, %add3A_873, %select_n3A_78 : vector<16xi32>
      %jit3A_876 = arith.constant 0x7F800000 : f32
      %broadcast_in_dim3A_877 = vector.broadcast %jit3A_876 : f32 to vector<16xf32>
      %select_n3A_878 = arith.select %eq3A_875, %broadcast_in_dim3A_877, %gather3A_874 : vector<16xi1>, vector<16xf32>
      %eq3A_879 = arith.cmpi eq, %add3A_873, %select_n3A_174 : vector<16xi32>
      %jit3A_880 = arith.constant 0x7F800000 : f32
      %broadcast_in_dim3A_881 = vector.broadcast %jit3A_880 : f32 to vector<16xf32>
      %select_n3A_882 = arith.select %eq3A_879, %broadcast_in_dim3A_881, %select_n3A_878 : vector<16xi1>, vector<16xf32>
      %lt3A_883 = arith.cmpf olt, %select_n3A_882, %scan3A_827 : vector<16xf32>
      %lt3A_884 = arith.cmpf olt, %select_n3A_882, %scan3A_829 : vector<16xf32>
      %select_n3A_885 = arith.select %lt3A_884, %select_n3A_882, %scan3A_829 : vector<16xi1>, vector<16xf32>
      %select_n3A_886 = arith.select %lt3A_883, %scan3A_827, %select_n3A_885 : vector<16xi1>, vector<16xf32>
      %select_n3A_887 = arith.select %lt3A_883, %select_n3A_882, %scan3A_827 : vector<16xi1>, vector<16xf32>
      %select_n3A_888 = arith.select %lt3A_883, %add3A_873, %scan3A_828 : vector<16xi1>, vector<16xi32>
      %add3A_889 = arith.constant 96 : i32
      %add3A_890 = arith.addi %add3A_889, %scan3A_820 : i32
      %add3A_891 = vector.broadcast %add3A_890 : i32 to vector<16xi32>
      %add3A_892 = arith.addi %mul3A_249, %add3A_891 : vector<16xi32>
      %gather3A_893 = tpu.vector_load_idx %arg4[%add3A_892, %iota3A] : memref<1024x16xf32, #tpu.memory_space<vmem>>[vector<16xi32>, vector<16xi32>], vector<16xf32>,
      %eq3A_894 = arith.cmpi eq, %add3A_892, %select_n3A_78 : vector<16xi32>
      %jit3A_895 = arith.constant 0x7F800000 : f32
      %broadcast_in_dim3A_896 = vector.broadcast %jit3A_895 : f32 to vector<16xf32>
      %select_n3A_897 = arith.select %eq3A_894, %broadcast_in_dim3A_896, %gather3A_893 : vector<16xi1>, vector<16xf32>
      %eq3A_898 = arith.cmpi eq, %add3A_892, %select_n3A_174 : vector<16xi32>
      %jit3A_899 = arith.constant 0x7F800000 : f32
      %broadcast_in_dim3A_900 = vector.broadcast %jit3A_899 : f32 to vector<16xf32>
      %select_n3A_901 = arith.select %eq3A_898, %broadcast_in_dim3A_900, %select_n3A_897 : vector<16xi1>, vector<16xf32>
      %lt3A_902 = arith.cmpf olt, %select_n3A_901, %scan3A_830 : vector<16xf32>
      %lt3A_903 = arith.cmpf olt, %select_n3A_901, %scan3A_832 : vector<16xf32>
      %select_n3A_904 = arith.select %lt3A_903, %select_n3A_901, %scan3A_832 : vector<16xi1>, vector<16xf32>
      %select_n3A_905 = arith.select %lt3A_902, %scan3A_830, %select_n3A_904 : vector<16xi1>, vector<16xf32>
      %select_n3A_906 = arith.select %lt3A_902, %select_n3A_901, %scan3A_830 : vector<16xi1>, vector<16xf32>
      %select_n3A_907 = arith.select %lt3A_902, %add3A_892, %scan3A_831 : vector<16xi1>, vector<16xi32>
      scf.yield %select_n3A_849, %select_n3A_850, %select_n3A_848, %select_n3A_868, %select_n3A_869, %select_n3A_867, %select_n3A_887, %select_n3A_888, %select_n3A_886, %select_n3A_906, %select_n3A_907, %select_n3A_905 : vector<16xf32>, vector<16xi32>, vector<16xf32>, vector<16xf32>, vector<16xi32>, vector<16xf32>, vector<16xf32>, vector<16xi32>, vector<16xf32>, vector<16xf32>, vector<16xi32>, vector<16xf32>
    }
    %scan3A_255 = arith.constant 32 : i32
    %lt3A_256 = arith.cmpf olt, %scan3A_254#3, %scan3A_254#0 : vector<16xf32>
    %select_n3A_257 = arith.select %lt3A_256, %scan3A_254#3, %scan3A_254#0 : vector<16xi1>, vector<16xf32>
    %select_n3A_258 = arith.select %lt3A_256, %scan3A_254#4, %scan3A_254#1 : vector<16xi1>, vector<16xi32>
    %select_n3A_259 = arith.select %lt3A_256, %scan3A_254#0, %scan3A_254#3 : vector<16xi1>, vector<16xf32>
    %min3A_260 = arith.minimumf %scan3A_254#2, %scan3A_254#5 : vector<16xf32>
    %min3A_261 = arith.minimumf %min3A_260, %select_n3A_259 : vector<16xf32>
    %lt3A_262 = arith.cmpf olt, %scan3A_254#9, %scan3A_254#6 : vector<16xf32>
    %select_n3A_263 = arith.select %lt3A_262, %scan3A_254#9, %scan3A_254#6 : vector<16xi1>, vector<16xf32>
    %select_n3A_264 = arith.select %lt3A_262, %scan3A_254#10, %scan3A_254#7 : vector<16xi1>, vector<16xi32>
    %select_n3A_265 = arith.select %lt3A_262, %scan3A_254#6, %scan3A_254#9 : vector<16xi1>, vector<16xf32>
    %min3A_266 = arith.minimumf %scan3A_254#8, %scan3A_254#11 : vector<16xf32>
    %min3A_267 = arith.minimumf %min3A_266, %select_n3A_265 : vector<16xf32>
    %lt3A_268 = arith.cmpf olt, %select_n3A_263, %select_n3A_257 : vector<16xf32>
    %select_n3A_269 = arith.select %lt3A_268, %select_n3A_263, %select_n3A_257 : vector<16xi1>, vector<16xf32>
    %select_n3A_270 = arith.select %lt3A_268, %select_n3A_264, %select_n3A_258 : vector<16xi1>, vector<16xi32>
    %select_n3A_271 = arith.select %lt3A_268, %select_n3A_257, %select_n3A_263 : vector<16xi1>, vector<16xf32>
    %min3A_272 = arith.minimumf %min3A_261, %min3A_267 : vector<16xf32>
    %min3A_273 = arith.minimumf %min3A_272, %select_n3A_271 : vector<16xf32>
    %eq3A_274 = arith.constant 0 : i32
    %eq3A_275 = vector.broadcast %eq3A_274 : i32 to vector<16xi32>
    %eq3A_276 = arith.cmpi eq, %select_n3A_246, %eq3A_275 : vector<16xi32>
    %select_n3A_277 = arith.select %eq3A_276, %min3A_273, %select_n3A_181 : vector<16xi1>, vector<16xf32>
    %eq3A_278 = arith.constant 1 : i32
    %eq3A_279 = vector.broadcast %eq3A_278 : i32 to vector<16xi32>
    %eq3A_280 = arith.cmpi eq, %select_n3A_246, %eq3A_279 : vector<16xi32>
    %select_n3A_281 = arith.select %eq3A_280, %min3A_273, %select_n3A_185 : vector<16xi1>, vector<16xf32>
    %eq3A_282 = arith.constant 2 : i32
    %eq3A_283 = vector.broadcast %eq3A_282 : i32 to vector<16xi32>
    %eq3A_284 = arith.cmpi eq, %select_n3A_246, %eq3A_283 : vector<16xi32>
    %select_n3A_285 = arith.select %eq3A_284, %min3A_273, %select_n3A_189 : vector<16xi1>, vector<16xf32>
    %eq3A_286 = arith.constant 3 : i32
    %eq3A_287 = vector.broadcast %eq3A_286 : i32 to vector<16xi32>
    %eq3A_288 = arith.cmpi eq, %select_n3A_246, %eq3A_287 : vector<16xi32>
    %select_n3A_289 = arith.select %eq3A_288, %min3A_273, %select_n3A_193 : vector<16xi1>, vector<16xf32>
    %eq3A_290 = arith.constant 4 : i32
    %eq3A_291 = vector.broadcast %eq3A_290 : i32 to vector<16xi32>
    %eq3A_292 = arith.cmpi eq, %select_n3A_246, %eq3A_291 : vector<16xi32>
    %select_n3A_293 = arith.select %eq3A_292, %min3A_273, %select_n3A_197 : vector<16xi1>, vector<16xf32>
    %eq3A_294 = arith.constant 5 : i32
    %eq3A_295 = vector.broadcast %eq3A_294 : i32 to vector<16xi32>
    %eq3A_296 = arith.cmpi eq, %select_n3A_246, %eq3A_295 : vector<16xi32>
    %select_n3A_297 = arith.select %eq3A_296, %min3A_273, %select_n3A_201 : vector<16xi1>, vector<16xf32>
    %eq3A_298 = arith.constant 6 : i32
    %eq3A_299 = vector.broadcast %eq3A_298 : i32 to vector<16xi32>
    %eq3A_300 = arith.cmpi eq, %select_n3A_246, %eq3A_299 : vector<16xi32>
    %select_n3A_301 = arith.select %eq3A_300, %min3A_273, %select_n3A_205 : vector<16xi1>, vector<16xf32>
    %eq3A_302 = arith.constant 7 : i32
    %eq3A_303 = vector.broadcast %eq3A_302 : i32 to vector<16xi32>
    %eq3A_304 = arith.cmpi eq, %select_n3A_246, %eq3A_303 : vector<16xi32>
    %select_n3A_305 = arith.select %eq3A_304, %min3A_273, %select_n3A_209 : vector<16xi1>, vector<16xf32>
    %min3A_306 = arith.minimumf %select_n3A_277, %select_n3A_281 : vector<16xf32>
    %min3A_307 = arith.minimumf %min3A_306, %select_n3A_285 : vector<16xf32>
    %min3A_308 = arith.minimumf %min3A_307, %select_n3A_289 : vector<16xf32>
    %min3A_309 = arith.minimumf %min3A_308, %select_n3A_293 : vector<16xf32>
    %min3A_310 = arith.minimumf %min3A_309, %select_n3A_297 : vector<16xf32>
    %min3A_311 = arith.minimumf %min3A_310, %select_n3A_301 : vector<16xf32>
    %min3A_312 = arith.minimumf %min3A_311, %select_n3A_305 : vector<16xf32>
    %broadcast_in_dim3A_313 = arith.constant 7 : i32
    %broadcast_in_dim3A_314 = vector.broadcast %broadcast_in_dim3A_313 : i32 to vector<16xi32>
    %eq3A_315 = arith.cmpf oeq, %select_n3A_301, %min3A_312 : vector<16xf32>
    %jit3A_316 = arith.constant 6 : i32
    %broadcast_in_dim3A_317 = vector.broadcast %jit3A_316 : i32 to vector<16xi32>
    %select_n3A_318 = arith.select %eq3A_315, %broadcast_in_dim3A_317, %broadcast_in_dim3A_314 : vector<16xi1>, vector<16xi32>
    %eq3A_319 = arith.cmpf oeq, %select_n3A_297, %min3A_312 : vector<16xf32>
    %jit3A_320 = arith.constant 5 : i32
    %broadcast_in_dim3A_321 = vector.broadcast %jit3A_320 : i32 to vector<16xi32>
    %select_n3A_322 = arith.select %eq3A_319, %broadcast_in_dim3A_321, %select_n3A_318 : vector<16xi1>, vector<16xi32>
    %eq3A_323 = arith.cmpf oeq, %select_n3A_293, %min3A_312 : vector<16xf32>
    %jit3A_324 = arith.constant 4 : i32
    %broadcast_in_dim3A_325 = vector.broadcast %jit3A_324 : i32 to vector<16xi32>
    %select_n3A_326 = arith.select %eq3A_323, %broadcast_in_dim3A_325, %select_n3A_322 : vector<16xi1>, vector<16xi32>
    %eq3A_327 = arith.cmpf oeq, %select_n3A_289, %min3A_312 : vector<16xf32>
    %jit3A_328 = arith.constant 3 : i32
    %broadcast_in_dim3A_329 = vector.broadcast %jit3A_328 : i32 to vector<16xi32>
    %select_n3A_330 = arith.select %eq3A_327, %broadcast_in_dim3A_329, %select_n3A_326 : vector<16xi1>, vector<16xi32>
    %eq3A_331 = arith.cmpf oeq, %select_n3A_285, %min3A_312 : vector<16xf32>
    %jit3A_332 = arith.constant 2 : i32
    %broadcast_in_dim3A_333 = vector.broadcast %jit3A_332 : i32 to vector<16xi32>
    %select_n3A_334 = arith.select %eq3A_331, %broadcast_in_dim3A_333, %select_n3A_330 : vector<16xi1>, vector<16xi32>
    %eq3A_335 = arith.cmpf oeq, %select_n3A_281, %min3A_312 : vector<16xf32>
    %jit3A_336 = arith.constant 1 : i32
    %broadcast_in_dim3A_337 = vector.broadcast %jit3A_336 : i32 to vector<16xi32>
    %select_n3A_338 = arith.select %eq3A_335, %broadcast_in_dim3A_337, %select_n3A_334 : vector<16xi1>, vector<16xi32>
    %eq3A_339 = arith.cmpf oeq, %select_n3A_277, %min3A_312 : vector<16xf32>
    %jit3A_340 = arith.constant 0 : i32
    %broadcast_in_dim3A_341 = vector.broadcast %jit3A_340 : i32 to vector<16xi32>
    %select_n3A_342 = arith.select %eq3A_339, %broadcast_in_dim3A_341, %select_n3A_338 : vector<16xi1>, vector<16xi32>
    %mul3A_343 = arith.constant 128 : i32
    %mul3A_344 = vector.broadcast %mul3A_343 : i32 to vector<16xi32>
    %mul3A_345 = arith.muli %select_n3A_342, %mul3A_344 : vector<16xi32>
    %scan3A_346 = arith.constant 0 : i32
    %scan3A_347 = arith.constant 32 : i32
    %scan3A_348 = arith.addi %scan3A_346, %scan3A_347 : i32
    %scan3A_349 = arith.constant 1 : i32
    %scan3A_350:12 = scf.for %scan3A_820 = %scan3A_346 to %scan3A_348 step %scan3A_349 iter_args(%scan3A_821 = %broadcast_in_dim3A_15, %scan3A_822 = %broadcast_in_dim3A_17, %scan3A_823 = %broadcast_in_dim3A_15, %scan3A_824 = %broadcast_in_dim3A_15, %scan3A_825 = %broadcast_in_dim3A_17, %scan3A_826 = %broadcast_in_dim3A_15, %scan3A_827 = %broadcast_in_dim3A_15, %scan3A_828 = %broadcast_in_dim3A_17, %scan3A_829 = %broadcast_in_dim3A_15, %scan3A_830 = %broadcast_in_dim3A_15, %scan3A_831 = %broadcast_in_dim3A_17, %scan3A_832 = %broadcast_in_dim3A_15) -> (vector<16xf32>, vector<16xi32>, vector<16xf32>, vector<16xf32>, vector<16xi32>, vector<16xf32>, vector<16xf32>, vector<16xi32>, vector<16xf32>, vector<16xf32>, vector<16xi32>, vector<16xf32>)  : i32 {
      %add3A_833 = arith.constant 0 : i32
      %add3A_834 = arith.addi %add3A_833, %scan3A_820 : i32
      %add3A_835 = vector.broadcast %add3A_834 : i32 to vector<16xi32>
      %add3A_836 = arith.addi %mul3A_345, %add3A_835 : vector<16xi32>
      %gather3A = tpu.vector_load_idx %arg4[%add3A_836, %iota3A] : memref<1024x16xf32, #tpu.memory_space<vmem>>[vector<16xi32>, vector<16xi32>], vector<16xf32>,
      %eq3A_837 = arith.cmpi eq, %add3A_836, %select_n3A_78 : vector<16xi32>
      %jit3A_838 = arith.constant 0x7F800000 : f32
      %broadcast_in_dim3A_839 = vector.broadcast %jit3A_838 : f32 to vector<16xf32>
      %select_n3A_840 = arith.select %eq3A_837, %broadcast_in_dim3A_839, %gather3A : vector<16xi1>, vector<16xf32>
      %eq3A_841 = arith.cmpi eq, %add3A_836, %select_n3A_174 : vector<16xi32>
      %jit3A_842 = arith.constant 0x7F800000 : f32
      %broadcast_in_dim3A_843 = vector.broadcast %jit3A_842 : f32 to vector<16xf32>
      %select_n3A_844 = arith.select %eq3A_841, %broadcast_in_dim3A_843, %select_n3A_840 : vector<16xi1>, vector<16xf32>
      %eq3A_845 = arith.cmpi eq, %add3A_836, %select_n3A_270 : vector<16xi32>
      %jit3A_846 = arith.constant 0x7F800000 : f32
      %broadcast_in_dim3A_847 = vector.broadcast %jit3A_846 : f32 to vector<16xf32>
      %select_n3A_848 = arith.select %eq3A_845, %broadcast_in_dim3A_847, %select_n3A_844 : vector<16xi1>, vector<16xf32>
      %lt3A_849 = arith.cmpf olt, %select_n3A_848, %scan3A_821 : vector<16xf32>
      %lt3A_850 = arith.cmpf olt, %select_n3A_848, %scan3A_823 : vector<16xf32>
      %select_n3A_851 = arith.select %lt3A_850, %select_n3A_848, %scan3A_823 : vector<16xi1>, vector<16xf32>
      %select_n3A_852 = arith.select %lt3A_849, %scan3A_821, %select_n3A_851 : vector<16xi1>, vector<16xf32>
      %select_n3A_853 = arith.select %lt3A_849, %select_n3A_848, %scan3A_821 : vector<16xi1>, vector<16xf32>
      %select_n3A_854 = arith.select %lt3A_849, %add3A_836, %scan3A_822 : vector<16xi1>, vector<16xi32>
      %add3A_855 = arith.constant 32 : i32
      %add3A_856 = arith.addi %add3A_855, %scan3A_820 : i32
      %add3A_857 = vector.broadcast %add3A_856 : i32 to vector<16xi32>
      %add3A_858 = arith.addi %mul3A_345, %add3A_857 : vector<16xi32>
      %gather3A_859 = tpu.vector_load_idx %arg4[%add3A_858, %iota3A] : memref<1024x16xf32, #tpu.memory_space<vmem>>[vector<16xi32>, vector<16xi32>], vector<16xf32>,
      %eq3A_860 = arith.cmpi eq, %add3A_858, %select_n3A_78 : vector<16xi32>
      %jit3A_861 = arith.constant 0x7F800000 : f32
      %broadcast_in_dim3A_862 = vector.broadcast %jit3A_861 : f32 to vector<16xf32>
      %select_n3A_863 = arith.select %eq3A_860, %broadcast_in_dim3A_862, %gather3A_859 : vector<16xi1>, vector<16xf32>
      %eq3A_864 = arith.cmpi eq, %add3A_858, %select_n3A_174 : vector<16xi32>
      %jit3A_865 = arith.constant 0x7F800000 : f32
      %broadcast_in_dim3A_866 = vector.broadcast %jit3A_865 : f32 to vector<16xf32>
      %select_n3A_867 = arith.select %eq3A_864, %broadcast_in_dim3A_866, %select_n3A_863 : vector<16xi1>, vector<16xf32>
      %eq3A_868 = arith.cmpi eq, %add3A_858, %select_n3A_270 : vector<16xi32>
      %jit3A_869 = arith.constant 0x7F800000 : f32
      %broadcast_in_dim3A_870 = vector.broadcast %jit3A_869 : f32 to vector<16xf32>
      %select_n3A_871 = arith.select %eq3A_868, %broadcast_in_dim3A_870, %select_n3A_867 : vector<16xi1>, vector<16xf32>
      %lt3A_872 = arith.cmpf olt, %select_n3A_871, %scan3A_824 : vector<16xf32>
      %lt3A_873 = arith.cmpf olt, %select_n3A_871, %scan3A_826 : vector<16xf32>
      %select_n3A_874 = arith.select %lt3A_873, %select_n3A_871, %scan3A_826 : vector<16xi1>, vector<16xf32>
      %select_n3A_875 = arith.select %lt3A_872, %scan3A_824, %select_n3A_874 : vector<16xi1>, vector<16xf32>
      %select_n3A_876 = arith.select %lt3A_872, %select_n3A_871, %scan3A_824 : vector<16xi1>, vector<16xf32>
      %select_n3A_877 = arith.select %lt3A_872, %add3A_858, %scan3A_825 : vector<16xi1>, vector<16xi32>
      %add3A_878 = arith.constant 64 : i32
      %add3A_879 = arith.addi %add3A_878, %scan3A_820 : i32
      %add3A_880 = vector.broadcast %add3A_879 : i32 to vector<16xi32>
      %add3A_881 = arith.addi %mul3A_345, %add3A_880 : vector<16xi32>
      %gather3A_882 = tpu.vector_load_idx %arg4[%add3A_881, %iota3A] : memref<1024x16xf32, #tpu.memory_space<vmem>>[vector<16xi32>, vector<16xi32>], vector<16xf32>,
      %eq3A_883 = arith.cmpi eq, %add3A_881, %select_n3A_78 : vector<16xi32>
      %jit3A_884 = arith.constant 0x7F800000 : f32
      %broadcast_in_dim3A_885 = vector.broadcast %jit3A_884 : f32 to vector<16xf32>
      %select_n3A_886 = arith.select %eq3A_883, %broadcast_in_dim3A_885, %gather3A_882 : vector<16xi1>, vector<16xf32>
      %eq3A_887 = arith.cmpi eq, %add3A_881, %select_n3A_174 : vector<16xi32>
      %jit3A_888 = arith.constant 0x7F800000 : f32
      %broadcast_in_dim3A_889 = vector.broadcast %jit3A_888 : f32 to vector<16xf32>
      %select_n3A_890 = arith.select %eq3A_887, %broadcast_in_dim3A_889, %select_n3A_886 : vector<16xi1>, vector<16xf32>
      %eq3A_891 = arith.cmpi eq, %add3A_881, %select_n3A_270 : vector<16xi32>
      %jit3A_892 = arith.constant 0x7F800000 : f32
      %broadcast_in_dim3A_893 = vector.broadcast %jit3A_892 : f32 to vector<16xf32>
      %select_n3A_894 = arith.select %eq3A_891, %broadcast_in_dim3A_893, %select_n3A_890 : vector<16xi1>, vector<16xf32>
      %lt3A_895 = arith.cmpf olt, %select_n3A_894, %scan3A_827 : vector<16xf32>
      %lt3A_896 = arith.cmpf olt, %select_n3A_894, %scan3A_829 : vector<16xf32>
      %select_n3A_897 = arith.select %lt3A_896, %select_n3A_894, %scan3A_829 : vector<16xi1>, vector<16xf32>
      %select_n3A_898 = arith.select %lt3A_895, %scan3A_827, %select_n3A_897 : vector<16xi1>, vector<16xf32>
      %select_n3A_899 = arith.select %lt3A_895, %select_n3A_894, %scan3A_827 : vector<16xi1>, vector<16xf32>
      %select_n3A_900 = arith.select %lt3A_895, %add3A_881, %scan3A_828 : vector<16xi1>, vector<16xi32>
      %add3A_901 = arith.constant 96 : i32
      %add3A_902 = arith.addi %add3A_901, %scan3A_820 : i32
      %add3A_903 = vector.broadcast %add3A_902 : i32 to vector<16xi32>
      %add3A_904 = arith.addi %mul3A_345, %add3A_903 : vector<16xi32>
      %gather3A_905 = tpu.vector_load_idx %arg4[%add3A_904, %iota3A] : memref<1024x16xf32, #tpu.memory_space<vmem>>[vector<16xi32>, vector<16xi32>], vector<16xf32>,
      %eq3A_906 = arith.cmpi eq, %add3A_904, %select_n3A_78 : vector<16xi32>
      %jit3A_907 = arith.constant 0x7F800000 : f32
      %broadcast_in_dim3A_908 = vector.broadcast %jit3A_907 : f32 to vector<16xf32>
      %select_n3A_909 = arith.select %eq3A_906, %broadcast_in_dim3A_908, %gather3A_905 : vector<16xi1>, vector<16xf32>
      %eq3A_910 = arith.cmpi eq, %add3A_904, %select_n3A_174 : vector<16xi32>
      %jit3A_911 = arith.constant 0x7F800000 : f32
      %broadcast_in_dim3A_912 = vector.broadcast %jit3A_911 : f32 to vector<16xf32>
      %select_n3A_913 = arith.select %eq3A_910, %broadcast_in_dim3A_912, %select_n3A_909 : vector<16xi1>, vector<16xf32>
      %eq3A_914 = arith.cmpi eq, %add3A_904, %select_n3A_270 : vector<16xi32>
      %jit3A_915 = arith.constant 0x7F800000 : f32
      %broadcast_in_dim3A_916 = vector.broadcast %jit3A_915 : f32 to vector<16xf32>
      %select_n3A_917 = arith.select %eq3A_914, %broadcast_in_dim3A_916, %select_n3A_913 : vector<16xi1>, vector<16xf32>
      %lt3A_918 = arith.cmpf olt, %select_n3A_917, %scan3A_830 : vector<16xf32>
      %lt3A_919 = arith.cmpf olt, %select_n3A_917, %scan3A_832 : vector<16xf32>
      %select_n3A_920 = arith.select %lt3A_919, %select_n3A_917, %scan3A_832 : vector<16xi1>, vector<16xf32>
      %select_n3A_921 = arith.select %lt3A_918, %scan3A_830, %select_n3A_920 : vector<16xi1>, vector<16xf32>
      %select_n3A_922 = arith.select %lt3A_918, %select_n3A_917, %scan3A_830 : vector<16xi1>, vector<16xf32>
      %select_n3A_923 = arith.select %lt3A_918, %add3A_904, %scan3A_831 : vector<16xi1>, vector<16xi32>
      scf.yield %select_n3A_853, %select_n3A_854, %select_n3A_852, %select_n3A_876, %select_n3A_877, %select_n3A_875, %select_n3A_899, %select_n3A_900, %select_n3A_898, %select_n3A_922, %select_n3A_923, %select_n3A_921 : vector<16xf32>, vector<16xi32>, vector<16xf32>, vector<16xf32>, vector<16xi32>, vector<16xf32>, vector<16xf32>, vector<16xi32>, vector<16xf32>, vector<16xf32>, vector<16xi32>, vector<16xf32>
    }
    %scan3A_351 = arith.constant 32 : i32
    %lt3A_352 = arith.cmpf olt, %scan3A_350#3, %scan3A_350#0 : vector<16xf32>
    %select_n3A_353 = arith.select %lt3A_352, %scan3A_350#3, %scan3A_350#0 : vector<16xi1>, vector<16xf32>
    %select_n3A_354 = arith.select %lt3A_352, %scan3A_350#4, %scan3A_350#1 : vector<16xi1>, vector<16xi32>
    %select_n3A_355 = arith.select %lt3A_352, %scan3A_350#0, %scan3A_350#3 : vector<16xi1>, vector<16xf32>
    %min3A_356 = arith.minimumf %scan3A_350#2, %scan3A_350#5 : vector<16xf32>
    %min3A_357 = arith.minimumf %min3A_356, %select_n3A_355 : vector<16xf32>
    %lt3A_358 = arith.cmpf olt, %scan3A_350#9, %scan3A_350#6 : vector<16xf32>
    %select_n3A_359 = arith.select %lt3A_358, %scan3A_350#9, %scan3A_350#6 : vector<16xi1>, vector<16xf32>
    %select_n3A_360 = arith.select %lt3A_358, %scan3A_350#10, %scan3A_350#7 : vector<16xi1>, vector<16xi32>
    %select_n3A_361 = arith.select %lt3A_358, %scan3A_350#6, %scan3A_350#9 : vector<16xi1>, vector<16xf32>
    %min3A_362 = arith.minimumf %scan3A_350#8, %scan3A_350#11 : vector<16xf32>
    %min3A_363 = arith.minimumf %min3A_362, %select_n3A_361 : vector<16xf32>
    %lt3A_364 = arith.cmpf olt, %select_n3A_359, %select_n3A_353 : vector<16xf32>
    %select_n3A_365 = arith.select %lt3A_364, %select_n3A_359, %select_n3A_353 : vector<16xi1>, vector<16xf32>
    %select_n3A_366 = arith.select %lt3A_364, %select_n3A_360, %select_n3A_354 : vector<16xi1>, vector<16xi32>
    %select_n3A_367 = arith.select %lt3A_364, %select_n3A_353, %select_n3A_359 : vector<16xi1>, vector<16xf32>
    %min3A_368 = arith.minimumf %min3A_357, %min3A_363 : vector<16xf32>
    %min3A_369 = arith.minimumf %min3A_368, %select_n3A_367 : vector<16xf32>
    %eq3A_370 = arith.constant 0 : i32
    %eq3A_371 = vector.broadcast %eq3A_370 : i32 to vector<16xi32>
    %eq3A_372 = arith.cmpi eq, %select_n3A_342, %eq3A_371 : vector<16xi32>
    %select_n3A_373 = arith.select %eq3A_372, %min3A_369, %select_n3A_277 : vector<16xi1>, vector<16xf32>
    %eq3A_374 = arith.constant 1 : i32
    %eq3A_375 = vector.broadcast %eq3A_374 : i32 to vector<16xi32>
    %eq3A_376 = arith.cmpi eq, %select_n3A_342, %eq3A_375 : vector<16xi32>
    %select_n3A_377 = arith.select %eq3A_376, %min3A_369, %select_n3A_281 : vector<16xi1>, vector<16xf32>
    %eq3A_378 = arith.constant 2 : i32
    %eq3A_379 = vector.broadcast %eq3A_378 : i32 to vector<16xi32>
    %eq3A_380 = arith.cmpi eq, %select_n3A_342, %eq3A_379 : vector<16xi32>
    %select_n3A_381 = arith.select %eq3A_380, %min3A_369, %select_n3A_285 : vector<16xi1>, vector<16xf32>
    %eq3A_382 = arith.constant 3 : i32
    %eq3A_383 = vector.broadcast %eq3A_382 : i32 to vector<16xi32>
    %eq3A_384 = arith.cmpi eq, %select_n3A_342, %eq3A_383 : vector<16xi32>
    %select_n3A_385 = arith.select %eq3A_384, %min3A_369, %select_n3A_289 : vector<16xi1>, vector<16xf32>
    %eq3A_386 = arith.constant 4 : i32
    %eq3A_387 = vector.broadcast %eq3A_386 : i32 to vector<16xi32>
    %eq3A_388 = arith.cmpi eq, %select_n3A_342, %eq3A_387 : vector<16xi32>
    %select_n3A_389 = arith.select %eq3A_388, %min3A_369, %select_n3A_293 : vector<16xi1>, vector<16xf32>
    %eq3A_390 = arith.constant 5 : i32
    %eq3A_391 = vector.broadcast %eq3A_390 : i32 to vector<16xi32>
    %eq3A_392 = arith.cmpi eq, %select_n3A_342, %eq3A_391 : vector<16xi32>
    %select_n3A_393 = arith.select %eq3A_392, %min3A_369, %select_n3A_297 : vector<16xi1>, vector<16xf32>
    %eq3A_394 = arith.constant 6 : i32
    %eq3A_395 = vector.broadcast %eq3A_394 : i32 to vector<16xi32>
    %eq3A_396 = arith.cmpi eq, %select_n3A_342, %eq3A_395 : vector<16xi32>
    %select_n3A_397 = arith.select %eq3A_396, %min3A_369, %select_n3A_301 : vector<16xi1>, vector<16xf32>
    %eq3A_398 = arith.constant 7 : i32
    %eq3A_399 = vector.broadcast %eq3A_398 : i32 to vector<16xi32>
    %eq3A_400 = arith.cmpi eq, %select_n3A_342, %eq3A_399 : vector<16xi32>
    %select_n3A_401 = arith.select %eq3A_400, %min3A_369, %select_n3A_305 : vector<16xi1>, vector<16xf32>
    %broadcast_in_dim3A_402 = arith.constant 0 : i32
    %broadcast_in_dim3A_403 = vector.broadcast %broadcast_in_dim3A_402 : i32 to vector<16xi32>
    tpu.vector_store_idx %arg6[%iota3A, %broadcast_in_dim3A_403], %select_n3A_78 : memref<16x4xi32, #tpu.memory_space<vmem>>[vector<16xi32>, vector<16xi32>], vector<16xi32>,
    %broadcast_in_dim3A_404 = arith.constant 1 : i32
    %broadcast_in_dim3A_405 = vector.broadcast %broadcast_in_dim3A_404 : i32 to vector<16xi32>
    tpu.vector_store_idx %arg6[%iota3A, %broadcast_in_dim3A_405], %select_n3A_174 : memref<16x4xi32, #tpu.memory_space<vmem>>[vector<16xi32>, vector<16xi32>], vector<16xi32>,
    %broadcast_in_dim3A_406 = arith.constant 2 : i32
    %broadcast_in_dim3A_407 = vector.broadcast %broadcast_in_dim3A_406 : i32 to vector<16xi32>
    tpu.vector_store_idx %arg6[%iota3A, %broadcast_in_dim3A_407], %select_n3A_270 : memref<16x4xi32, #tpu.memory_space<vmem>>[vector<16xi32>, vector<16xi32>], vector<16xi32>,
    %broadcast_in_dim3A_408 = arith.constant 3 : i32
    %broadcast_in_dim3A_409 = vector.broadcast %broadcast_in_dim3A_408 : i32 to vector<16xi32>
    tpu.vector_store_idx %arg6[%iota3A, %broadcast_in_dim3A_409], %select_n3A_366 : memref<16x4xi32, #tpu.memory_space<vmem>>[vector<16xi32>, vector<16xi32>], vector<16xi32>,
    %add3A_410 = arith.constant 0 : i32
    %add3A_411 = arith.addi %mul3A_2, %add3A_410 : i32
    "tpu.region"() ({
      %run_scoped3A = tpu.sem_alloc : memref<!tpu.dma_semaphore, #tpu.memory_space<semaphore_mem>>
      %dma_start3A_820 = arith.constant 0 : i32
      %dma_start3A_821 = tpu.memref_slice %arg3[%add3A_411, %dma_start3A_820] : memref<1024x4xi32, #tpu.memory_space<hbm>> -> memref<16x4xi32, #tpu.memory_space<hbm>>
      %dma_start3A_822 = arith.constant 0 : i32
      %dma_start3A_823 = tpu.memref_slice %arg3[%add3A_411, %dma_start3A_822] : memref<1024x4xi32, #tpu.memory_space<hbm>> -> memref<16x4xi32, #tpu.memory_space<hbm>>
      tpu.enqueue_dma source(%arg6 : memref<16x4xi32, #tpu.memory_space<vmem>>) target(%dma_start3A_823 : memref<16x4xi32, #tpu.memory_space<hbm>>) target_semaphore(%run_scoped3A : memref<!tpu.dma_semaphore, #tpu.memory_space<semaphore_mem>>)
      %dma_wait3A_824 = arith.constant 0 : i32
      %dma_wait3A_825 = tpu.memref_slice %arg3[%add3A_411, %dma_wait3A_824] : memref<1024x4xi32, #tpu.memory_space<hbm>> -> memref<16x4xi32, #tpu.memory_space<hbm>>
      %dma_wait3A_826 = arith.constant 0 : i32
      %dma_wait3A_827 = tpu.memref_slice %arg3[%add3A_411, %dma_wait3A_826] : memref<1024x4xi32, #tpu.memory_space<hbm>> -> memref<16x4xi32, #tpu.memory_space<hbm>>
      tpu.wait_dma2 semaphore(%run_scoped3A : memref<!tpu.dma_semaphore, #tpu.memory_space<semaphore_mem>>) src(%arg6 : memref<16x4xi32, #tpu.memory_space<vmem>>) dst(%dma_wait3A_827 : memref<16x4xi32, #tpu.memory_space<hbm>>)
      tpu.yield
    }) : () -> ()
    %dma_wait3A_412 = arith.constant 0 : i32
    %dma_wait3A_413 = tpu.memref_slice %arg2[%dma_wait3A_412, %add3A_7] : memref<1024x1024xf32, #tpu.memory_space<hbm>> -> memref<1024x16xf32, #tpu.memory_space<hbm>>
    %dma_wait3A_414 = arith.constant 0 : i32
    %dma_wait3A_415 = tpu.memref_slice %arg2[%dma_wait3A_414, %add3A_7] : memref<1024x1024xf32, #tpu.memory_space<hbm>> -> memref<1024x16xf32, #tpu.memory_space<hbm>>
    tpu.wait_dma2 semaphore(%arg8 : memref<!tpu.dma_semaphore, #tpu.memory_space<semaphore_mem>>) src(%dma_wait3A_415 : memref<1024x16xf32, #tpu.memory_space<hbm>>) dst(%arg5 : memref<1024x16xf32, #tpu.memory_space<vmem>>)
    %broadcast_in_dim3A_416 = arith.constant 0x7F800000 : f32
    %broadcast_in_dim3A_417 = vector.broadcast %broadcast_in_dim3A_416 : f32 to vector<16xf32>
    %broadcast_in_dim3A_418 = arith.constant 0 : i32
    %broadcast_in_dim3A_419 = vector.broadcast %broadcast_in_dim3A_418 : i32 to vector<16xi32>
    %scan3A_420 = arith.constant 0 : i32
    %scan3A_421 = arith.constant 32 : i32
    %scan3A_422 = arith.addi %scan3A_420, %scan3A_421 : i32
    %scan3A_423 = arith.constant 1 : i32
    %scan3A_424:8 = scf.for %scan3A_820 = %scan3A_420 to %scan3A_422 step %scan3A_423 iter_args(%scan3A_821 = %broadcast_in_dim3A_417, %scan3A_822 = %broadcast_in_dim3A_417, %scan3A_823 = %broadcast_in_dim3A_417, %scan3A_824 = %broadcast_in_dim3A_417, %scan3A_825 = %broadcast_in_dim3A_417, %scan3A_826 = %broadcast_in_dim3A_417, %scan3A_827 = %broadcast_in_dim3A_417, %scan3A_828 = %broadcast_in_dim3A_417) -> (vector<16xf32>, vector<16xf32>, vector<16xf32>, vector<16xf32>, vector<16xf32>, vector<16xf32>, vector<16xf32>, vector<16xf32>)  : i32 {
      %mul3A_829 = arith.constant 4 : i32
      %mul3A_830 = arith.muli %scan3A_820, %mul3A_829 : i32
      %add3A_831 = arith.constant 0 : i32
      %add3A_832 = arith.addi %add3A_831, %mul3A_830 : i32
      %add3A_833 = arith.constant 0 : i32
      %add3A_834 = arith.addi %add3A_832, %add3A_833 : i32
      %get3A = arith.index_cast %add3A_834 : i32 to index
      %get3A_835 = arith.constant 0 : index
      %get3A_836 = tpu.vector_load %arg5[%get3A, %get3A_835] {strides = array<i32>} : memref<1024x16xf32, #tpu.memory_space<vmem>>, vector<16xf32>,
      %min3A_837 = arith.minimumf %scan3A_821, %get3A_836 : vector<16xf32>
      %add3A_838 = arith.constant 128 : i32
      %add3A_839 = arith.addi %add3A_838, %mul3A_830 : i32
      %add3A_840 = arith.constant 0 : i32
      %add3A_841 = arith.addi %add3A_839, %add3A_840 : i32
      %get3A_842 = arith.index_cast %add3A_841 : i32 to index
      %get3A_843 = arith.constant 0 : index
      %get3A_844 = tpu.vector_load %arg5[%get3A_842, %get3A_843] {strides = array<i32>} : memref<1024x16xf32, #tpu.memory_space<vmem>>, vector<16xf32>,
      %min3A_845 = arith.minimumf %scan3A_822, %get3A_844 : vector<16xf32>
      %add3A_846 = arith.constant 256 : i32
      %add3A_847 = arith.addi %add3A_846, %mul3A_830 : i32
      %add3A_848 = arith.constant 0 : i32
      %add3A_849 = arith.addi %add3A_847, %add3A_848 : i32
      %get3A_850 = arith.index_cast %add3A_849 : i32 to index
      %get3A_851 = arith.constant 0 : index
      %get3A_852 = tpu.vector_load %arg5[%get3A_850, %get3A_851] {strides = array<i32>} : memref<1024x16xf32, #tpu.memory_space<vmem>>, vector<16xf32>,
      %min3A_853 = arith.minimumf %scan3A_823, %get3A_852 : vector<16xf32>
      %add3A_854 = arith.constant 384 : i32
      %add3A_855 = arith.addi %add3A_854, %mul3A_830 : i32
      %add3A_856 = arith.constant 0 : i32
      %add3A_857 = arith.addi %add3A_855, %add3A_856 : i32
      %get3A_858 = arith.index_cast %add3A_857 : i32 to index
      %get3A_859 = arith.constant 0 : index
      %get3A_860 = tpu.vector_load %arg5[%get3A_858, %get3A_859] {strides = array<i32>} : memref<1024x16xf32, #tpu.memory_space<vmem>>, vector<16xf32>,
      %min3A_861 = arith.minimumf %scan3A_824, %get3A_860 : vector<16xf32>
      %add3A_862 = arith.constant 512 : i32
      %add3A_863 = arith.addi %add3A_862, %mul3A_830 : i32
      %add3A_864 = arith.constant 0 : i32
      %add3A_865 = arith.addi %add3A_863, %add3A_864 : i32
      %get3A_866 = arith.index_cast %add3A_865 : i32 to index
      %get3A_867 = arith.constant 0 : index
      %get3A_868 = tpu.vector_load %arg5[%get3A_866, %get3A_867] {strides = array<i32>} : memref<1024x16xf32, #tpu.memory_space<vmem>>, vector<16xf32>,
      %min3A_869 = arith.minimumf %scan3A_825, %get3A_868 : vector<16xf32>
      %add3A_870 = arith.constant 640 : i32
      %add3A_871 = arith.addi %add3A_870, %mul3A_830 : i32
      %add3A_872 = arith.constant 0 : i32
      %add3A_873 = arith.addi %add3A_871, %add3A_872 : i32
      %get3A_874 = arith.index_cast %add3A_873 : i32 to index
      %get3A_875 = arith.constant 0 : index
      %get3A_876 = tpu.vector_load %arg5[%get3A_874, %get3A_875] {strides = array<i32>} : memref<1024x16xf32, #tpu.memory_space<vmem>>, vector<16xf32>,
      %min3A_877 = arith.minimumf %scan3A_826, %get3A_876 : vector<16xf32>
      %add3A_878 = arith.constant 768 : i32
      %add3A_879 = arith.addi %add3A_878, %mul3A_830 : i32
      %add3A_880 = arith.constant 0 : i32
      %add3A_881 = arith.addi %add3A_879, %add3A_880 : i32
      %get3A_882 = arith.index_cast %add3A_881 : i32 to index
      %get3A_883 = arith.constant 0 : index
      %get3A_884 = tpu.vector_load %arg5[%get3A_882, %get3A_883] {strides = array<i32>} : memref<1024x16xf32, #tpu.memory_space<vmem>>, vector<16xf32>,
      %min3A_885 = arith.minimumf %scan3A_827, %get3A_884 : vector<16xf32>
      %add3A_886 = arith.constant 896 : i32
      %add3A_887 = arith.addi %add3A_886, %mul3A_830 : i32
      %add3A_888 = arith.constant 0 : i32
      %add3A_889 = arith.addi %add3A_887, %add3A_888 : i32
      %get3A_890 = arith.index_cast %add3A_889 : i32 to index
      %get3A_891 = arith.constant 0 : index
      %get3A_892 = tpu.vector_load %arg5[%get3A_890, %get3A_891] {strides = array<i32>} : memref<1024x16xf32, #tpu.memory_space<vmem>>, vector<16xf32>,
      %min3A_893 = arith.minimumf %scan3A_828, %get3A_892 : vector<16xf32>
      %add3A_894 = arith.constant 0 : i32
      %add3A_895 = arith.addi %add3A_894, %mul3A_830 : i32
      %add3A_896 = arith.constant 1 : i32
      %add3A_897 = arith.addi %add3A_895, %add3A_896 : i32
      %get3A_898 = arith.index_cast %add3A_897 : i32 to index
      %get3A_899 = arith.constant 0 : index
      %get3A_900 = tpu.vector_load %arg5[%get3A_898, %get3A_899] {strides = array<i32>} : memref<1024x16xf32, #tpu.memory_space<vmem>>, vector<16xf32>,
      %min3A_901 = arith.minimumf %min3A_837, %get3A_900 : vector<16xf32>
      %add3A_902 = arith.constant 128 : i32
      %add3A_903 = arith.addi %add3A_902, %mul3A_830 : i32
      %add3A_904 = arith.constant 1 : i32
      %add3A_905 = arith.addi %add3A_903, %add3A_904 : i32
      %get3A_906 = arith.index_cast %add3A_905 : i32 to index
      %get3A_907 = arith.constant 0 : index
      %get3A_908 = tpu.vector_load %arg5[%get3A_906, %get3A_907] {strides = array<i32>} : memref<1024x16xf32, #tpu.memory_space<vmem>>, vector<16xf32>,
      %min3A_909 = arith.minimumf %min3A_845, %get3A_908 : vector<16xf32>
      %add3A_910 = arith.constant 256 : i32
      %add3A_911 = arith.addi %add3A_910, %mul3A_830 : i32
      %add3A_912 = arith.constant 1 : i32
      %add3A_913 = arith.addi %add3A_911, %add3A_912 : i32
      %get3A_914 = arith.index_cast %add3A_913 : i32 to index
      %get3A_915 = arith.constant 0 : index
      %get3A_916 = tpu.vector_load %arg5[%get3A_914, %get3A_915] {strides = array<i32>} : memref<1024x16xf32, #tpu.memory_space<vmem>>, vector<16xf32>,
      %min3A_917 = arith.minimumf %min3A_853, %get3A_916 : vector<16xf32>
      %add3A_918 = arith.constant 384 : i32
      %add3A_919 = arith.addi %add3A_918, %mul3A_830 : i32
      %add3A_920 = arith.constant 1 : i32
      %add3A_921 = arith.addi %add3A_919, %add3A_920 : i32
      %get3A_922 = arith.index_cast %add3A_921 : i32 to index
      %get3A_923 = arith.constant 0 : index
      %get3A_924 = tpu.vector_load %arg5[%get3A_922, %get3A_923] {strides = array<i32>} : memref<1024x16xf32, #tpu.memory_space<vmem>>, vector<16xf32>,
      %min3A_925 = arith.minimumf %min3A_861, %get3A_924 : vector<16xf32>
      %add3A_926 = arith.constant 512 : i32
      %add3A_927 = arith.addi %add3A_926, %mul3A_830 : i32
      %add3A_928 = arith.constant 1 : i32
      %add3A_929 = arith.addi %add3A_927, %add3A_928 : i32
      %get3A_930 = arith.index_cast %add3A_929 : i32 to index
      %get3A_931 = arith.constant 0 : index
      %get3A_932 = tpu.vector_load %arg5[%get3A_930, %get3A_931] {strides = array<i32>} : memref<1024x16xf32, #tpu.memory_space<vmem>>, vector<16xf32>,
      %min3A_933 = arith.minimumf %min3A_869, %get3A_932 : vector<16xf32>
      %add3A_934 = arith.constant 640 : i32
      %add3A_935 = arith.addi %add3A_934, %mul3A_830 : i32
      %add3A_936 = arith.constant 1 : i32
      %add3A_937 = arith.addi %add3A_935, %add3A_936 : i32
      %get3A_938 = arith.index_cast %add3A_937 : i32 to index
      %get3A_939 = arith.constant 0 : index
      %get3A_940 = tpu.vector_load %arg5[%get3A_938, %get3A_939] {strides = array<i32>} : memref<1024x16xf32, #tpu.memory_space<vmem>>, vector<16xf32>,
      %min3A_941 = arith.minimumf %min3A_877, %get3A_940 : vector<16xf32>
      %add3A_942 = arith.constant 768 : i32
      %add3A_943 = arith.addi %add3A_942, %mul3A_830 : i32
      %add3A_944 = arith.constant 1 : i32
      %add3A_945 = arith.addi %add3A_943, %add3A_944 : i32
      %get3A_946 = arith.index_cast %add3A_945 : i32 to index
      %get3A_947 = arith.constant 0 : index
      %get3A_948 = tpu.vector_load %arg5[%get3A_946, %get3A_947] {strides = array<i32>} : memref<1024x16xf32, #tpu.memory_space<vmem>>, vector<16xf32>,
      %min3A_949 = arith.minimumf %min3A_885, %get3A_948 : vector<16xf32>
      %add3A_950 = arith.constant 896 : i32
      %add3A_951 = arith.addi %add3A_950, %mul3A_830 : i32
      %add3A_952 = arith.constant 1 : i32
      %add3A_953 = arith.addi %add3A_951, %add3A_952 : i32
      %get3A_954 = arith.index_cast %add3A_953 : i32 to index
      %get3A_955 = arith.constant 0 : index
      %get3A_956 = tpu.vector_load %arg5[%get3A_954, %get3A_955] {strides = array<i32>} : memref<1024x16xf32, #tpu.memory_space<vmem>>, vector<16xf32>,
      %min3A_957 = arith.minimumf %min3A_893, %get3A_956 : vector<16xf32>
      %add3A_958 = arith.constant 0 : i32
      %add3A_959 = arith.addi %add3A_958, %mul3A_830 : i32
      %add3A_960 = arith.constant 2 : i32
      %add3A_961 = arith.addi %add3A_959, %add3A_960 : i32
      %get3A_962 = arith.index_cast %add3A_961 : i32 to index
      %get3A_963 = arith.constant 0 : index
      %get3A_964 = tpu.vector_load %arg5[%get3A_962, %get3A_963] {strides = array<i32>} : memref<1024x16xf32, #tpu.memory_space<vmem>>, vector<16xf32>,
      %min3A_965 = arith.minimumf %min3A_901, %get3A_964 : vector<16xf32>
      %add3A_966 = arith.constant 128 : i32
      %add3A_967 = arith.addi %add3A_966, %mul3A_830 : i32
      %add3A_968 = arith.constant 2 : i32
      %add3A_969 = arith.addi %add3A_967, %add3A_968 : i32
      %get3A_970 = arith.index_cast %add3A_969 : i32 to index
      %get3A_971 = arith.constant 0 : index
      %get3A_972 = tpu.vector_load %arg5[%get3A_970, %get3A_971] {strides = array<i32>} : memref<1024x16xf32, #tpu.memory_space<vmem>>, vector<16xf32>,
      %min3A_973 = arith.minimumf %min3A_909, %get3A_972 : vector<16xf32>
      %add3A_974 = arith.constant 256 : i32
      %add3A_975 = arith.addi %add3A_974, %mul3A_830 : i32
      %add3A_976 = arith.constant 2 : i32
      %add3A_977 = arith.addi %add3A_975, %add3A_976 : i32
      %get3A_978 = arith.index_cast %add3A_977 : i32 to index
      %get3A_979 = arith.constant 0 : index
      %get3A_980 = tpu.vector_load %arg5[%get3A_978, %get3A_979] {strides = array<i32>} : memref<1024x16xf32, #tpu.memory_space<vmem>>, vector<16xf32>,
      %min3A_981 = arith.minimumf %min3A_917, %get3A_980 : vector<16xf32>
      %add3A_982 = arith.constant 384 : i32
      %add3A_983 = arith.addi %add3A_982, %mul3A_830 : i32
      %add3A_984 = arith.constant 2 : i32
      %add3A_985 = arith.addi %add3A_983, %add3A_984 : i32
      %get3A_986 = arith.index_cast %add3A_985 : i32 to index
      %get3A_987 = arith.constant 0 : index
      %get3A_988 = tpu.vector_load %arg5[%get3A_986, %get3A_987] {strides = array<i32>} : memref<1024x16xf32, #tpu.memory_space<vmem>>, vector<16xf32>,
      %min3A_989 = arith.minimumf %min3A_925, %get3A_988 : vector<16xf32>
      %add3A_990 = arith.constant 512 : i32
      %add3A_991 = arith.addi %add3A_990, %mul3A_830 : i32
      %add3A_992 = arith.constant 2 : i32
      %add3A_993 = arith.addi %add3A_991, %add3A_992 : i32
      %get3A_994 = arith.index_cast %add3A_993 : i32 to index
      %get3A_995 = arith.constant 0 : index
      %get3A_996 = tpu.vector_load %arg5[%get3A_994, %get3A_995] {strides = array<i32>} : memref<1024x16xf32, #tpu.memory_space<vmem>>, vector<16xf32>,
      %min3A_997 = arith.minimumf %min3A_933, %get3A_996 : vector<16xf32>
      %add3A_998 = arith.constant 640 : i32
      %add3A_999 = arith.addi %add3A_998, %mul3A_830 : i32
      %add3A_1000 = arith.constant 2 : i32
      %add3A_1001 = arith.addi %add3A_999, %add3A_1000 : i32
      %get3A_1002 = arith.index_cast %add3A_1001 : i32 to index
      %get3A_1003 = arith.constant 0 : index
      %get3A_1004 = tpu.vector_load %arg5[%get3A_1002, %get3A_1003] {strides = array<i32>} : memref<1024x16xf32, #tpu.memory_space<vmem>>, vector<16xf32>,
      %min3A_1005 = arith.minimumf %min3A_941, %get3A_1004 : vector<16xf32>
      %add3A_1006 = arith.constant 768 : i32
      %add3A_1007 = arith.addi %add3A_1006, %mul3A_830 : i32
      %add3A_1008 = arith.constant 2 : i32
      %add3A_1009 = arith.addi %add3A_1007, %add3A_1008 : i32
      %get3A_1010 = arith.index_cast %add3A_1009 : i32 to index
      %get3A_1011 = arith.constant 0 : index
      %get3A_1012 = tpu.vector_load %arg5[%get3A_1010, %get3A_1011] {strides = array<i32>} : memref<1024x16xf32, #tpu.memory_space<vmem>>, vector<16xf32>,
      %min3A_1013 = arith.minimumf %min3A_949, %get3A_1012 : vector<16xf32>
      %add3A_1014 = arith.constant 896 : i32
      %add3A_1015 = arith.addi %add3A_1014, %mul3A_830 : i32
      %add3A_1016 = arith.constant 2 : i32
      %add3A_1017 = arith.addi %add3A_1015, %add3A_1016 : i32
      %get3A_1018 = arith.index_cast %add3A_1017 : i32 to index
      %get3A_1019 = arith.constant 0 : index
      %get3A_1020 = tpu.vector_load %arg5[%get3A_1018, %get3A_1019] {strides = array<i32>} : memref<1024x16xf32, #tpu.memory_space<vmem>>, vector<16xf32>,
      %min3A_1021 = arith.minimumf %min3A_957, %get3A_1020 : vector<16xf32>
      %add3A_1022 = arith.constant 0 : i32
      %add3A_1023 = arith.addi %add3A_1022, %mul3A_830 : i32
      %add3A_1024 = arith.constant 3 : i32
      %add3A_1025 = arith.addi %add3A_1023, %add3A_1024 : i32
      %get3A_1026 = arith.index_cast %add3A_1025 : i32 to index
      %get3A_1027 = arith.constant 0 : index
      %get3A_1028 = tpu.vector_load %arg5[%get3A_1026, %get3A_1027] {strides = array<i32>} : memref<1024x16xf32, #tpu.memory_space<vmem>>, vector<16xf32>,
      %min3A_1029 = arith.minimumf %min3A_965, %get3A_1028 : vector<16xf32>
      %add3A_1030 = arith.constant 128 : i32
      %add3A_1031 = arith.addi %add3A_1030, %mul3A_830 : i32
      %add3A_1032 = arith.constant 3 : i32
      %add3A_1033 = arith.addi %add3A_1031, %add3A_1032 : i32
      %get3A_1034 = arith.index_cast %add3A_1033 : i32 to index
      %get3A_1035 = arith.constant 0 : index
      %get3A_1036 = tpu.vector_load %arg5[%get3A_1034, %get3A_1035] {strides = array<i32>} : memref<1024x16xf32, #tpu.memory_space<vmem>>, vector<16xf32>,
      %min3A_1037 = arith.minimumf %min3A_973, %get3A_1036 : vector<16xf32>
      %add3A_1038 = arith.constant 256 : i32
      %add3A_1039 = arith.addi %add3A_1038, %mul3A_830 : i32
      %add3A_1040 = arith.constant 3 : i32
      %add3A_1041 = arith.addi %add3A_1039, %add3A_1040 : i32
      %get3A_1042 = arith.index_cast %add3A_1041 : i32 to index
      %get3A_1043 = arith.constant 0 : index
      %get3A_1044 = tpu.vector_load %arg5[%get3A_1042, %get3A_1043] {strides = array<i32>} : memref<1024x16xf32, #tpu.memory_space<vmem>>, vector<16xf32>,
      %min3A_1045 = arith.minimumf %min3A_981, %get3A_1044 : vector<16xf32>
      %add3A_1046 = arith.constant 384 : i32
      %add3A_1047 = arith.addi %add3A_1046, %mul3A_830 : i32
      %add3A_1048 = arith.constant 3 : i32
      %add3A_1049 = arith.addi %add3A_1047, %add3A_1048 : i32
      %get3A_1050 = arith.index_cast %add3A_1049 : i32 to index
      %get3A_1051 = arith.constant 0 : index
      %get3A_1052 = tpu.vector_load %arg5[%get3A_1050, %get3A_1051] {strides = array<i32>} : memref<1024x16xf32, #tpu.memory_space<vmem>>, vector<16xf32>,
      %min3A_1053 = arith.minimumf %min3A_989, %get3A_1052 : vector<16xf32>
      %add3A_1054 = arith.constant 512 : i32
      %add3A_1055 = arith.addi %add3A_1054, %mul3A_830 : i32
      %add3A_1056 = arith.constant 3 : i32
      %add3A_1057 = arith.addi %add3A_1055, %add3A_1056 : i32
      %get3A_1058 = arith.index_cast %add3A_1057 : i32 to index
      %get3A_1059 = arith.constant 0 : index
      %get3A_1060 = tpu.vector_load %arg5[%get3A_1058, %get3A_1059] {strides = array<i32>} : memref<1024x16xf32, #tpu.memory_space<vmem>>, vector<16xf32>,
      %min3A_1061 = arith.minimumf %min3A_997, %get3A_1060 : vector<16xf32>
      %add3A_1062 = arith.constant 640 : i32
      %add3A_1063 = arith.addi %add3A_1062, %mul3A_830 : i32
      %add3A_1064 = arith.constant 3 : i32
      %add3A_1065 = arith.addi %add3A_1063, %add3A_1064 : i32
      %get3A_1066 = arith.index_cast %add3A_1065 : i32 to index
      %get3A_1067 = arith.constant 0 : index
      %get3A_1068 = tpu.vector_load %arg5[%get3A_1066, %get3A_1067] {strides = array<i32>} : memref<1024x16xf32, #tpu.memory_space<vmem>>, vector<16xf32>,
      %min3A_1069 = arith.minimumf %min3A_1005, %get3A_1068 : vector<16xf32>
      %add3A_1070 = arith.constant 768 : i32
      %add3A_1071 = arith.addi %add3A_1070, %mul3A_830 : i32
      %add3A_1072 = arith.constant 3 : i32
      %add3A_1073 = arith.addi %add3A_1071, %add3A_1072 : i32
      %get3A_1074 = arith.index_cast %add3A_1073 : i32 to index
      %get3A_1075 = arith.constant 0 : index
      %get3A_1076 = tpu.vector_load %arg5[%get3A_1074, %get3A_1075] {strides = array<i32>} : memref<1024x16xf32, #tpu.memory_space<vmem>>, vector<16xf32>,
      %min3A_1077 = arith.minimumf %min3A_1013, %get3A_1076 : vector<16xf32>
      %add3A_1078 = arith.constant 896 : i32
      %add3A_1079 = arith.addi %add3A_1078, %mul3A_830 : i32
      %add3A_1080 = arith.constant 3 : i32
      %add3A_1081 = arith.addi %add3A_1079, %add3A_1080 : i32
      %get3A_1082 = arith.index_cast %add3A_1081 : i32 to index
      %get3A_1083 = arith.constant 0 : index
      %get3A_1084 = tpu.vector_load %arg5[%get3A_1082, %get3A_1083] {strides = array<i32>} : memref<1024x16xf32, #tpu.memory_space<vmem>>, vector<16xf32>,
      %min3A_1085 = arith.minimumf %min3A_1021, %get3A_1084 : vector<16xf32>
      scf.yield %min3A_1029, %min3A_1037, %min3A_1045, %min3A_1053, %min3A_1061, %min3A_1069, %min3A_1077, %min3A_1085 : vector<16xf32>, vector<16xf32>, vector<16xf32>, vector<16xf32>, vector<16xf32>, vector<16xf32>, vector<16xf32>, vector<16xf32>
    }
    %scan3A_425 = arith.constant 32 : i32
    %min3A_426 = arith.minimumf %scan3A_424#0, %scan3A_424#1 : vector<16xf32>
    %min3A_427 = arith.minimumf %min3A_426, %scan3A_424#2 : vector<16xf32>
    %min3A_428 = arith.minimumf %min3A_427, %scan3A_424#3 : vector<16xf32>
    %min3A_429 = arith.minimumf %min3A_428, %scan3A_424#4 : vector<16xf32>
    %min3A_430 = arith.minimumf %min3A_429, %scan3A_424#5 : vector<16xf32>
    %min3A_431 = arith.minimumf %min3A_430, %scan3A_424#6 : vector<16xf32>
    %min3A_432 = arith.minimumf %min3A_431, %scan3A_424#7 : vector<16xf32>
    %broadcast_in_dim3A_433 = arith.constant 7 : i32
    %broadcast_in_dim3A_434 = vector.broadcast %broadcast_in_dim3A_433 : i32 to vector<16xi32>
    %eq3A_435 = arith.cmpf oeq, %scan3A_424#6, %min3A_432 : vector<16xf32>
    %jit3A_436 = arith.constant 6 : i32
    %broadcast_in_dim3A_437 = vector.broadcast %jit3A_436 : i32 to vector<16xi32>
    %select_n3A_438 = arith.select %eq3A_435, %broadcast_in_dim3A_437, %broadcast_in_dim3A_434 : vector<16xi1>, vector<16xi32>
    %eq3A_439 = arith.cmpf oeq, %scan3A_424#5, %min3A_432 : vector<16xf32>
    %jit3A_440 = arith.constant 5 : i32
    %broadcast_in_dim3A_441 = vector.broadcast %jit3A_440 : i32 to vector<16xi32>
    %select_n3A_442 = arith.select %eq3A_439, %broadcast_in_dim3A_441, %select_n3A_438 : vector<16xi1>, vector<16xi32>
    %eq3A_443 = arith.cmpf oeq, %scan3A_424#4, %min3A_432 : vector<16xf32>
    %jit3A_444 = arith.constant 4 : i32
    %broadcast_in_dim3A_445 = vector.broadcast %jit3A_444 : i32 to vector<16xi32>
    %select_n3A_446 = arith.select %eq3A_443, %broadcast_in_dim3A_445, %select_n3A_442 : vector<16xi1>, vector<16xi32>
    %eq3A_447 = arith.cmpf oeq, %scan3A_424#3, %min3A_432 : vector<16xf32>
    %jit3A_448 = arith.constant 3 : i32
    %broadcast_in_dim3A_449 = vector.broadcast %jit3A_448 : i32 to vector<16xi32>
    %select_n3A_450 = arith.select %eq3A_447, %broadcast_in_dim3A_449, %select_n3A_446 : vector<16xi1>, vector<16xi32>
    %eq3A_451 = arith.cmpf oeq, %scan3A_424#2, %min3A_432 : vector<16xf32>
    %jit3A_452 = arith.constant 2 : i32
    %broadcast_in_dim3A_453 = vector.broadcast %jit3A_452 : i32 to vector<16xi32>
    %select_n3A_454 = arith.select %eq3A_451, %broadcast_in_dim3A_453, %select_n3A_450 : vector<16xi1>, vector<16xi32>
    %eq3A_455 = arith.cmpf oeq, %scan3A_424#1, %min3A_432 : vector<16xf32>
    %jit3A_456 = arith.constant 1 : i32
    %broadcast_in_dim3A_457 = vector.broadcast %jit3A_456 : i32 to vector<16xi32>
    %select_n3A_458 = arith.select %eq3A_455, %broadcast_in_dim3A_457, %select_n3A_454 : vector<16xi1>, vector<16xi32>
    %eq3A_459 = arith.cmpf oeq, %scan3A_424#0, %min3A_432 : vector<16xf32>
    %jit3A_460 = arith.constant 0 : i32
    %broadcast_in_dim3A_461 = vector.broadcast %jit3A_460 : i32 to vector<16xi32>
    %select_n3A_462 = arith.select %eq3A_459, %broadcast_in_dim3A_461, %select_n3A_458 : vector<16xi1>, vector<16xi32>
    %mul3A_463 = arith.constant 128 : i32
    %mul3A_464 = vector.broadcast %mul3A_463 : i32 to vector<16xi32>
    %mul3A_465 = arith.muli %select_n3A_462, %mul3A_464 : vector<16xi32>
    %scan3A_466 = arith.constant 0 : i32
    %scan3A_467 = arith.constant 32 : i32
    %scan3A_468 = arith.addi %scan3A_466, %scan3A_467 : i32
    %scan3A_469 = arith.constant 1 : i32
    %scan3A_470:12 = scf.for %scan3A_820 = %scan3A_466 to %scan3A_468 step %scan3A_469 iter_args(%scan3A_821 = %broadcast_in_dim3A_417, %scan3A_822 = %broadcast_in_dim3A_419, %scan3A_823 = %broadcast_in_dim3A_417, %scan3A_824 = %broadcast_in_dim3A_417, %scan3A_825 = %broadcast_in_dim3A_419, %scan3A_826 = %broadcast_in_dim3A_417, %scan3A_827 = %broadcast_in_dim3A_417, %scan3A_828 = %broadcast_in_dim3A_419, %scan3A_829 = %broadcast_in_dim3A_417, %scan3A_830 = %broadcast_in_dim3A_417, %scan3A_831 = %broadcast_in_dim3A_419, %scan3A_832 = %broadcast_in_dim3A_417) -> (vector<16xf32>, vector<16xi32>, vector<16xf32>, vector<16xf32>, vector<16xi32>, vector<16xf32>, vector<16xf32>, vector<16xi32>, vector<16xf32>, vector<16xf32>, vector<16xi32>, vector<16xf32>)  : i32 {
      %add3A_833 = arith.constant 0 : i32
      %add3A_834 = arith.addi %add3A_833, %scan3A_820 : i32
      %add3A_835 = vector.broadcast %add3A_834 : i32 to vector<16xi32>
      %add3A_836 = arith.addi %mul3A_465, %add3A_835 : vector<16xi32>
      %gather3A = tpu.vector_load_idx %arg5[%add3A_836, %iota3A] : memref<1024x16xf32, #tpu.memory_space<vmem>>[vector<16xi32>, vector<16xi32>], vector<16xf32>,
      %lt3A_837 = arith.cmpf olt, %gather3A, %scan3A_821 : vector<16xf32>
      %lt3A_838 = arith.cmpf olt, %gather3A, %scan3A_823 : vector<16xf32>
      %select_n3A_839 = arith.select %lt3A_838, %gather3A, %scan3A_823 : vector<16xi1>, vector<16xf32>
      %select_n3A_840 = arith.select %lt3A_837, %scan3A_821, %select_n3A_839 : vector<16xi1>, vector<16xf32>
      %select_n3A_841 = arith.select %lt3A_837, %gather3A, %scan3A_821 : vector<16xi1>, vector<16xf32>
      %select_n3A_842 = arith.select %lt3A_837, %add3A_836, %scan3A_822 : vector<16xi1>, vector<16xi32>
      %add3A_843 = arith.constant 32 : i32
      %add3A_844 = arith.addi %add3A_843, %scan3A_820 : i32
      %add3A_845 = vector.broadcast %add3A_844 : i32 to vector<16xi32>
      %add3A_846 = arith.addi %mul3A_465, %add3A_845 : vector<16xi32>
      %gather3A_847 = tpu.vector_load_idx %arg5[%add3A_846, %iota3A] : memref<1024x16xf32, #tpu.memory_space<vmem>>[vector<16xi32>, vector<16xi32>], vector<16xf32>,
      %lt3A_848 = arith.cmpf olt, %gather3A_847, %scan3A_824 : vector<16xf32>
      %lt3A_849 = arith.cmpf olt, %gather3A_847, %scan3A_826 : vector<16xf32>
      %select_n3A_850 = arith.select %lt3A_849, %gather3A_847, %scan3A_826 : vector<16xi1>, vector<16xf32>
      %select_n3A_851 = arith.select %lt3A_848, %scan3A_824, %select_n3A_850 : vector<16xi1>, vector<16xf32>
      %select_n3A_852 = arith.select %lt3A_848, %gather3A_847, %scan3A_824 : vector<16xi1>, vector<16xf32>
      %select_n3A_853 = arith.select %lt3A_848, %add3A_846, %scan3A_825 : vector<16xi1>, vector<16xi32>
      %add3A_854 = arith.constant 64 : i32
      %add3A_855 = arith.addi %add3A_854, %scan3A_820 : i32
      %add3A_856 = vector.broadcast %add3A_855 : i32 to vector<16xi32>
      %add3A_857 = arith.addi %mul3A_465, %add3A_856 : vector<16xi32>
      %gather3A_858 = tpu.vector_load_idx %arg5[%add3A_857, %iota3A] : memref<1024x16xf32, #tpu.memory_space<vmem>>[vector<16xi32>, vector<16xi32>], vector<16xf32>,
      %lt3A_859 = arith.cmpf olt, %gather3A_858, %scan3A_827 : vector<16xf32>
      %lt3A_860 = arith.cmpf olt, %gather3A_858, %scan3A_829 : vector<16xf32>
      %select_n3A_861 = arith.select %lt3A_860, %gather3A_858, %scan3A_829 : vector<16xi1>, vector<16xf32>
      %select_n3A_862 = arith.select %lt3A_859, %scan3A_827, %select_n3A_861 : vector<16xi1>, vector<16xf32>
      %select_n3A_863 = arith.select %lt3A_859, %gather3A_858, %scan3A_827 : vector<16xi1>, vector<16xf32>
      %select_n3A_864 = arith.select %lt3A_859, %add3A_857, %scan3A_828 : vector<16xi1>, vector<16xi32>
      %add3A_865 = arith.constant 96 : i32
      %add3A_866 = arith.addi %add3A_865, %scan3A_820 : i32
      %add3A_867 = vector.broadcast %add3A_866 : i32 to vector<16xi32>
      %add3A_868 = arith.addi %mul3A_465, %add3A_867 : vector<16xi32>
      %gather3A_869 = tpu.vector_load_idx %arg5[%add3A_868, %iota3A] : memref<1024x16xf32, #tpu.memory_space<vmem>>[vector<16xi32>, vector<16xi32>], vector<16xf32>,
      %lt3A_870 = arith.cmpf olt, %gather3A_869, %scan3A_830 : vector<16xf32>
      %lt3A_871 = arith.cmpf olt, %gather3A_869, %scan3A_832 : vector<16xf32>
      %select_n3A_872 = arith.select %lt3A_871, %gather3A_869, %scan3A_832 : vector<16xi1>, vector<16xf32>
      %select_n3A_873 = arith.select %lt3A_870, %scan3A_830, %select_n3A_872 : vector<16xi1>, vector<16xf32>
      %select_n3A_874 = arith.select %lt3A_870, %gather3A_869, %scan3A_830 : vector<16xi1>, vector<16xf32>
      %select_n3A_875 = arith.select %lt3A_870, %add3A_868, %scan3A_831 : vector<16xi1>, vector<16xi32>
      scf.yield %select_n3A_841, %select_n3A_842, %select_n3A_840, %select_n3A_852, %select_n3A_853, %select_n3A_851, %select_n3A_863, %select_n3A_864, %select_n3A_862, %select_n3A_874, %select_n3A_875, %select_n3A_873 : vector<16xf32>, vector<16xi32>, vector<16xf32>, vector<16xf32>, vector<16xi32>, vector<16xf32>, vector<16xf32>, vector<16xi32>, vector<16xf32>, vector<16xf32>, vector<16xi32>, vector<16xf32>
    }
    %scan3A_471 = arith.constant 32 : i32
    %lt3A_472 = arith.cmpf olt, %scan3A_470#3, %scan3A_470#0 : vector<16xf32>
    %select_n3A_473 = arith.select %lt3A_472, %scan3A_470#3, %scan3A_470#0 : vector<16xi1>, vector<16xf32>
    %select_n3A_474 = arith.select %lt3A_472, %scan3A_470#4, %scan3A_470#1 : vector<16xi1>, vector<16xi32>
    %select_n3A_475 = arith.select %lt3A_472, %scan3A_470#0, %scan3A_470#3 : vector<16xi1>, vector<16xf32>
    %min3A_476 = arith.minimumf %scan3A_470#2, %scan3A_470#5 : vector<16xf32>
    %min3A_477 = arith.minimumf %min3A_476, %select_n3A_475 : vector<16xf32>
    %lt3A_478 = arith.cmpf olt, %scan3A_470#9, %scan3A_470#6 : vector<16xf32>
    %select_n3A_479 = arith.select %lt3A_478, %scan3A_470#9, %scan3A_470#6 : vector<16xi1>, vector<16xf32>
    %select_n3A_480 = arith.select %lt3A_478, %scan3A_470#10, %scan3A_470#7 : vector<16xi1>, vector<16xi32>
    %select_n3A_481 = arith.select %lt3A_478, %scan3A_470#6, %scan3A_470#9 : vector<16xi1>, vector<16xf32>
    %min3A_482 = arith.minimumf %scan3A_470#8, %scan3A_470#11 : vector<16xf32>
    %min3A_483 = arith.minimumf %min3A_482, %select_n3A_481 : vector<16xf32>
    %lt3A_484 = arith.cmpf olt, %select_n3A_479, %select_n3A_473 : vector<16xf32>
    %select_n3A_485 = arith.select %lt3A_484, %select_n3A_479, %select_n3A_473 : vector<16xi1>, vector<16xf32>
    %select_n3A_486 = arith.select %lt3A_484, %select_n3A_480, %select_n3A_474 : vector<16xi1>, vector<16xi32>
    %select_n3A_487 = arith.select %lt3A_484, %select_n3A_473, %select_n3A_479 : vector<16xi1>, vector<16xf32>
    %min3A_488 = arith.minimumf %min3A_477, %min3A_483 : vector<16xf32>
    %min3A_489 = arith.minimumf %min3A_488, %select_n3A_487 : vector<16xf32>
    %eq3A_490 = arith.constant 0 : i32
    %eq3A_491 = vector.broadcast %eq3A_490 : i32 to vector<16xi32>
    %eq3A_492 = arith.cmpi eq, %select_n3A_462, %eq3A_491 : vector<16xi32>
    %select_n3A_493 = arith.select %eq3A_492, %min3A_489, %scan3A_424#0 : vector<16xi1>, vector<16xf32>
    %eq3A_494 = arith.constant 1 : i32
    %eq3A_495 = vector.broadcast %eq3A_494 : i32 to vector<16xi32>
    %eq3A_496 = arith.cmpi eq, %select_n3A_462, %eq3A_495 : vector<16xi32>
    %select_n3A_497 = arith.select %eq3A_496, %min3A_489, %scan3A_424#1 : vector<16xi1>, vector<16xf32>
    %eq3A_498 = arith.constant 2 : i32
    %eq3A_499 = vector.broadcast %eq3A_498 : i32 to vector<16xi32>
    %eq3A_500 = arith.cmpi eq, %select_n3A_462, %eq3A_499 : vector<16xi32>
    %select_n3A_501 = arith.select %eq3A_500, %min3A_489, %scan3A_424#2 : vector<16xi1>, vector<16xf32>
    %eq3A_502 = arith.constant 3 : i32
    %eq3A_503 = vector.broadcast %eq3A_502 : i32 to vector<16xi32>
    %eq3A_504 = arith.cmpi eq, %select_n3A_462, %eq3A_503 : vector<16xi32>
    %select_n3A_505 = arith.select %eq3A_504, %min3A_489, %scan3A_424#3 : vector<16xi1>, vector<16xf32>
    %eq3A_506 = arith.constant 4 : i32
    %eq3A_507 = vector.broadcast %eq3A_506 : i32 to vector<16xi32>
    %eq3A_508 = arith.cmpi eq, %select_n3A_462, %eq3A_507 : vector<16xi32>
    %select_n3A_509 = arith.select %eq3A_508, %min3A_489, %scan3A_424#4 : vector<16xi1>, vector<16xf32>
    %eq3A_510 = arith.constant 5 : i32
    %eq3A_511 = vector.broadcast %eq3A_510 : i32 to vector<16xi32>
    %eq3A_512 = arith.cmpi eq, %select_n3A_462, %eq3A_511 : vector<16xi32>
    %select_n3A_513 = arith.select %eq3A_512, %min3A_489, %scan3A_424#5 : vector<16xi1>, vector<16xf32>
    %eq3A_514 = arith.constant 6 : i32
    %eq3A_515 = vector.broadcast %eq3A_514 : i32 to vector<16xi32>
    %eq3A_516 = arith.cmpi eq, %select_n3A_462, %eq3A_515 : vector<16xi32>
    %select_n3A_517 = arith.select %eq3A_516, %min3A_489, %scan3A_424#6 : vector<16xi1>, vector<16xf32>
    %eq3A_518 = arith.constant 7 : i32
    %eq3A_519 = vector.broadcast %eq3A_518 : i32 to vector<16xi32>
    %eq3A_520 = arith.cmpi eq, %select_n3A_462, %eq3A_519 : vector<16xi32>
    %select_n3A_521 = arith.select %eq3A_520, %min3A_489, %scan3A_424#7 : vector<16xi1>, vector<16xf32>
    %min3A_522 = arith.minimumf %select_n3A_493, %select_n3A_497 : vector<16xf32>
    %min3A_523 = arith.minimumf %min3A_522, %select_n3A_501 : vector<16xf32>
    %min3A_524 = arith.minimumf %min3A_523, %select_n3A_505 : vector<16xf32>
    %min3A_525 = arith.minimumf %min3A_524, %select_n3A_509 : vector<16xf32>
    %min3A_526 = arith.minimumf %min3A_525, %select_n3A_513 : vector<16xf32>
    %min3A_527 = arith.minimumf %min3A_526, %select_n3A_517 : vector<16xf32>
    %min3A_528 = arith.minimumf %min3A_527, %select_n3A_521 : vector<16xf32>
    %broadcast_in_dim3A_529 = arith.constant 7 : i32
    %broadcast_in_dim3A_530 = vector.broadcast %broadcast_in_dim3A_529 : i32 to vector<16xi32>
    %eq3A_531 = arith.cmpf oeq, %select_n3A_517, %min3A_528 : vector<16xf32>
    %jit3A_532 = arith.constant 6 : i32
    %broadcast_in_dim3A_533 = vector.broadcast %jit3A_532 : i32 to vector<16xi32>
    %select_n3A_534 = arith.select %eq3A_531, %broadcast_in_dim3A_533, %broadcast_in_dim3A_530 : vector<16xi1>, vector<16xi32>
    %eq3A_535 = arith.cmpf oeq, %select_n3A_513, %min3A_528 : vector<16xf32>
    %jit3A_536 = arith.constant 5 : i32
    %broadcast_in_dim3A_537 = vector.broadcast %jit3A_536 : i32 to vector<16xi32>
    %select_n3A_538 = arith.select %eq3A_535, %broadcast_in_dim3A_537, %select_n3A_534 : vector<16xi1>, vector<16xi32>
    %eq3A_539 = arith.cmpf oeq, %select_n3A_509, %min3A_528 : vector<16xf32>
    %jit3A_540 = arith.constant 4 : i32
    %broadcast_in_dim3A_541 = vector.broadcast %jit3A_540 : i32 to vector<16xi32>
    %select_n3A_542 = arith.select %eq3A_539, %broadcast_in_dim3A_541, %select_n3A_538 : vector<16xi1>, vector<16xi32>
    %eq3A_543 = arith.cmpf oeq, %select_n3A_505, %min3A_528 : vector<16xf32>
    %jit3A_544 = arith.constant 3 : i32
    %broadcast_in_dim3A_545 = vector.broadcast %jit3A_544 : i32 to vector<16xi32>
    %select_n3A_546 = arith.select %eq3A_543, %broadcast_in_dim3A_545, %select_n3A_542 : vector<16xi1>, vector<16xi32>
    %eq3A_547 = arith.cmpf oeq, %select_n3A_501, %min3A_528 : vector<16xf32>
    %jit3A_548 = arith.constant 2 : i32
    %broadcast_in_dim3A_549 = vector.broadcast %jit3A_548 : i32 to vector<16xi32>
    %select_n3A_550 = arith.select %eq3A_547, %broadcast_in_dim3A_549, %select_n3A_546 : vector<16xi1>, vector<16xi32>
    %eq3A_551 = arith.cmpf oeq, %select_n3A_497, %min3A_528 : vector<16xf32>
    %jit3A_552 = arith.constant 1 : i32
    %broadcast_in_dim3A_553 = vector.broadcast %jit3A_552 : i32 to vector<16xi32>
    %select_n3A_554 = arith.select %eq3A_551, %broadcast_in_dim3A_553, %select_n3A_550 : vector<16xi1>, vector<16xi32>
    %eq3A_555 = arith.cmpf oeq, %select_n3A_493, %min3A_528 : vector<16xf32>
    %jit3A_556 = arith.constant 0 : i32
    %broadcast_in_dim3A_557 = vector.broadcast %jit3A_556 : i32 to vector<16xi32>
    %select_n3A_558 = arith.select %eq3A_555, %broadcast_in_dim3A_557, %select_n3A_554 : vector<16xi1>, vector<16xi32>
    %mul3A_559 = arith.constant 128 : i32
    %mul3A_560 = vector.broadcast %mul3A_559 : i32 to vector<16xi32>
    %mul3A_561 = arith.muli %select_n3A_558, %mul3A_560 : vector<16xi32>
    %scan3A_562 = arith.constant 0 : i32
    %scan3A_563 = arith.constant 32 : i32
    %scan3A_564 = arith.addi %scan3A_562, %scan3A_563 : i32
    %scan3A_565 = arith.constant 1 : i32
    %scan3A_566:12 = scf.for %scan3A_820 = %scan3A_562 to %scan3A_564 step %scan3A_565 iter_args(%scan3A_821 = %broadcast_in_dim3A_417, %scan3A_822 = %broadcast_in_dim3A_419, %scan3A_823 = %broadcast_in_dim3A_417, %scan3A_824 = %broadcast_in_dim3A_417, %scan3A_825 = %broadcast_in_dim3A_419, %scan3A_826 = %broadcast_in_dim3A_417, %scan3A_827 = %broadcast_in_dim3A_417, %scan3A_828 = %broadcast_in_dim3A_419, %scan3A_829 = %broadcast_in_dim3A_417, %scan3A_830 = %broadcast_in_dim3A_417, %scan3A_831 = %broadcast_in_dim3A_419, %scan3A_832 = %broadcast_in_dim3A_417) -> (vector<16xf32>, vector<16xi32>, vector<16xf32>, vector<16xf32>, vector<16xi32>, vector<16xf32>, vector<16xf32>, vector<16xi32>, vector<16xf32>, vector<16xf32>, vector<16xi32>, vector<16xf32>)  : i32 {
      %add3A_833 = arith.constant 0 : i32
      %add3A_834 = arith.addi %add3A_833, %scan3A_820 : i32
      %add3A_835 = vector.broadcast %add3A_834 : i32 to vector<16xi32>
      %add3A_836 = arith.addi %mul3A_561, %add3A_835 : vector<16xi32>
      %gather3A = tpu.vector_load_idx %arg5[%add3A_836, %iota3A] : memref<1024x16xf32, #tpu.memory_space<vmem>>[vector<16xi32>, vector<16xi32>], vector<16xf32>,
      %eq3A_837 = arith.cmpi eq, %add3A_836, %select_n3A_486 : vector<16xi32>
      %jit3A_838 = arith.constant 0x7F800000 : f32
      %broadcast_in_dim3A_839 = vector.broadcast %jit3A_838 : f32 to vector<16xf32>
      %select_n3A_840 = arith.select %eq3A_837, %broadcast_in_dim3A_839, %gather3A : vector<16xi1>, vector<16xf32>
      %lt3A_841 = arith.cmpf olt, %select_n3A_840, %scan3A_821 : vector<16xf32>
      %lt3A_842 = arith.cmpf olt, %select_n3A_840, %scan3A_823 : vector<16xf32>
      %select_n3A_843 = arith.select %lt3A_842, %select_n3A_840, %scan3A_823 : vector<16xi1>, vector<16xf32>
      %select_n3A_844 = arith.select %lt3A_841, %scan3A_821, %select_n3A_843 : vector<16xi1>, vector<16xf32>
      %select_n3A_845 = arith.select %lt3A_841, %select_n3A_840, %scan3A_821 : vector<16xi1>, vector<16xf32>
      %select_n3A_846 = arith.select %lt3A_841, %add3A_836, %scan3A_822 : vector<16xi1>, vector<16xi32>
      %add3A_847 = arith.constant 32 : i32
      %add3A_848 = arith.addi %add3A_847, %scan3A_820 : i32
      %add3A_849 = vector.broadcast %add3A_848 : i32 to vector<16xi32>
      %add3A_850 = arith.addi %mul3A_561, %add3A_849 : vector<16xi32>
      %gather3A_851 = tpu.vector_load_idx %arg5[%add3A_850, %iota3A] : memref<1024x16xf32, #tpu.memory_space<vmem>>[vector<16xi32>, vector<16xi32>], vector<16xf32>,
      %eq3A_852 = arith.cmpi eq, %add3A_850, %select_n3A_486 : vector<16xi32>
      %jit3A_853 = arith.constant 0x7F800000 : f32
      %broadcast_in_dim3A_854 = vector.broadcast %jit3A_853 : f32 to vector<16xf32>
      %select_n3A_855 = arith.select %eq3A_852, %broadcast_in_dim3A_854, %gather3A_851 : vector<16xi1>, vector<16xf32>
      %lt3A_856 = arith.cmpf olt, %select_n3A_855, %scan3A_824 : vector<16xf32>
      %lt3A_857 = arith.cmpf olt, %select_n3A_855, %scan3A_826 : vector<16xf32>
      %select_n3A_858 = arith.select %lt3A_857, %select_n3A_855, %scan3A_826 : vector<16xi1>, vector<16xf32>
      %select_n3A_859 = arith.select %lt3A_856, %scan3A_824, %select_n3A_858 : vector<16xi1>, vector<16xf32>
      %select_n3A_860 = arith.select %lt3A_856, %select_n3A_855, %scan3A_824 : vector<16xi1>, vector<16xf32>
      %select_n3A_861 = arith.select %lt3A_856, %add3A_850, %scan3A_825 : vector<16xi1>, vector<16xi32>
      %add3A_862 = arith.constant 64 : i32
      %add3A_863 = arith.addi %add3A_862, %scan3A_820 : i32
      %add3A_864 = vector.broadcast %add3A_863 : i32 to vector<16xi32>
      %add3A_865 = arith.addi %mul3A_561, %add3A_864 : vector<16xi32>
      %gather3A_866 = tpu.vector_load_idx %arg5[%add3A_865, %iota3A] : memref<1024x16xf32, #tpu.memory_space<vmem>>[vector<16xi32>, vector<16xi32>], vector<16xf32>,
      %eq3A_867 = arith.cmpi eq, %add3A_865, %select_n3A_486 : vector<16xi32>
      %jit3A_868 = arith.constant 0x7F800000 : f32
      %broadcast_in_dim3A_869 = vector.broadcast %jit3A_868 : f32 to vector<16xf32>
      %select_n3A_870 = arith.select %eq3A_867, %broadcast_in_dim3A_869, %gather3A_866 : vector<16xi1>, vector<16xf32>
      %lt3A_871 = arith.cmpf olt, %select_n3A_870, %scan3A_827 : vector<16xf32>
      %lt3A_872 = arith.cmpf olt, %select_n3A_870, %scan3A_829 : vector<16xf32>
      %select_n3A_873 = arith.select %lt3A_872, %select_n3A_870, %scan3A_829 : vector<16xi1>, vector<16xf32>
      %select_n3A_874 = arith.select %lt3A_871, %scan3A_827, %select_n3A_873 : vector<16xi1>, vector<16xf32>
      %select_n3A_875 = arith.select %lt3A_871, %select_n3A_870, %scan3A_827 : vector<16xi1>, vector<16xf32>
      %select_n3A_876 = arith.select %lt3A_871, %add3A_865, %scan3A_828 : vector<16xi1>, vector<16xi32>
      %add3A_877 = arith.constant 96 : i32
      %add3A_878 = arith.addi %add3A_877, %scan3A_820 : i32
      %add3A_879 = vector.broadcast %add3A_878 : i32 to vector<16xi32>
      %add3A_880 = arith.addi %mul3A_561, %add3A_879 : vector<16xi32>
      %gather3A_881 = tpu.vector_load_idx %arg5[%add3A_880, %iota3A] : memref<1024x16xf32, #tpu.memory_space<vmem>>[vector<16xi32>, vector<16xi32>], vector<16xf32>,
      %eq3A_882 = arith.cmpi eq, %add3A_880, %select_n3A_486 : vector<16xi32>
      %jit3A_883 = arith.constant 0x7F800000 : f32
      %broadcast_in_dim3A_884 = vector.broadcast %jit3A_883 : f32 to vector<16xf32>
      %select_n3A_885 = arith.select %eq3A_882, %broadcast_in_dim3A_884, %gather3A_881 : vector<16xi1>, vector<16xf32>
      %lt3A_886 = arith.cmpf olt, %select_n3A_885, %scan3A_830 : vector<16xf32>
      %lt3A_887 = arith.cmpf olt, %select_n3A_885, %scan3A_832 : vector<16xf32>
      %select_n3A_888 = arith.select %lt3A_887, %select_n3A_885, %scan3A_832 : vector<16xi1>, vector<16xf32>
      %select_n3A_889 = arith.select %lt3A_886, %scan3A_830, %select_n3A_888 : vector<16xi1>, vector<16xf32>
      %select_n3A_890 = arith.select %lt3A_886, %select_n3A_885, %scan3A_830 : vector<16xi1>, vector<16xf32>
      %select_n3A_891 = arith.select %lt3A_886, %add3A_880, %scan3A_831 : vector<16xi1>, vector<16xi32>
      scf.yield %select_n3A_845, %select_n3A_846, %select_n3A_844, %select_n3A_860, %select_n3A_861, %select_n3A_859, %select_n3A_875, %select_n3A_876, %select_n3A_874, %select_n3A_890, %select_n3A_891, %select_n3A_889 : vector<16xf32>, vector<16xi32>, vector<16xf32>, vector<16xf32>, vector<16xi32>, vector<16xf32>, vector<16xf32>, vector<16xi32>, vector<16xf32>, vector<16xf32>, vector<16xi32>, vector<16xf32>
    }
    %scan3A_567 = arith.constant 32 : i32
    %lt3A_568 = arith.cmpf olt, %scan3A_566#3, %scan3A_566#0 : vector<16xf32>
    %select_n3A_569 = arith.select %lt3A_568, %scan3A_566#3, %scan3A_566#0 : vector<16xi1>, vector<16xf32>
    %select_n3A_570 = arith.select %lt3A_568, %scan3A_566#4, %scan3A_566#1 : vector<16xi1>, vector<16xi32>
    %select_n3A_571 = arith.select %lt3A_568, %scan3A_566#0, %scan3A_566#3 : vector<16xi1>, vector<16xf32>
    %min3A_572 = arith.minimumf %scan3A_566#2, %scan3A_566#5 : vector<16xf32>
    %min3A_573 = arith.minimumf %min3A_572, %select_n3A_571 : vector<16xf32>
    %lt3A_574 = arith.cmpf olt, %scan3A_566#9, %scan3A_566#6 : vector<16xf32>
    %select_n3A_575 = arith.select %lt3A_574, %scan3A_566#9, %scan3A_566#6 : vector<16xi1>, vector<16xf32>
    %select_n3A_576 = arith.select %lt3A_574, %scan3A_566#10, %scan3A_566#7 : vector<16xi1>, vector<16xi32>
    %select_n3A_577 = arith.select %lt3A_574, %scan3A_566#6, %scan3A_566#9 : vector<16xi1>, vector<16xf32>
    %min3A_578 = arith.minimumf %scan3A_566#8, %scan3A_566#11 : vector<16xf32>
    %min3A_579 = arith.minimumf %min3A_578, %select_n3A_577 : vector<16xf32>
    %lt3A_580 = arith.cmpf olt, %select_n3A_575, %select_n3A_569 : vector<16xf32>
    %select_n3A_581 = arith.select %lt3A_580, %select_n3A_575, %select_n3A_569 : vector<16xi1>, vector<16xf32>
    %select_n3A_582 = arith.select %lt3A_580, %select_n3A_576, %select_n3A_570 : vector<16xi1>, vector<16xi32>
    %select_n3A_583 = arith.select %lt3A_580, %select_n3A_569, %select_n3A_575 : vector<16xi1>, vector<16xf32>
    %min3A_584 = arith.minimumf %min3A_573, %min3A_579 : vector<16xf32>
    %min3A_585 = arith.minimumf %min3A_584, %select_n3A_583 : vector<16xf32>
    %eq3A_586 = arith.constant 0 : i32
    %eq3A_587 = vector.broadcast %eq3A_586 : i32 to vector<16xi32>
    %eq3A_588 = arith.cmpi eq, %select_n3A_558, %eq3A_587 : vector<16xi32>
    %select_n3A_589 = arith.select %eq3A_588, %min3A_585, %select_n3A_493 : vector<16xi1>, vector<16xf32>
    %eq3A_590 = arith.constant 1 : i32
    %eq3A_591 = vector.broadcast %eq3A_590 : i32 to vector<16xi32>
    %eq3A_592 = arith.cmpi eq, %select_n3A_558, %eq3A_591 : vector<16xi32>
    %select_n3A_593 = arith.select %eq3A_592, %min3A_585, %select_n3A_497 : vector<16xi1>, vector<16xf32>
    %eq3A_594 = arith.constant 2 : i32
    %eq3A_595 = vector.broadcast %eq3A_594 : i32 to vector<16xi32>
    %eq3A_596 = arith.cmpi eq, %select_n3A_558, %eq3A_595 : vector<16xi32>
    %select_n3A_597 = arith.select %eq3A_596, %min3A_585, %select_n3A_501 : vector<16xi1>, vector<16xf32>
    %eq3A_598 = arith.constant 3 : i32
    %eq3A_599 = vector.broadcast %eq3A_598 : i32 to vector<16xi32>
    %eq3A_600 = arith.cmpi eq, %select_n3A_558, %eq3A_599 : vector<16xi32>
    %select_n3A_601 = arith.select %eq3A_600, %min3A_585, %select_n3A_505 : vector<16xi1>, vector<16xf32>
    %eq3A_602 = arith.constant 4 : i32
    %eq3A_603 = vector.broadcast %eq3A_602 : i32 to vector<16xi32>
    %eq3A_604 = arith.cmpi eq, %select_n3A_558, %eq3A_603 : vector<16xi32>
    %select_n3A_605 = arith.select %eq3A_604, %min3A_585, %select_n3A_509 : vector<16xi1>, vector<16xf32>
    %eq3A_606 = arith.constant 5 : i32
    %eq3A_607 = vector.broadcast %eq3A_606 : i32 to vector<16xi32>
    %eq3A_608 = arith.cmpi eq, %select_n3A_558, %eq3A_607 : vector<16xi32>
    %select_n3A_609 = arith.select %eq3A_608, %min3A_585, %select_n3A_513 : vector<16xi1>, vector<16xf32>
    %eq3A_610 = arith.constant 6 : i32
    %eq3A_611 = vector.broadcast %eq3A_610 : i32 to vector<16xi32>
    %eq3A_612 = arith.cmpi eq, %select_n3A_558, %eq3A_611 : vector<16xi32>
    %select_n3A_613 = arith.select %eq3A_612, %min3A_585, %select_n3A_517 : vector<16xi1>, vector<16xf32>
    %eq3A_614 = arith.constant 7 : i32
    %eq3A_615 = vector.broadcast %eq3A_614 : i32 to vector<16xi32>
    %eq3A_616 = arith.cmpi eq, %select_n3A_558, %eq3A_615 : vector<16xi32>
    %select_n3A_617 = arith.select %eq3A_616, %min3A_585, %select_n3A_521 : vector<16xi1>, vector<16xf32>
    %min3A_618 = arith.minimumf %select_n3A_589, %select_n3A_593 : vector<16xf32>
    %min3A_619 = arith.minimumf %min3A_618, %select_n3A_597 : vector<16xf32>
    %min3A_620 = arith.minimumf %min3A_619, %select_n3A_601 : vector<16xf32>
    %min3A_621 = arith.minimumf %min3A_620, %select_n3A_605 : vector<16xf32>
    %min3A_622 = arith.minimumf %min3A_621, %select_n3A_609 : vector<16xf32>
    %min3A_623 = arith.minimumf %min3A_622, %select_n3A_613 : vector<16xf32>
    %min3A_624 = arith.minimumf %min3A_623, %select_n3A_617 : vector<16xf32>
    %broadcast_in_dim3A_625 = arith.constant 7 : i32
    %broadcast_in_dim3A_626 = vector.broadcast %broadcast_in_dim3A_625 : i32 to vector<16xi32>
    %eq3A_627 = arith.cmpf oeq, %select_n3A_613, %min3A_624 : vector<16xf32>
    %jit3A_628 = arith.constant 6 : i32
    %broadcast_in_dim3A_629 = vector.broadcast %jit3A_628 : i32 to vector<16xi32>
    %select_n3A_630 = arith.select %eq3A_627, %broadcast_in_dim3A_629, %broadcast_in_dim3A_626 : vector<16xi1>, vector<16xi32>
    %eq3A_631 = arith.cmpf oeq, %select_n3A_609, %min3A_624 : vector<16xf32>
    %jit3A_632 = arith.constant 5 : i32
    %broadcast_in_dim3A_633 = vector.broadcast %jit3A_632 : i32 to vector<16xi32>
    %select_n3A_634 = arith.select %eq3A_631, %broadcast_in_dim3A_633, %select_n3A_630 : vector<16xi1>, vector<16xi32>
    %eq3A_635 = arith.cmpf oeq, %select_n3A_605, %min3A_624 : vector<16xf32>
    %jit3A_636 = arith.constant 4 : i32
    %broadcast_in_dim3A_637 = vector.broadcast %jit3A_636 : i32 to vector<16xi32>
    %select_n3A_638 = arith.select %eq3A_635, %broadcast_in_dim3A_637, %select_n3A_634 : vector<16xi1>, vector<16xi32>
    %eq3A_639 = arith.cmpf oeq, %select_n3A_601, %min3A_624 : vector<16xf32>
    %jit3A_640 = arith.constant 3 : i32
    %broadcast_in_dim3A_641 = vector.broadcast %jit3A_640 : i32 to vector<16xi32>
    %select_n3A_642 = arith.select %eq3A_639, %broadcast_in_dim3A_641, %select_n3A_638 : vector<16xi1>, vector<16xi32>
    %eq3A_643 = arith.cmpf oeq, %select_n3A_597, %min3A_624 : vector<16xf32>
    %jit3A_644 = arith.constant 2 : i32
    %broadcast_in_dim3A_645 = vector.broadcast %jit3A_644 : i32 to vector<16xi32>
    %select_n3A_646 = arith.select %eq3A_643, %broadcast_in_dim3A_645, %select_n3A_642 : vector<16xi1>, vector<16xi32>
    %eq3A_647 = arith.cmpf oeq, %select_n3A_593, %min3A_624 : vector<16xf32>
    %jit3A_648 = arith.constant 1 : i32
    %broadcast_in_dim3A_649 = vector.broadcast %jit3A_648 : i32 to vector<16xi32>
    %select_n3A_650 = arith.select %eq3A_647, %broadcast_in_dim3A_649, %select_n3A_646 : vector<16xi1>, vector<16xi32>
    %eq3A_651 = arith.cmpf oeq, %select_n3A_589, %min3A_624 : vector<16xf32>
    %jit3A_652 = arith.constant 0 : i32
    %broadcast_in_dim3A_653 = vector.broadcast %jit3A_652 : i32 to vector<16xi32>
    %select_n3A_654 = arith.select %eq3A_651, %broadcast_in_dim3A_653, %select_n3A_650 : vector<16xi1>, vector<16xi32>
    %mul3A_655 = arith.constant 128 : i32
    %mul3A_656 = vector.broadcast %mul3A_655 : i32 to vector<16xi32>
    %mul3A_657 = arith.muli %select_n3A_654, %mul3A_656 : vector<16xi32>
    %scan3A_658 = arith.constant 0 : i32
    %scan3A_659 = arith.constant 32 : i32
    %scan3A_660 = arith.addi %scan3A_658, %scan3A_659 : i32
    %scan3A_661 = arith.constant 1 : i32
    %scan3A_662:12 = scf.for %scan3A_820 = %scan3A_658 to %scan3A_660 step %scan3A_661 iter_args(%scan3A_821 = %broadcast_in_dim3A_417, %scan3A_822 = %broadcast_in_dim3A_419, %scan3A_823 = %broadcast_in_dim3A_417, %scan3A_824 = %broadcast_in_dim3A_417, %scan3A_825 = %broadcast_in_dim3A_419, %scan3A_826 = %broadcast_in_dim3A_417, %scan3A_827 = %broadcast_in_dim3A_417, %scan3A_828 = %broadcast_in_dim3A_419, %scan3A_829 = %broadcast_in_dim3A_417, %scan3A_830 = %broadcast_in_dim3A_417, %scan3A_831 = %broadcast_in_dim3A_419, %scan3A_832 = %broadcast_in_dim3A_417) -> (vector<16xf32>, vector<16xi32>, vector<16xf32>, vector<16xf32>, vector<16xi32>, vector<16xf32>, vector<16xf32>, vector<16xi32>, vector<16xf32>, vector<16xf32>, vector<16xi32>, vector<16xf32>)  : i32 {
      %add3A_833 = arith.constant 0 : i32
      %add3A_834 = arith.addi %add3A_833, %scan3A_820 : i32
      %add3A_835 = vector.broadcast %add3A_834 : i32 to vector<16xi32>
      %add3A_836 = arith.addi %mul3A_657, %add3A_835 : vector<16xi32>
      %gather3A = tpu.vector_load_idx %arg5[%add3A_836, %iota3A] : memref<1024x16xf32, #tpu.memory_space<vmem>>[vector<16xi32>, vector<16xi32>], vector<16xf32>,
      %eq3A_837 = arith.cmpi eq, %add3A_836, %select_n3A_486 : vector<16xi32>
      %jit3A_838 = arith.constant 0x7F800000 : f32
      %broadcast_in_dim3A_839 = vector.broadcast %jit3A_838 : f32 to vector<16xf32>
      %select_n3A_840 = arith.select %eq3A_837, %broadcast_in_dim3A_839, %gather3A : vector<16xi1>, vector<16xf32>
      %eq3A_841 = arith.cmpi eq, %add3A_836, %select_n3A_582 : vector<16xi32>
      %jit3A_842 = arith.constant 0x7F800000 : f32
      %broadcast_in_dim3A_843 = vector.broadcast %jit3A_842 : f32 to vector<16xf32>
      %select_n3A_844 = arith.select %eq3A_841, %broadcast_in_dim3A_843, %select_n3A_840 : vector<16xi1>, vector<16xf32>
      %lt3A_845 = arith.cmpf olt, %select_n3A_844, %scan3A_821 : vector<16xf32>
      %lt3A_846 = arith.cmpf olt, %select_n3A_844, %scan3A_823 : vector<16xf32>
      %select_n3A_847 = arith.select %lt3A_846, %select_n3A_844, %scan3A_823 : vector<16xi1>, vector<16xf32>
      %select_n3A_848 = arith.select %lt3A_845, %scan3A_821, %select_n3A_847 : vector<16xi1>, vector<16xf32>
      %select_n3A_849 = arith.select %lt3A_845, %select_n3A_844, %scan3A_821 : vector<16xi1>, vector<16xf32>
      %select_n3A_850 = arith.select %lt3A_845, %add3A_836, %scan3A_822 : vector<16xi1>, vector<16xi32>
      %add3A_851 = arith.constant 32 : i32
      %add3A_852 = arith.addi %add3A_851, %scan3A_820 : i32
      %add3A_853 = vector.broadcast %add3A_852 : i32 to vector<16xi32>
      %add3A_854 = arith.addi %mul3A_657, %add3A_853 : vector<16xi32>
      %gather3A_855 = tpu.vector_load_idx %arg5[%add3A_854, %iota3A] : memref<1024x16xf32, #tpu.memory_space<vmem>>[vector<16xi32>, vector<16xi32>], vector<16xf32>,
      %eq3A_856 = arith.cmpi eq, %add3A_854, %select_n3A_486 : vector<16xi32>
      %jit3A_857 = arith.constant 0x7F800000 : f32
      %broadcast_in_dim3A_858 = vector.broadcast %jit3A_857 : f32 to vector<16xf32>
      %select_n3A_859 = arith.select %eq3A_856, %broadcast_in_dim3A_858, %gather3A_855 : vector<16xi1>, vector<16xf32>
      %eq3A_860 = arith.cmpi eq, %add3A_854, %select_n3A_582 : vector<16xi32>
      %jit3A_861 = arith.constant 0x7F800000 : f32
      %broadcast_in_dim3A_862 = vector.broadcast %jit3A_861 : f32 to vector<16xf32>
      %select_n3A_863 = arith.select %eq3A_860, %broadcast_in_dim3A_862, %select_n3A_859 : vector<16xi1>, vector<16xf32>
      %lt3A_864 = arith.cmpf olt, %select_n3A_863, %scan3A_824 : vector<16xf32>
      %lt3A_865 = arith.cmpf olt, %select_n3A_863, %scan3A_826 : vector<16xf32>
      %select_n3A_866 = arith.select %lt3A_865, %select_n3A_863, %scan3A_826 : vector<16xi1>, vector<16xf32>
      %select_n3A_867 = arith.select %lt3A_864, %scan3A_824, %select_n3A_866 : vector<16xi1>, vector<16xf32>
      %select_n3A_868 = arith.select %lt3A_864, %select_n3A_863, %scan3A_824 : vector<16xi1>, vector<16xf32>
      %select_n3A_869 = arith.select %lt3A_864, %add3A_854, %scan3A_825 : vector<16xi1>, vector<16xi32>
      %add3A_870 = arith.constant 64 : i32
      %add3A_871 = arith.addi %add3A_870, %scan3A_820 : i32
      %add3A_872 = vector.broadcast %add3A_871 : i32 to vector<16xi32>
      %add3A_873 = arith.addi %mul3A_657, %add3A_872 : vector<16xi32>
      %gather3A_874 = tpu.vector_load_idx %arg5[%add3A_873, %iota3A] : memref<1024x16xf32, #tpu.memory_space<vmem>>[vector<16xi32>, vector<16xi32>], vector<16xf32>,
      %eq3A_875 = arith.cmpi eq, %add3A_873, %select_n3A_486 : vector<16xi32>
      %jit3A_876 = arith.constant 0x7F800000 : f32
      %broadcast_in_dim3A_877 = vector.broadcast %jit3A_876 : f32 to vector<16xf32>
      %select_n3A_878 = arith.select %eq3A_875, %broadcast_in_dim3A_877, %gather3A_874 : vector<16xi1>, vector<16xf32>
      %eq3A_879 = arith.cmpi eq, %add3A_873, %select_n3A_582 : vector<16xi32>
      %jit3A_880 = arith.constant 0x7F800000 : f32
      %broadcast_in_dim3A_881 = vector.broadcast %jit3A_880 : f32 to vector<16xf32>
      %select_n3A_882 = arith.select %eq3A_879, %broadcast_in_dim3A_881, %select_n3A_878 : vector<16xi1>, vector<16xf32>
      %lt3A_883 = arith.cmpf olt, %select_n3A_882, %scan3A_827 : vector<16xf32>
      %lt3A_884 = arith.cmpf olt, %select_n3A_882, %scan3A_829 : vector<16xf32>
      %select_n3A_885 = arith.select %lt3A_884, %select_n3A_882, %scan3A_829 : vector<16xi1>, vector<16xf32>
      %select_n3A_886 = arith.select %lt3A_883, %scan3A_827, %select_n3A_885 : vector<16xi1>, vector<16xf32>
      %select_n3A_887 = arith.select %lt3A_883, %select_n3A_882, %scan3A_827 : vector<16xi1>, vector<16xf32>
      %select_n3A_888 = arith.select %lt3A_883, %add3A_873, %scan3A_828 : vector<16xi1>, vector<16xi32>
      %add3A_889 = arith.constant 96 : i32
      %add3A_890 = arith.addi %add3A_889, %scan3A_820 : i32
      %add3A_891 = vector.broadcast %add3A_890 : i32 to vector<16xi32>
      %add3A_892 = arith.addi %mul3A_657, %add3A_891 : vector<16xi32>
      %gather3A_893 = tpu.vector_load_idx %arg5[%add3A_892, %iota3A] : memref<1024x16xf32, #tpu.memory_space<vmem>>[vector<16xi32>, vector<16xi32>], vector<16xf32>,
      %eq3A_894 = arith.cmpi eq, %add3A_892, %select_n3A_486 : vector<16xi32>
      %jit3A_895 = arith.constant 0x7F800000 : f32
      %broadcast_in_dim3A_896 = vector.broadcast %jit3A_895 : f32 to vector<16xf32>
      %select_n3A_897 = arith.select %eq3A_894, %broadcast_in_dim3A_896, %gather3A_893 : vector<16xi1>, vector<16xf32>
      %eq3A_898 = arith.cmpi eq, %add3A_892, %select_n3A_582 : vector<16xi32>
      %jit3A_899 = arith.constant 0x7F800000 : f32
      %broadcast_in_dim3A_900 = vector.broadcast %jit3A_899 : f32 to vector<16xf32>
      %select_n3A_901 = arith.select %eq3A_898, %broadcast_in_dim3A_900, %select_n3A_897 : vector<16xi1>, vector<16xf32>
      %lt3A_902 = arith.cmpf olt, %select_n3A_901, %scan3A_830 : vector<16xf32>
      %lt3A_903 = arith.cmpf olt, %select_n3A_901, %scan3A_832 : vector<16xf32>
      %select_n3A_904 = arith.select %lt3A_903, %select_n3A_901, %scan3A_832 : vector<16xi1>, vector<16xf32>
      %select_n3A_905 = arith.select %lt3A_902, %scan3A_830, %select_n3A_904 : vector<16xi1>, vector<16xf32>
      %select_n3A_906 = arith.select %lt3A_902, %select_n3A_901, %scan3A_830 : vector<16xi1>, vector<16xf32>
      %select_n3A_907 = arith.select %lt3A_902, %add3A_892, %scan3A_831 : vector<16xi1>, vector<16xi32>
      scf.yield %select_n3A_849, %select_n3A_850, %select_n3A_848, %select_n3A_868, %select_n3A_869, %select_n3A_867, %select_n3A_887, %select_n3A_888, %select_n3A_886, %select_n3A_906, %select_n3A_907, %select_n3A_905 : vector<16xf32>, vector<16xi32>, vector<16xf32>, vector<16xf32>, vector<16xi32>, vector<16xf32>, vector<16xf32>, vector<16xi32>, vector<16xf32>, vector<16xf32>, vector<16xi32>, vector<16xf32>
    }
    %scan3A_663 = arith.constant 32 : i32
    %lt3A_664 = arith.cmpf olt, %scan3A_662#3, %scan3A_662#0 : vector<16xf32>
    %select_n3A_665 = arith.select %lt3A_664, %scan3A_662#3, %scan3A_662#0 : vector<16xi1>, vector<16xf32>
    %select_n3A_666 = arith.select %lt3A_664, %scan3A_662#4, %scan3A_662#1 : vector<16xi1>, vector<16xi32>
    %select_n3A_667 = arith.select %lt3A_664, %scan3A_662#0, %scan3A_662#3 : vector<16xi1>, vector<16xf32>
    %min3A_668 = arith.minimumf %scan3A_662#2, %scan3A_662#5 : vector<16xf32>
    %min3A_669 = arith.minimumf %min3A_668, %select_n3A_667 : vector<16xf32>
    %lt3A_670 = arith.cmpf olt, %scan3A_662#9, %scan3A_662#6 : vector<16xf32>
    %select_n3A_671 = arith.select %lt3A_670, %scan3A_662#9, %scan3A_662#6 : vector<16xi1>, vector<16xf32>
    %select_n3A_672 = arith.select %lt3A_670, %scan3A_662#10, %scan3A_662#7 : vector<16xi1>, vector<16xi32>
    %select_n3A_673 = arith.select %lt3A_670, %scan3A_662#6, %scan3A_662#9 : vector<16xi1>, vector<16xf32>
    %min3A_674 = arith.minimumf %scan3A_662#8, %scan3A_662#11 : vector<16xf32>
    %min3A_675 = arith.minimumf %min3A_674, %select_n3A_673 : vector<16xf32>
    %lt3A_676 = arith.cmpf olt, %select_n3A_671, %select_n3A_665 : vector<16xf32>
    %select_n3A_677 = arith.select %lt3A_676, %select_n3A_671, %select_n3A_665 : vector<16xi1>, vector<16xf32>
    %select_n3A_678 = arith.select %lt3A_676, %select_n3A_672, %select_n3A_666 : vector<16xi1>, vector<16xi32>
    %select_n3A_679 = arith.select %lt3A_676, %select_n3A_665, %select_n3A_671 : vector<16xi1>, vector<16xf32>
    %min3A_680 = arith.minimumf %min3A_669, %min3A_675 : vector<16xf32>
    %min3A_681 = arith.minimumf %min3A_680, %select_n3A_679 : vector<16xf32>
    %eq3A_682 = arith.constant 0 : i32
    %eq3A_683 = vector.broadcast %eq3A_682 : i32 to vector<16xi32>
    %eq3A_684 = arith.cmpi eq, %select_n3A_654, %eq3A_683 : vector<16xi32>
    %select_n3A_685 = arith.select %eq3A_684, %min3A_681, %select_n3A_589 : vector<16xi1>, vector<16xf32>
    %eq3A_686 = arith.constant 1 : i32
    %eq3A_687 = vector.broadcast %eq3A_686 : i32 to vector<16xi32>
    %eq3A_688 = arith.cmpi eq, %select_n3A_654, %eq3A_687 : vector<16xi32>
    %select_n3A_689 = arith.select %eq3A_688, %min3A_681, %select_n3A_593 : vector<16xi1>, vector<16xf32>
    %eq3A_690 = arith.constant 2 : i32
    %eq3A_691 = vector.broadcast %eq3A_690 : i32 to vector<16xi32>
    %eq3A_692 = arith.cmpi eq, %select_n3A_654, %eq3A_691 : vector<16xi32>
    %select_n3A_693 = arith.select %eq3A_692, %min3A_681, %select_n3A_597 : vector<16xi1>, vector<16xf32>
    %eq3A_694 = arith.constant 3 : i32
    %eq3A_695 = vector.broadcast %eq3A_694 : i32 to vector<16xi32>
    %eq3A_696 = arith.cmpi eq, %select_n3A_654, %eq3A_695 : vector<16xi32>
    %select_n3A_697 = arith.select %eq3A_696, %min3A_681, %select_n3A_601 : vector<16xi1>, vector<16xf32>
    %eq3A_698 = arith.constant 4 : i32
    %eq3A_699 = vector.broadcast %eq3A_698 : i32 to vector<16xi32>
    %eq3A_700 = arith.cmpi eq, %select_n3A_654, %eq3A_699 : vector<16xi32>
    %select_n3A_701 = arith.select %eq3A_700, %min3A_681, %select_n3A_605 : vector<16xi1>, vector<16xf32>
    %eq3A_702 = arith.constant 5 : i32
    %eq3A_703 = vector.broadcast %eq3A_702 : i32 to vector<16xi32>
    %eq3A_704 = arith.cmpi eq, %select_n3A_654, %eq3A_703 : vector<16xi32>
    %select_n3A_705 = arith.select %eq3A_704, %min3A_681, %select_n3A_609 : vector<16xi1>, vector<16xf32>
    %eq3A_706 = arith.constant 6 : i32
    %eq3A_707 = vector.broadcast %eq3A_706 : i32 to vector<16xi32>
    %eq3A_708 = arith.cmpi eq, %select_n3A_654, %eq3A_707 : vector<16xi32>
    %select_n3A_709 = arith.select %eq3A_708, %min3A_681, %select_n3A_613 : vector<16xi1>, vector<16xf32>
    %eq3A_710 = arith.constant 7 : i32
    %eq3A_711 = vector.broadcast %eq3A_710 : i32 to vector<16xi32>
    %eq3A_712 = arith.cmpi eq, %select_n3A_654, %eq3A_711 : vector<16xi32>
    %select_n3A_713 = arith.select %eq3A_712, %min3A_681, %select_n3A_617 : vector<16xi1>, vector<16xf32>
    %min3A_714 = arith.minimumf %select_n3A_685, %select_n3A_689 : vector<16xf32>
    %min3A_715 = arith.minimumf %min3A_714, %select_n3A_693 : vector<16xf32>
    %min3A_716 = arith.minimumf %min3A_715, %select_n3A_697 : vector<16xf32>
    %min3A_717 = arith.minimumf %min3A_716, %select_n3A_701 : vector<16xf32>
    %min3A_718 = arith.minimumf %min3A_717, %select_n3A_705 : vector<16xf32>
    %min3A_719 = arith.minimumf %min3A_718, %select_n3A_709 : vector<16xf32>
    %min3A_720 = arith.minimumf %min3A_719, %select_n3A_713 : vector<16xf32>
    %broadcast_in_dim3A_721 = arith.constant 7 : i32
    %broadcast_in_dim3A_722 = vector.broadcast %broadcast_in_dim3A_721 : i32 to vector<16xi32>
    %eq3A_723 = arith.cmpf oeq, %select_n3A_709, %min3A_720 : vector<16xf32>
    %jit3A_724 = arith.constant 6 : i32
    %broadcast_in_dim3A_725 = vector.broadcast %jit3A_724 : i32 to vector<16xi32>
    %select_n3A_726 = arith.select %eq3A_723, %broadcast_in_dim3A_725, %broadcast_in_dim3A_722 : vector<16xi1>, vector<16xi32>
    %eq3A_727 = arith.cmpf oeq, %select_n3A_705, %min3A_720 : vector<16xf32>
    %jit3A_728 = arith.constant 5 : i32
    %broadcast_in_dim3A_729 = vector.broadcast %jit3A_728 : i32 to vector<16xi32>
    %select_n3A_730 = arith.select %eq3A_727, %broadcast_in_dim3A_729, %select_n3A_726 : vector<16xi1>, vector<16xi32>
    %eq3A_731 = arith.cmpf oeq, %select_n3A_701, %min3A_720 : vector<16xf32>
    %jit3A_732 = arith.constant 4 : i32
    %broadcast_in_dim3A_733 = vector.broadcast %jit3A_732 : i32 to vector<16xi32>
    %select_n3A_734 = arith.select %eq3A_731, %broadcast_in_dim3A_733, %select_n3A_730 : vector<16xi1>, vector<16xi32>
    %eq3A_735 = arith.cmpf oeq, %select_n3A_697, %min3A_720 : vector<16xf32>
    %jit3A_736 = arith.constant 3 : i32
    %broadcast_in_dim3A_737 = vector.broadcast %jit3A_736 : i32 to vector<16xi32>
    %select_n3A_738 = arith.select %eq3A_735, %broadcast_in_dim3A_737, %select_n3A_734 : vector<16xi1>, vector<16xi32>
    %eq3A_739 = arith.cmpf oeq, %select_n3A_693, %min3A_720 : vector<16xf32>
    %jit3A_740 = arith.constant 2 : i32
    %broadcast_in_dim3A_741 = vector.broadcast %jit3A_740 : i32 to vector<16xi32>
    %select_n3A_742 = arith.select %eq3A_739, %broadcast_in_dim3A_741, %select_n3A_738 : vector<16xi1>, vector<16xi32>
    %eq3A_743 = arith.cmpf oeq, %select_n3A_689, %min3A_720 : vector<16xf32>
    %jit3A_744 = arith.constant 1 : i32
    %broadcast_in_dim3A_745 = vector.broadcast %jit3A_744 : i32 to vector<16xi32>
    %select_n3A_746 = arith.select %eq3A_743, %broadcast_in_dim3A_745, %select_n3A_742 : vector<16xi1>, vector<16xi32>
    %eq3A_747 = arith.cmpf oeq, %select_n3A_685, %min3A_720 : vector<16xf32>
    %jit3A_748 = arith.constant 0 : i32
    %broadcast_in_dim3A_749 = vector.broadcast %jit3A_748 : i32 to vector<16xi32>
    %select_n3A_750 = arith.select %eq3A_747, %broadcast_in_dim3A_749, %select_n3A_746 : vector<16xi1>, vector<16xi32>
    %mul3A_751 = arith.constant 128 : i32
    %mul3A_752 = vector.broadcast %mul3A_751 : i32 to vector<16xi32>
    %mul3A_753 = arith.muli %select_n3A_750, %mul3A_752 : vector<16xi32>
    %scan3A_754 = arith.constant 0 : i32
    %scan3A_755 = arith.constant 32 : i32
    %scan3A_756 = arith.addi %scan3A_754, %scan3A_755 : i32
    %scan3A_757 = arith.constant 1 : i32
    %scan3A_758:12 = scf.for %scan3A_820 = %scan3A_754 to %scan3A_756 step %scan3A_757 iter_args(%scan3A_821 = %broadcast_in_dim3A_417, %scan3A_822 = %broadcast_in_dim3A_419, %scan3A_823 = %broadcast_in_dim3A_417, %scan3A_824 = %broadcast_in_dim3A_417, %scan3A_825 = %broadcast_in_dim3A_419, %scan3A_826 = %broadcast_in_dim3A_417, %scan3A_827 = %broadcast_in_dim3A_417, %scan3A_828 = %broadcast_in_dim3A_419, %scan3A_829 = %broadcast_in_dim3A_417, %scan3A_830 = %broadcast_in_dim3A_417, %scan3A_831 = %broadcast_in_dim3A_419, %scan3A_832 = %broadcast_in_dim3A_417) -> (vector<16xf32>, vector<16xi32>, vector<16xf32>, vector<16xf32>, vector<16xi32>, vector<16xf32>, vector<16xf32>, vector<16xi32>, vector<16xf32>, vector<16xf32>, vector<16xi32>, vector<16xf32>)  : i32 {
      %add3A_833 = arith.constant 0 : i32
      %add3A_834 = arith.addi %add3A_833, %scan3A_820 : i32
      %add3A_835 = vector.broadcast %add3A_834 : i32 to vector<16xi32>
      %add3A_836 = arith.addi %mul3A_753, %add3A_835 : vector<16xi32>
      %gather3A = tpu.vector_load_idx %arg5[%add3A_836, %iota3A] : memref<1024x16xf32, #tpu.memory_space<vmem>>[vector<16xi32>, vector<16xi32>], vector<16xf32>,
      %eq3A_837 = arith.cmpi eq, %add3A_836, %select_n3A_486 : vector<16xi32>
      %jit3A_838 = arith.constant 0x7F800000 : f32
      %broadcast_in_dim3A_839 = vector.broadcast %jit3A_838 : f32 to vector<16xf32>
      %select_n3A_840 = arith.select %eq3A_837, %broadcast_in_dim3A_839, %gather3A : vector<16xi1>, vector<16xf32>
      %eq3A_841 = arith.cmpi eq, %add3A_836, %select_n3A_582 : vector<16xi32>
      %jit3A_842 = arith.constant 0x7F800000 : f32
      %broadcast_in_dim3A_843 = vector.broadcast %jit3A_842 : f32 to vector<16xf32>
      %select_n3A_844 = arith.select %eq3A_841, %broadcast_in_dim3A_843, %select_n3A_840 : vector<16xi1>, vector<16xf32>
      %eq3A_845 = arith.cmpi eq, %add3A_836, %select_n3A_678 : vector<16xi32>
      %jit3A_846 = arith.constant 0x7F800000 : f32
      %broadcast_in_dim3A_847 = vector.broadcast %jit3A_846 : f32 to vector<16xf32>
      %select_n3A_848 = arith.select %eq3A_845, %broadcast_in_dim3A_847, %select_n3A_844 : vector<16xi1>, vector<16xf32>
      %lt3A_849 = arith.cmpf olt, %select_n3A_848, %scan3A_821 : vector<16xf32>
      %lt3A_850 = arith.cmpf olt, %select_n3A_848, %scan3A_823 : vector<16xf32>
      %select_n3A_851 = arith.select %lt3A_850, %select_n3A_848, %scan3A_823 : vector<16xi1>, vector<16xf32>
      %select_n3A_852 = arith.select %lt3A_849, %scan3A_821, %select_n3A_851 : vector<16xi1>, vector<16xf32>
      %select_n3A_853 = arith.select %lt3A_849, %select_n3A_848, %scan3A_821 : vector<16xi1>, vector<16xf32>
      %select_n3A_854 = arith.select %lt3A_849, %add3A_836, %scan3A_822 : vector<16xi1>, vector<16xi32>
      %add3A_855 = arith.constant 32 : i32
      %add3A_856 = arith.addi %add3A_855, %scan3A_820 : i32
      %add3A_857 = vector.broadcast %add3A_856 : i32 to vector<16xi32>
      %add3A_858 = arith.addi %mul3A_753, %add3A_857 : vector<16xi32>
      %gather3A_859 = tpu.vector_load_idx %arg5[%add3A_858, %iota3A] : memref<1024x16xf32, #tpu.memory_space<vmem>>[vector<16xi32>, vector<16xi32>], vector<16xf32>,
      %eq3A_860 = arith.cmpi eq, %add3A_858, %select_n3A_486 : vector<16xi32>
      %jit3A_861 = arith.constant 0x7F800000 : f32
      %broadcast_in_dim3A_862 = vector.broadcast %jit3A_861 : f32 to vector<16xf32>
      %select_n3A_863 = arith.select %eq3A_860, %broadcast_in_dim3A_862, %gather3A_859 : vector<16xi1>, vector<16xf32>
      %eq3A_864 = arith.cmpi eq, %add3A_858, %select_n3A_582 : vector<16xi32>
      %jit3A_865 = arith.constant 0x7F800000 : f32
      %broadcast_in_dim3A_866 = vector.broadcast %jit3A_865 : f32 to vector<16xf32>
      %select_n3A_867 = arith.select %eq3A_864, %broadcast_in_dim3A_866, %select_n3A_863 : vector<16xi1>, vector<16xf32>
      %eq3A_868 = arith.cmpi eq, %add3A_858, %select_n3A_678 : vector<16xi32>
      %jit3A_869 = arith.constant 0x7F800000 : f32
      %broadcast_in_dim3A_870 = vector.broadcast %jit3A_869 : f32 to vector<16xf32>
      %select_n3A_871 = arith.select %eq3A_868, %broadcast_in_dim3A_870, %select_n3A_867 : vector<16xi1>, vector<16xf32>
      %lt3A_872 = arith.cmpf olt, %select_n3A_871, %scan3A_824 : vector<16xf32>
      %lt3A_873 = arith.cmpf olt, %select_n3A_871, %scan3A_826 : vector<16xf32>
      %select_n3A_874 = arith.select %lt3A_873, %select_n3A_871, %scan3A_826 : vector<16xi1>, vector<16xf32>
      %select_n3A_875 = arith.select %lt3A_872, %scan3A_824, %select_n3A_874 : vector<16xi1>, vector<16xf32>
      %select_n3A_876 = arith.select %lt3A_872, %select_n3A_871, %scan3A_824 : vector<16xi1>, vector<16xf32>
      %select_n3A_877 = arith.select %lt3A_872, %add3A_858, %scan3A_825 : vector<16xi1>, vector<16xi32>
      %add3A_878 = arith.constant 64 : i32
      %add3A_879 = arith.addi %add3A_878, %scan3A_820 : i32
      %add3A_880 = vector.broadcast %add3A_879 : i32 to vector<16xi32>
      %add3A_881 = arith.addi %mul3A_753, %add3A_880 : vector<16xi32>
      %gather3A_882 = tpu.vector_load_idx %arg5[%add3A_881, %iota3A] : memref<1024x16xf32, #tpu.memory_space<vmem>>[vector<16xi32>, vector<16xi32>], vector<16xf32>,
      %eq3A_883 = arith.cmpi eq, %add3A_881, %select_n3A_486 : vector<16xi32>
      %jit3A_884 = arith.constant 0x7F800000 : f32
      %broadcast_in_dim3A_885 = vector.broadcast %jit3A_884 : f32 to vector<16xf32>
      %select_n3A_886 = arith.select %eq3A_883, %broadcast_in_dim3A_885, %gather3A_882 : vector<16xi1>, vector<16xf32>
      %eq3A_887 = arith.cmpi eq, %add3A_881, %select_n3A_582 : vector<16xi32>
      %jit3A_888 = arith.constant 0x7F800000 : f32
      %broadcast_in_dim3A_889 = vector.broadcast %jit3A_888 : f32 to vector<16xf32>
      %select_n3A_890 = arith.select %eq3A_887, %broadcast_in_dim3A_889, %select_n3A_886 : vector<16xi1>, vector<16xf32>
      %eq3A_891 = arith.cmpi eq, %add3A_881, %select_n3A_678 : vector<16xi32>
      %jit3A_892 = arith.constant 0x7F800000 : f32
      %broadcast_in_dim3A_893 = vector.broadcast %jit3A_892 : f32 to vector<16xf32>
      %select_n3A_894 = arith.select %eq3A_891, %broadcast_in_dim3A_893, %select_n3A_890 : vector<16xi1>, vector<16xf32>
      %lt3A_895 = arith.cmpf olt, %select_n3A_894, %scan3A_827 : vector<16xf32>
      %lt3A_896 = arith.cmpf olt, %select_n3A_894, %scan3A_829 : vector<16xf32>
      %select_n3A_897 = arith.select %lt3A_896, %select_n3A_894, %scan3A_829 : vector<16xi1>, vector<16xf32>
      %select_n3A_898 = arith.select %lt3A_895, %scan3A_827, %select_n3A_897 : vector<16xi1>, vector<16xf32>
      %select_n3A_899 = arith.select %lt3A_895, %select_n3A_894, %scan3A_827 : vector<16xi1>, vector<16xf32>
      %select_n3A_900 = arith.select %lt3A_895, %add3A_881, %scan3A_828 : vector<16xi1>, vector<16xi32>
      %add3A_901 = arith.constant 96 : i32
      %add3A_902 = arith.addi %add3A_901, %scan3A_820 : i32
      %add3A_903 = vector.broadcast %add3A_902 : i32 to vector<16xi32>
      %add3A_904 = arith.addi %mul3A_753, %add3A_903 : vector<16xi32>
      %gather3A_905 = tpu.vector_load_idx %arg5[%add3A_904, %iota3A] : memref<1024x16xf32, #tpu.memory_space<vmem>>[vector<16xi32>, vector<16xi32>], vector<16xf32>,
      %eq3A_906 = arith.cmpi eq, %add3A_904, %select_n3A_486 : vector<16xi32>
      %jit3A_907 = arith.constant 0x7F800000 : f32
      %broadcast_in_dim3A_908 = vector.broadcast %jit3A_907 : f32 to vector<16xf32>
      %select_n3A_909 = arith.select %eq3A_906, %broadcast_in_dim3A_908, %gather3A_905 : vector<16xi1>, vector<16xf32>
      %eq3A_910 = arith.cmpi eq, %add3A_904, %select_n3A_582 : vector<16xi32>
      %jit3A_911 = arith.constant 0x7F800000 : f32
      %broadcast_in_dim3A_912 = vector.broadcast %jit3A_911 : f32 to vector<16xf32>
      %select_n3A_913 = arith.select %eq3A_910, %broadcast_in_dim3A_912, %select_n3A_909 : vector<16xi1>, vector<16xf32>
      %eq3A_914 = arith.cmpi eq, %add3A_904, %select_n3A_678 : vector<16xi32>
      %jit3A_915 = arith.constant 0x7F800000 : f32
      %broadcast_in_dim3A_916 = vector.broadcast %jit3A_915 : f32 to vector<16xf32>
      %select_n3A_917 = arith.select %eq3A_914, %broadcast_in_dim3A_916, %select_n3A_913 : vector<16xi1>, vector<16xf32>
      %lt3A_918 = arith.cmpf olt, %select_n3A_917, %scan3A_830 : vector<16xf32>
      %lt3A_919 = arith.cmpf olt, %select_n3A_917, %scan3A_832 : vector<16xf32>
      %select_n3A_920 = arith.select %lt3A_919, %select_n3A_917, %scan3A_832 : vector<16xi1>, vector<16xf32>
      %select_n3A_921 = arith.select %lt3A_918, %scan3A_830, %select_n3A_920 : vector<16xi1>, vector<16xf32>
      %select_n3A_922 = arith.select %lt3A_918, %select_n3A_917, %scan3A_830 : vector<16xi1>, vector<16xf32>
      %select_n3A_923 = arith.select %lt3A_918, %add3A_904, %scan3A_831 : vector<16xi1>, vector<16xi32>
      scf.yield %select_n3A_853, %select_n3A_854, %select_n3A_852, %select_n3A_876, %select_n3A_877, %select_n3A_875, %select_n3A_899, %select_n3A_900, %select_n3A_898, %select_n3A_922, %select_n3A_923, %select_n3A_921 : vector<16xf32>, vector<16xi32>, vector<16xf32>, vector<16xf32>, vector<16xi32>, vector<16xf32>, vector<16xf32>, vector<16xi32>, vector<16xf32>, vector<16xf32>, vector<16xi32>, vector<16xf32>
    }
    %scan3A_759 = arith.constant 32 : i32
    %lt3A_760 = arith.cmpf olt, %scan3A_758#3, %scan3A_758#0 : vector<16xf32>
    %select_n3A_761 = arith.select %lt3A_760, %scan3A_758#3, %scan3A_758#0 : vector<16xi1>, vector<16xf32>
    %select_n3A_762 = arith.select %lt3A_760, %scan3A_758#4, %scan3A_758#1 : vector<16xi1>, vector<16xi32>
    %select_n3A_763 = arith.select %lt3A_760, %scan3A_758#0, %scan3A_758#3 : vector<16xi1>, vector<16xf32>
    %min3A_764 = arith.minimumf %scan3A_758#2, %scan3A_758#5 : vector<16xf32>
    %min3A_765 = arith.minimumf %min3A_764, %select_n3A_763 : vector<16xf32>
    %lt3A_766 = arith.cmpf olt, %scan3A_758#9, %scan3A_758#6 : vector<16xf32>
    %select_n3A_767 = arith.select %lt3A_766, %scan3A_758#9, %scan3A_758#6 : vector<16xi1>, vector<16xf32>
    %select_n3A_768 = arith.select %lt3A_766, %scan3A_758#10, %scan3A_758#7 : vector<16xi1>, vector<16xi32>
    %select_n3A_769 = arith.select %lt3A_766, %scan3A_758#6, %scan3A_758#9 : vector<16xi1>, vector<16xf32>
    %min3A_770 = arith.minimumf %scan3A_758#8, %scan3A_758#11 : vector<16xf32>
    %min3A_771 = arith.minimumf %min3A_770, %select_n3A_769 : vector<16xf32>
    %lt3A_772 = arith.cmpf olt, %select_n3A_767, %select_n3A_761 : vector<16xf32>
    %select_n3A_773 = arith.select %lt3A_772, %select_n3A_767, %select_n3A_761 : vector<16xi1>, vector<16xf32>
    %select_n3A_774 = arith.select %lt3A_772, %select_n3A_768, %select_n3A_762 : vector<16xi1>, vector<16xi32>
    %select_n3A_775 = arith.select %lt3A_772, %select_n3A_761, %select_n3A_767 : vector<16xi1>, vector<16xf32>
    %min3A_776 = arith.minimumf %min3A_765, %min3A_771 : vector<16xf32>
    %min3A_777 = arith.minimumf %min3A_776, %select_n3A_775 : vector<16xf32>
    %eq3A_778 = arith.constant 0 : i32
    %eq3A_779 = vector.broadcast %eq3A_778 : i32 to vector<16xi32>
    %eq3A_780 = arith.cmpi eq, %select_n3A_750, %eq3A_779 : vector<16xi32>
    %select_n3A_781 = arith.select %eq3A_780, %min3A_777, %select_n3A_685 : vector<16xi1>, vector<16xf32>
    %eq3A_782 = arith.constant 1 : i32
    %eq3A_783 = vector.broadcast %eq3A_782 : i32 to vector<16xi32>
    %eq3A_784 = arith.cmpi eq, %select_n3A_750, %eq3A_783 : vector<16xi32>
    %select_n3A_785 = arith.select %eq3A_784, %min3A_777, %select_n3A_689 : vector<16xi1>, vector<16xf32>
    %eq3A_786 = arith.constant 2 : i32
    %eq3A_787 = vector.broadcast %eq3A_786 : i32 to vector<16xi32>
    %eq3A_788 = arith.cmpi eq, %select_n3A_750, %eq3A_787 : vector<16xi32>
    %select_n3A_789 = arith.select %eq3A_788, %min3A_777, %select_n3A_693 : vector<16xi1>, vector<16xf32>
    %eq3A_790 = arith.constant 3 : i32
    %eq3A_791 = vector.broadcast %eq3A_790 : i32 to vector<16xi32>
    %eq3A_792 = arith.cmpi eq, %select_n3A_750, %eq3A_791 : vector<16xi32>
    %select_n3A_793 = arith.select %eq3A_792, %min3A_777, %select_n3A_697 : vector<16xi1>, vector<16xf32>
    %eq3A_794 = arith.constant 4 : i32
    %eq3A_795 = vector.broadcast %eq3A_794 : i32 to vector<16xi32>
    %eq3A_796 = arith.cmpi eq, %select_n3A_750, %eq3A_795 : vector<16xi32>
    %select_n3A_797 = arith.select %eq3A_796, %min3A_777, %select_n3A_701 : vector<16xi1>, vector<16xf32>
    %eq3A_798 = arith.constant 5 : i32
    %eq3A_799 = vector.broadcast %eq3A_798 : i32 to vector<16xi32>
    %eq3A_800 = arith.cmpi eq, %select_n3A_750, %eq3A_799 : vector<16xi32>
    %select_n3A_801 = arith.select %eq3A_800, %min3A_777, %select_n3A_705 : vector<16xi1>, vector<16xf32>
    %eq3A_802 = arith.constant 6 : i32
    %eq3A_803 = vector.broadcast %eq3A_802 : i32 to vector<16xi32>
    %eq3A_804 = arith.cmpi eq, %select_n3A_750, %eq3A_803 : vector<16xi32>
    %select_n3A_805 = arith.select %eq3A_804, %min3A_777, %select_n3A_709 : vector<16xi1>, vector<16xf32>
    %eq3A_806 = arith.constant 7 : i32
    %eq3A_807 = vector.broadcast %eq3A_806 : i32 to vector<16xi32>
    %eq3A_808 = arith.cmpi eq, %select_n3A_750, %eq3A_807 : vector<16xi32>
    %select_n3A_809 = arith.select %eq3A_808, %min3A_777, %select_n3A_713 : vector<16xi1>, vector<16xf32>
    %broadcast_in_dim3A_810 = arith.constant 0 : i32
    %broadcast_in_dim3A_811 = vector.broadcast %broadcast_in_dim3A_810 : i32 to vector<16xi32>
    tpu.vector_store_idx %arg6[%iota3A, %broadcast_in_dim3A_811], %select_n3A_486 : memref<16x4xi32, #tpu.memory_space<vmem>>[vector<16xi32>, vector<16xi32>], vector<16xi32>,
    %broadcast_in_dim3A_812 = arith.constant 1 : i32
    %broadcast_in_dim3A_813 = vector.broadcast %broadcast_in_dim3A_812 : i32 to vector<16xi32>
    tpu.vector_store_idx %arg6[%iota3A, %broadcast_in_dim3A_813], %select_n3A_582 : memref<16x4xi32, #tpu.memory_space<vmem>>[vector<16xi32>, vector<16xi32>], vector<16xi32>,
    %broadcast_in_dim3A_814 = arith.constant 2 : i32
    %broadcast_in_dim3A_815 = vector.broadcast %broadcast_in_dim3A_814 : i32 to vector<16xi32>
    tpu.vector_store_idx %arg6[%iota3A, %broadcast_in_dim3A_815], %select_n3A_678 : memref<16x4xi32, #tpu.memory_space<vmem>>[vector<16xi32>, vector<16xi32>], vector<16xi32>,
    %broadcast_in_dim3A_816 = arith.constant 3 : i32
    %broadcast_in_dim3A_817 = vector.broadcast %broadcast_in_dim3A_816 : i32 to vector<16xi32>
    tpu.vector_store_idx %arg6[%iota3A, %broadcast_in_dim3A_817], %select_n3A_774 : memref<16x4xi32, #tpu.memory_space<vmem>>[vector<16xi32>, vector<16xi32>], vector<16xi32>,
    %add3A_818 = arith.constant 16 : i32
    %add3A_819 = arith.addi %mul3A_2, %add3A_818 : i32
    "tpu.region"() ({
      %run_scoped3A = tpu.sem_alloc : memref<!tpu.dma_semaphore, #tpu.memory_space<semaphore_mem>>
      %dma_start3A_820 = arith.constant 0 : i32
      %dma_start3A_821 = tpu.memref_slice %arg3[%add3A_819, %dma_start3A_820] : memref<1024x4xi32, #tpu.memory_space<hbm>> -> memref<16x4xi32, #tpu.memory_space<hbm>>
      %dma_start3A_822 = arith.constant 0 : i32
      %dma_start3A_823 = tpu.memref_slice %arg3[%add3A_819, %dma_start3A_822] : memref<1024x4xi32, #tpu.memory_space<hbm>> -> memref<16x4xi32, #tpu.memory_space<hbm>>
      tpu.enqueue_dma source(%arg6 : memref<16x4xi32, #tpu.memory_space<vmem>>) target(%dma_start3A_823 : memref<16x4xi32, #tpu.memory_space<hbm>>) target_semaphore(%run_scoped3A : memref<!tpu.dma_semaphore, #tpu.memory_space<semaphore_mem>>)
      %dma_wait3A_824 = arith.constant 0 : i32
      %dma_wait3A_825 = tpu.memref_slice %arg3[%add3A_819, %dma_wait3A_824] : memref<1024x4xi32, #tpu.memory_space<hbm>> -> memref<16x4xi32, #tpu.memory_space<hbm>>
      %dma_wait3A_826 = arith.constant 0 : i32
      %dma_wait3A_827 = tpu.memref_slice %arg3[%add3A_819, %dma_wait3A_826] : memref<1024x4xi32, #tpu.memory_space<hbm>> -> memref<16x4xi32, #tpu.memory_space<hbm>>
      tpu.wait_dma2 semaphore(%run_scoped3A : memref<!tpu.dma_semaphore, #tpu.memory_space<semaphore_mem>>) src(%arg6 : memref<16x4xi32, #tpu.memory_space<vmem>>) dst(%dma_wait3A_827 : memref<16x4xi32, #tpu.memory_space<hbm>>)
      tpu.yield
    }) : () -> ()
    return
  }
}

module attributes {stable_mosaic.version = 14 : i64} {
  func.func @_dist_body(%arg0: i32, %arg1: memref<1024x128xf32, #tpu.memory_space<vmem>>, %arg2: memref<256x1024xf32, #tpu.memory_space<vmem>>) attributes {dimension_semantics = [#tpu.dimension_semantics<arbitrary>], iteration_bounds = array<i64: 4>, scalar_prefetch = 0 : i64, scratch_operands = 0 : i64, tpu.core_type = #tpu.core_type<tc>, window_params = [{pipeline_mode = #tpu.pipeline_mode<synchronous>, transform_indices = @transform_0, window_bounds = array<i64: 1024, 128>}, {transform_indices = @transform_1, window_bounds = array<i64: 256, 1024>}]} {
    %get3A = arith.constant 0 : index
    %get3A_0 = arith.constant 0 : index
    %get3A_1 = vector.load %arg1[%get3A, %get3A_0] : memref<1024x128xf32, #tpu.memory_space<vmem>>, vector<1024x128xf32>
    %mul3A = arith.constant 256 : i32
    %mul3A_2 = arith.muli %arg0, %mul3A : i32
    %get3A_3 = arith.index_cast %mul3A_2 : i32 to index
    %get3A_4 = arith.constant 0 : index
    %get3A_5 = vector.load %arg1[%get3A_3, %get3A_4] : memref<1024x128xf32, #tpu.memory_space<vmem>>, vector<256x128xf32>
    %dot_general3A = arith.constant dense<0.000000e+00> : vector<256x1024xf32>
    %dot_general3A_6 = tpu.matmul %get3A_5, %get3A_1, %dot_general3A {dimension_numbers = #tpu.dot_dimension_numbers<[1], [1], [0], [0], [0, 0, 1, 0], [], []>, precision = #tpu.contract_precision<fp32>, transpose_lhs_hint = false} : vector<256x128xf32>, vector<1024x128xf32>, vector<256x1024xf32> -> vector<256x1024xf32>
    %mul3A_7 = arith.mulf %get3A_1, %get3A_1 : vector<1024x128xf32>
    %reduce_sum3A = arith.constant dense<0.000000e+00> : vector<1024xf32>
    %reduce_sum3A_8 = vector.multi_reduction <add>, %mul3A_7, %reduce_sum3A [1] : vector<1024x128xf32> to vector<1024xf32>
    %broadcast_in_dim3A = vector.shape_cast %reduce_sum3A_8 : vector<1024xf32> to vector<1x1024xf32>
    %mul3A_9 = arith.mulf %get3A_5, %get3A_5 : vector<256x128xf32>
    %reduce_sum3A_10 = arith.constant dense<0.000000e+00> : vector<256xf32>
    %reduce_sum3A_11 = vector.multi_reduction <add>, %mul3A_9, %reduce_sum3A_10 [1] : vector<256x128xf32> to vector<256xf32>
    %broadcast_in_dim3A_12 = vector.shape_cast %reduce_sum3A_11 : vector<256xf32> to vector<256x1xf32>
    %add3A = vector.broadcast %broadcast_in_dim3A_12 : vector<256x1xf32> to vector<256x1024xf32>
    %add3A_13 = vector.broadcast %broadcast_in_dim3A : vector<1x1024xf32> to vector<256x1024xf32>
    %add3A_14 = arith.addf %add3A, %add3A_13 : vector<256x1024xf32>
    %mul3A_15 = arith.constant 2.000000e+00 : f32
    %mul3A_16 = vector.broadcast %mul3A_15 : f32 to vector<256x1024xf32>
    %mul3A_17 = arith.mulf %mul3A_16, %dot_general3A_6 : vector<256x1024xf32>
    %sub3A = arith.subf %add3A_14, %mul3A_17 : vector<256x1024xf32>
    %swap3A = arith.constant 0 : index
    %swap3A_18 = arith.constant 0 : index
    %swap3A_19 = vector.load %arg2[%swap3A, %swap3A_18] : memref<256x1024xf32, #tpu.memory_space<vmem>>, vector<256x1024xf32>
    tpu.vector_store %arg2[%swap3A, %swap3A_18], %sub3A {strides = array<i32>} : memref<256x1024xf32, #tpu.memory_space<vmem>>, vector<256x1024xf32>,
    return
  }
  func.func @transform_0(%arg0: i32) -> (i32, i32) {
    %c0_i32 = arith.constant 0 : i32
    %c0_i32_0 = arith.constant 0 : i32
    %c0_i32_1 = arith.constant 0 : i32
    return %c0_i32, %c0_i32_0 : i32, i32
  }
  func.func @transform_1(%arg0: i32) -> (i32, i32) {
    %c0_i32 = arith.constant 0 : i32
    %c0_i32_0 = arith.constant 0 : i32
    return %arg0, %c0_i32 : i32, i32
  }
}

module attributes {stable_mosaic.version = 14 : i64} {
  func.func @_dec_body(%arg0: i32, %arg1: memref<1024x128xf32, #tpu.memory_space<vmem>>, %arg2: memref<256x4xi32, #tpu.memory_space<vmem>>, %arg3: memref<256x256xf32, #tpu.memory_space<vmem>>, %arg4: memref<256xf32, #tpu.memory_space<vmem>>, %arg5: memref<256x256xf32, #tpu.memory_space<vmem>>, %arg6: memref<256xf32, #tpu.memory_space<vmem>>, %arg7: memref<256x128xf32, #tpu.memory_space<vmem>>, %arg8: memref<256x128xf32, #tpu.memory_space<vmem>>, %arg9: memref<1x1xf32, #tpu.memory_space<vmem>>) attributes {dimension_semantics = [#tpu.dimension_semantics<arbitrary>], iteration_bounds = array<i64: 4>, scalar_prefetch = 0 : i64, scratch_operands = 0 : i64, tpu.core_type = #tpu.core_type<tc>, window_params = [{pipeline_mode = #tpu.pipeline_mode<synchronous>, transform_indices = @transform_0, window_bounds = array<i64: 1024, 128>}, {transform_indices = @transform_1, window_bounds = array<i64: 256, 4>}, {pipeline_mode = #tpu.pipeline_mode<synchronous>, transform_indices = @transform_2, window_bounds = array<i64: 256, 256>}, {pipeline_mode = #tpu.pipeline_mode<synchronous>, transform_indices = @transform_3, window_bounds = array<i64: 256>}, {pipeline_mode = #tpu.pipeline_mode<synchronous>, transform_indices = @transform_4, window_bounds = array<i64: 256, 256>}, {pipeline_mode = #tpu.pipeline_mode<synchronous>, transform_indices = @transform_5, window_bounds = array<i64: 256>}, {transform_indices = @transform_6, window_bounds = array<i64: 256, 128>}, {transform_indices = @transform_7, window_bounds = array<i64: 256, 128>}, {pipeline_mode = #tpu.pipeline_mode<synchronous>, transform_indices = @transform_8, window_bounds = array<i64: 1, 1>}]} {
    %get3A = arith.constant 0 : index
    %get3A_0 = arith.constant 0 : index
    %get3A_1 = vector.load %arg1[%get3A, %get3A_0] : memref<1024x128xf32, #tpu.memory_space<vmem>>, vector<1024x128xf32>
    %mul3A = arith.constant 256 : i32
    %mul3A_2 = arith.muli %arg0, %mul3A : i32
    %get3A_3 = arith.index_cast %mul3A_2 : i32 to index
    %get3A_4 = arith.constant 0 : index
    %get3A_5 = vector.load %arg1[%get3A_3, %get3A_4] : memref<1024x128xf32, #tpu.memory_space<vmem>>, vector<256x128xf32>
    %get3A_6 = arith.constant 0 : index
    %get3A_7 = arith.constant 0 : index
    %get3A_8 = vector.load %arg2[%get3A_6, %get3A_7] : memref<256x4xi32, #tpu.memory_space<vmem>>, vector<256x4xi32>
    %iota3A = tpu.iota {dimensions = array<i32: 1>} : vector<256x1024xi32>
    %slice3A = vector.extract_strided_slice %get3A_8 {offsets = [0, 0], sizes = [256, 1], strides = [1, 1]} : vector<256x4xi32> to vector<256x1xi32>
    %eq3A = vector.broadcast %slice3A : vector<256x1xi32> to vector<256x1024xi32>
    %eq3A_9 = arith.cmpi eq, %iota3A, %eq3A : vector<256x1024xi32>
    %convert_element_type3A = arith.extui %eq3A_9 : vector<256x1024xi1> to vector<256x1024xi32>
    %convert_element_type3A_10 = arith.sitofp %convert_element_type3A : vector<256x1024xi32> to vector<256x1024xf32>
    %dot_general3A = arith.constant dense<0.000000e+00> : vector<256x128xf32>
    %dot_general3A_11 = tpu.matmul %convert_element_type3A_10, %get3A_1, %dot_general3A {dimension_numbers = #tpu.dot_dimension_numbers<[1], [0], [0], [1], [0, 0, 1, 1], [], []>, transpose_lhs_hint = false} : vector<256x1024xf32>, vector<1024x128xf32>, vector<256x128xf32> -> vector<256x128xf32>
    %slice3A_12 = vector.extract_strided_slice %get3A_8 {offsets = [0, 1], sizes = [256, 1], strides = [1, 1]} : vector<256x4xi32> to vector<256x1xi32>
    %eq3A_13 = vector.broadcast %slice3A_12 : vector<256x1xi32> to vector<256x1024xi32>
    %eq3A_14 = arith.cmpi eq, %iota3A, %eq3A_13 : vector<256x1024xi32>
    %convert_element_type3A_15 = arith.extui %eq3A_14 : vector<256x1024xi1> to vector<256x1024xi32>
    %convert_element_type3A_16 = arith.sitofp %convert_element_type3A_15 : vector<256x1024xi32> to vector<256x1024xf32>
    %dot_general3A_17 = arith.constant dense<0.000000e+00> : vector<256x128xf32>
    %dot_general3A_18 = tpu.matmul %convert_element_type3A_16, %get3A_1, %dot_general3A_17 {dimension_numbers = #tpu.dot_dimension_numbers<[1], [0], [0], [1], [0, 0, 1, 1], [], []>, transpose_lhs_hint = false} : vector<256x1024xf32>, vector<1024x128xf32>, vector<256x128xf32> -> vector<256x128xf32>
    %slice3A_19 = vector.extract_strided_slice %get3A_8 {offsets = [0, 2], sizes = [256, 1], strides = [1, 1]} : vector<256x4xi32> to vector<256x1xi32>
    %eq3A_20 = vector.broadcast %slice3A_19 : vector<256x1xi32> to vector<256x1024xi32>
    %eq3A_21 = arith.cmpi eq, %iota3A, %eq3A_20 : vector<256x1024xi32>
    %convert_element_type3A_22 = arith.extui %eq3A_21 : vector<256x1024xi1> to vector<256x1024xi32>
    %convert_element_type3A_23 = arith.sitofp %convert_element_type3A_22 : vector<256x1024xi32> to vector<256x1024xf32>
    %dot_general3A_24 = arith.constant dense<0.000000e+00> : vector<256x128xf32>
    %dot_general3A_25 = tpu.matmul %convert_element_type3A_23, %get3A_1, %dot_general3A_24 {dimension_numbers = #tpu.dot_dimension_numbers<[1], [0], [0], [1], [0, 0, 1, 1], [], []>, transpose_lhs_hint = false} : vector<256x1024xf32>, vector<1024x128xf32>, vector<256x128xf32> -> vector<256x128xf32>
    %slice3A_26 = vector.extract_strided_slice %get3A_8 {offsets = [0, 3], sizes = [256, 1], strides = [1, 1]} : vector<256x4xi32> to vector<256x1xi32>
    %eq3A_27 = vector.broadcast %slice3A_26 : vector<256x1xi32> to vector<256x1024xi32>
    %eq3A_28 = arith.cmpi eq, %iota3A, %eq3A_27 : vector<256x1024xi32>
    %convert_element_type3A_29 = arith.extui %eq3A_28 : vector<256x1024xi1> to vector<256x1024xi32>
    %convert_element_type3A_30 = arith.sitofp %convert_element_type3A_29 : vector<256x1024xi32> to vector<256x1024xf32>
    %dot_general3A_31 = arith.constant dense<0.000000e+00> : vector<256x128xf32>
    %dot_general3A_32 = tpu.matmul %convert_element_type3A_30, %get3A_1, %dot_general3A_31 {dimension_numbers = #tpu.dot_dimension_numbers<[1], [0], [0], [1], [0, 0, 1, 1], [], []>, transpose_lhs_hint = false} : vector<256x1024xf32>, vector<1024x128xf32>, vector<256x128xf32> -> vector<256x128xf32>
    %add3A = arith.addf %dot_general3A_11, %dot_general3A_18 : vector<256x128xf32>
    %add3A_33 = arith.addf %add3A, %dot_general3A_25 : vector<256x128xf32>
    %add3A_34 = arith.addf %add3A_33, %dot_general3A_32 : vector<256x128xf32>
    %mul3A_35 = arith.constant 2.500000e-01 : f32
    %mul3A_36 = vector.broadcast %mul3A_35 : f32 to vector<256x128xf32>
    %mul3A_37 = arith.mulf %add3A_34, %mul3A_36 : vector<256x128xf32>
    %max3A = arith.maximumf %dot_general3A_11, %dot_general3A_18 : vector<256x128xf32>
    %max3A_38 = arith.maximumf %dot_general3A_25, %dot_general3A_32 : vector<256x128xf32>
    %max3A_39 = arith.maximumf %max3A, %max3A_38 : vector<256x128xf32>
    %concatenate3A = tpu.concatenate %mul3A_37, %max3A_39 in 1 : vector<256x128xf32>, vector<256x128xf32> -> vector<256x256xf32>
    %get3A_40 = arith.constant 0 : index
    %get3A_41 = arith.constant 0 : index
    %get3A_42 = vector.load %arg3[%get3A_40, %get3A_41] : memref<256x256xf32, #tpu.memory_space<vmem>>, vector<256x256xf32>
    %dot_general3A_43 = arith.constant dense<0.000000e+00> : vector<256x256xf32>
    %dot_general3A_44 = tpu.matmul %concatenate3A, %get3A_42, %dot_general3A_43 {dimension_numbers = #tpu.dot_dimension_numbers<[1], [1], [0], [0], [0, 0, 1, 0], [], []>, transpose_lhs_hint = false} : vector<256x256xf32>, vector<256x256xf32>, vector<256x256xf32> -> vector<256x256xf32>
    %get3A_45 = arith.constant 0 : index
    %get3A_46 = vector.load %arg4[%get3A_45] : memref<256xf32, #tpu.memory_space<vmem>>, vector<256xf32>
    %broadcast_in_dim3A = vector.shape_cast %get3A_46 : vector<256xf32> to vector<1x256xf32>
    %add3A_47 = vector.broadcast %broadcast_in_dim3A : vector<1x256xf32> to vector<256x256xf32>
    %add3A_48 = arith.addf %dot_general3A_44, %add3A_47 : vector<256x256xf32>
    %ge3A = arith.constant 0.000000e+00 : f32
    %ge3A_49 = vector.broadcast %ge3A : f32 to vector<256x256xf32>
    %ge3A_50 = arith.cmpf oge, %add3A_48, %ge3A_49 : vector<256x256xf32>
    %mul3A_51 = arith.constant 0.00999999977 : f32
    %mul3A_52 = vector.broadcast %mul3A_51 : f32 to vector<256x256xf32>
    %mul3A_53 = arith.mulf %mul3A_52, %add3A_48 : vector<256x256xf32>
    %select_n3A = arith.select %ge3A_50, %add3A_48, %mul3A_53 : vector<256x256xi1>, vector<256x256xf32>
    %get3A_54 = arith.constant 0 : index
    %get3A_55 = arith.constant 0 : index
    %get3A_56 = vector.load %arg5[%get3A_54, %get3A_55] : memref<256x256xf32, #tpu.memory_space<vmem>>, vector<256x256xf32>
    %dot_general3A_57 = arith.constant dense<0.000000e+00> : vector<256x256xf32>
    %dot_general3A_58 = tpu.matmul %select_n3A, %get3A_56, %dot_general3A_57 {dimension_numbers = #tpu.dot_dimension_numbers<[1], [1], [0], [0], [0, 0, 1, 0], [], []>, transpose_lhs_hint = false} : vector<256x256xf32>, vector<256x256xf32>, vector<256x256xf32> -> vector<256x256xf32>
    %get3A_59 = arith.constant 0 : index
    %get3A_60 = vector.load %arg6[%get3A_59] : memref<256xf32, #tpu.memory_space<vmem>>, vector<256xf32>
    %broadcast_in_dim3A_61 = vector.shape_cast %get3A_60 : vector<256xf32> to vector<1x256xf32>
    %add3A_62 = vector.broadcast %broadcast_in_dim3A_61 : vector<1x256xf32> to vector<256x256xf32>
    %add3A_63 = arith.addf %dot_general3A_58, %add3A_62 : vector<256x256xf32>
    %slice3A_64 = vector.extract_strided_slice %add3A_63 {offsets = [0, 0], sizes = [256, 128], strides = [1, 1]} : vector<256x256xf32> to vector<256x128xf32>
    %slice3A_65 = vector.extract_strided_slice %add3A_63 {offsets = [0, 128], sizes = [256, 128], strides = [1, 1]} : vector<256x256xf32> to vector<256x128xf32>
    %mul3A_66 = arith.constant 5.000000e-01 : f32
    %mul3A_67 = vector.broadcast %mul3A_66 : f32 to vector<256x128xf32>
    %mul3A_68 = arith.mulf %slice3A_65, %mul3A_67 : vector<256x128xf32>
    %exp3A = math.exp %mul3A_68 : vector<256x128xf32>
    %add3A_69 = arith.addf %get3A_5, %slice3A_64 : vector<256x128xf32>
    %get3A_70 = arith.constant 0 : index
    %get3A_71 = arith.constant 0 : index
    %get3A_72 = vector.load %arg7[%get3A_70, %get3A_71] : memref<256x128xf32, #tpu.memory_space<vmem>>, vector<256x128xf32>
    %mul3A_73 = arith.mulf %exp3A, %get3A_72 : vector<256x128xf32>
    %add3A_74 = arith.addf %add3A_69, %mul3A_73 : vector<256x128xf32>
    %swap3A = arith.constant 0 : index
    %swap3A_75 = arith.constant 0 : index
    %swap3A_76 = vector.load %arg8[%swap3A, %swap3A_75] : memref<256x128xf32, #tpu.memory_space<vmem>>, vector<256x128xf32>
    tpu.vector_store %arg8[%swap3A, %swap3A_75], %add3A_74 {strides = array<i32>} : memref<256x128xf32, #tpu.memory_space<vmem>>, vector<256x128xf32>,
    %reduce_sum3A = vector.shape_cast %mul3A_68 : vector<256x128xf32> to vector<1x256x128xf32>
    %reduce_sum3A_77 = arith.constant dense<0.000000e+00> : vector<1xf32>
    %reduce_sum3A_78 = vector.multi_reduction <add>, %reduce_sum3A, %reduce_sum3A_77 [1, 2] : vector<1x256x128xf32> to vector<1xf32>
    %reduce_sum3A_79 = vector.shape_cast %reduce_sum3A_78 : vector<1xf32> to vector<1x1x1xf32>
    %reduce_sum3A_80 = vector.extract %reduce_sum3A_79[0, 0, 0] : f32 from vector<1x1x1xf32>
    %reshape3A = vector.broadcast %reduce_sum3A_80 : f32 to vector<1x1xf32>
    %eq3A_81 = arith.constant 0 : i32
    %eq3A_82 = arith.cmpi eq, %arg0, %eq3A_81 : i32
    %convert_element_type3A_83 = arith.extui %eq3A_82 : i1 to i32
    %cond3A = arith.constant 0 : i32
    %cond3A_84 = arith.cmpi ne, %convert_element_type3A_83, %cond3A : i32
    scf.if %cond3A_84 {
      %broadcast_in_dim3A_97 = arith.constant 0.000000e+00 : f32
      %broadcast_in_dim3A_98 = vector.broadcast %broadcast_in_dim3A_97 : f32 to vector<1x1xf32>
      %swap3A_99 = arith.constant 0 : index
      %swap3A_100 = arith.constant 0 : index
      %swap3A_101 = vector.load %arg9[%swap3A_99, %swap3A_100] : memref<1x1xf32, #tpu.memory_space<vmem>>, vector<1x1xf32>
      tpu.vector_store %arg9[%swap3A_99, %swap3A_100], %broadcast_in_dim3A_98 {strides = array<i32>} : memref<1x1xf32, #tpu.memory_space<vmem>>, vector<1x1xf32>,
    } else {
    }
    %get3A_85 = arith.constant 0 : index
    %get3A_86 = arith.constant 0 : index
    %get3A_87 = vector.load %arg9[%get3A_85, %get3A_86] : memref<1x1xf32, #tpu.memory_space<vmem>>, vector<1x1xf32>
    %add3A_88 = arith.addf %get3A_87, %reshape3A : vector<1x1xf32>
    %swap3A_89 = arith.constant 0 : index
    %swap3A_90 = arith.constant 0 : index
    %swap3A_91 = vector.load %arg9[%swap3A_89, %swap3A_90] : memref<1x1xf32, #tpu.memory_space<vmem>>, vector<1x1xf32>
    tpu.vector_store %arg9[%swap3A_89, %swap3A_90], %add3A_88 {strides = array<i32>} : memref<1x1xf32, #tpu.memory_space<vmem>>, vector<1x1xf32>,
    %eq3A_92 = arith.constant 3 : i32
    %eq3A_93 = arith.cmpi eq, %arg0, %eq3A_92 : i32
    %convert_element_type3A_94 = arith.extui %eq3A_93 : i1 to i32
    %cond3A_95 = arith.constant 0 : i32
    %cond3A_96 = arith.cmpi ne, %convert_element_type3A_94, %cond3A_95 : i32
    scf.if %cond3A_96 {
      %get3A_97 = arith.constant 0 : index
      %get3A_98 = arith.constant 0 : index
      %get3A_99 = vector.load %arg9[%get3A_97, %get3A_98] : memref<1x1xf32, #tpu.memory_space<vmem>>, vector<1x1xf32>
      %div3A = arith.constant 1.310720e+05 : f32
      %div3A_100 = vector.broadcast %div3A : f32 to vector<1x1xf32>
      %div3A_101 = arith.divf %get3A_99, %div3A_100 : vector<1x1xf32>
      %add3A_102 = arith.constant 1.41893852 : f32
      %add3A_103 = vector.broadcast %add3A_102 : f32 to vector<1x1xf32>
      %add3A_104 = arith.addf %add3A_103, %div3A_101 : vector<1x1xf32>
      %swap3A_105 = arith.constant 0 : index
      %swap3A_106 = arith.constant 0 : index
      %swap3A_107 = vector.load %arg9[%swap3A_105, %swap3A_106] : memref<1x1xf32, #tpu.memory_space<vmem>>, vector<1x1xf32>
      tpu.vector_store %arg9[%swap3A_105, %swap3A_106], %add3A_104 {strides = array<i32>} : memref<1x1xf32, #tpu.memory_space<vmem>>, vector<1x1xf32>,
    } else {
    }
    return
  }
  func.func @transform_0(%arg0: i32) -> (i32, i32) {
    %c0_i32 = arith.constant 0 : i32
    %c0_i32_0 = arith.constant 0 : i32
    %c0_i32_1 = arith.constant 0 : i32
    return %c0_i32, %c0_i32_0 : i32, i32
  }
  func.func @transform_1(%arg0: i32) -> (i32, i32) {
    %c0_i32 = arith.constant 0 : i32
    %c0_i32_0 = arith.constant 0 : i32
    return %arg0, %c0_i32 : i32, i32
  }
  func.func @transform_2(%arg0: i32) -> (i32, i32) {
    %c0_i32 = arith.constant 0 : i32
    %c0_i32_0 = arith.constant 0 : i32
    %c0_i32_1 = arith.constant 0 : i32
    return %c0_i32, %c0_i32_0 : i32, i32
  }
  func.func @transform_3(%arg0: i32) -> i32 {
    %c0_i32 = arith.constant 0 : i32
    %c0_i32_0 = arith.constant 0 : i32
    return %c0_i32 : i32
  }
  func.func @transform_4(%arg0: i32) -> (i32, i32) {
    %c0_i32 = arith.constant 0 : i32
    %c0_i32_0 = arith.constant 0 : i32
    %c0_i32_1 = arith.constant 0 : i32
    return %c0_i32, %c0_i32_0 : i32, i32
  }
  func.func @transform_5(%arg0: i32) -> i32 {
    %c0_i32 = arith.constant 0 : i32
    %c0_i32_0 = arith.constant 0 : i32
    return %c0_i32 : i32
  }
  func.func @transform_6(%arg0: i32) -> (i32, i32) {
    %c0_i32 = arith.constant 0 : i32
    %c0_i32_0 = arith.constant 0 : i32
    return %arg0, %c0_i32 : i32, i32
  }
  func.func @transform_7(%arg0: i32) -> (i32, i32) {
    %c0_i32 = arith.constant 0 : i32
    %c0_i32_0 = arith.constant 0 : i32
    return %arg0, %c0_i32 : i32, i32
  }
  func.func @transform_8(%arg0: i32) -> (i32, i32) {
    %c0_i32 = arith.constant 0 : i32
    %c0_i32_0 = arith.constant 0 : i32
    %c0_i32_1 = arith.constant 0 : i32
    return %c0_i32, %c0_i32_0 : i32, i32
  }
}

</mosaic_0001>

<sc_bundles>
// kernel: _run.5.cloned.1.call-start
scs
__scs_entry_jumppad:
0x0: {  	(pc) =	sbr.rel $0x88, $3  }
0x1: {  	(tag) =	ssettag $0x0;
	lr =	simm.s32 $0x1  }
0x2: {  	[smem:$0x3F9B] =	sst lr;
	_ =	strace $0xD0000000  }
0x3: {  	_ = 	snop  }
0x4: {  	_ = 	snop  }
0x5: {  	_ = 	snop  }
0x6: {  	_ = 	snop  }
0x7: {  	_ = 	snop  }
__scs_overlays_trampoline_lowered:
0x8: {  	[smem:$0x3FAA] =	sst s0  }
0x9: {  	[smem:$0x3FAB] =	sst s1  }
0xa: {  	[smem:$0x3FAC] =	sst s2  }
0xb: {  	[smem:$0x3FAD] =	sst s3  }
0xc: {  	[smem:$0x3FAE] =	sst s4  }
0xd: {  	[smem:$0x3FAF] =	sst s5  }
0xe: {  	[smem:$0x3FB0] =	sst s6  }
0xf: {  	[smem:$0x3FB1] =	sst s7  }
0x10: {  	[smem:$0x3FB2] =	sst s8  }
0x11: {  	[smem:$0x3FB3] =	sst s9;
	s0 =	simm.s32 @!p0 $0x0  }
0x12: {  	s1 =	sld [smem:$0x3F99];
	s0 =	simm.s32 @p0 $0x1  }
0x13: {  	[smem:$0x3FB4] =	sst s0;
	s0 =	simm.s32 @!p1 $0x0  }
0x14: {  	s2 =	sld [smem:$0x3F98];
	s0 =	simm.s32 @p1 $0x1  }
0x15: {  	[smem:$0x3FB5] =	sst s0;
	s0 =	simm.s32 @!p2 $0x0  }
0x16: {  	s3 =	sld [smem:$0x3FDB];
	s0 =	simm.s32 @p2 $0x1  }
0x17: {  	s4 =	simm.s32 $0x1BF5;
	[smem:$0x3FB7] =	sst s0  }
0x18: {  	s0 =	sld [smem:$0x3F9A];
	_ =	swait.ge [sflag:s4], $0x0  }
0x19: {  	s7 =	sld [smem:$0x3F9B]  }
0x1a: {  	s8 =	sadd.s32 $0xFFFFE003, lr  }
0x1b: {  	s9 =	sadd.s32 $0xFFFFFEF7, lr;
	s5 =	simm.s32 $0xFFFFFFFF;
	p2 =	slt.u32 s8, $0xFFFFF086  }
0x1c: {  	p1 =	slt.u32 s9, $0xF7A;
	s5 =	simm.s32 @!p2 $0x0  }
0x1d: {  	s5 =	simm.s32 @p1 $0x1;
	p0 =	seq.s32 s7, s2  }
0x1e: {  	s7 =	smul.u32 @!p0 $0xF7A, s2;
	p2 =	seq.s32 @!p0 s5, $0x0  }
0x1f: {  	s9 =	smul.u32 $0xF7A, s1;
	s8 =	simm.s32 @!p0 $0x1BF5;
	p2 =	por !p2, p0  }
0x20: {  	[sflag:s8] =	ssyncset.s32 @!p0 $0xFFFFF086;
	s6 =	sadd.s32 @!p0 s3, s7;
	s7 =	simm.s32 @!p0 $0x108  }
0x21: {  	s3 =	sadd.s32 s3, s9;
	s6 =	sadd.s32 @!p0 $0x88, s6;
	s7 =	simm.s32 @p2 $0x1082  }
0x22: {  	[simem:s7], [sflag:s8] =	dma.local @!p0 [hbm:s6], $0xF7A  }
0x23: {  	s9 =	sor.u32 $0xD0000000, s2;
	s6 =	simm.s32 $0x108;
	_ =	swait.ge @!p0 [sflag:s8], $0x0  }
0x24: {  	s3 =	sadd.s32 $0x88, s3;
	s6 =	simm.s32 @!p1 $0x1082;
	[sflag:s4] =	ssyncset.s32 $0xFFFFF086  }
0x25: {  	[simem:s6], [sflag:s4] =	dma.local [hbm:s3], $0xF7A  }
0x26: {  	[smem:$0x3F9B] =	sst s1;
	(tag) =	ssettag s2;
	_ =	strace s9  }
0x27: {  	s1 =	sld [smem:$0x3FAB]  }
0x28: {  	s2 =	sld [smem:$0x3FAC]  }
0x29: {  	s4 =	sld [smem:$0x3FAE]  }
0x2a: {  	p0 =	seq.s32 s5, $0x0;
	s5 =	sld [smem:$0x3FAF]  }
0x2b: {  	s6 =	sld [smem:$0x3FB0]  }
0x2c: {  	s7 =	sld [smem:$0x3FB1]  }
0x2d: {  	s3 =	simm.s32 $0x108;
	s8 =	sld [smem:$0x3FB2]  }
0x2e: {  	s3 =	simm.s32 @!p0 $0x1082;
	s9 =	sld [smem:$0x3FB3]  }
0x2f: {  	lr =	sadd.s32 s0, s3;
	s0 =	sld [smem:$0x3FAA]  }
0x30: {  	s3 =	sld [smem:$0x3FAD]  }
0x31: {  	[smem:$0x3FB6] =	sst s10  }
0x32: {  	s10 =	sld [smem:$0x3FB4];
	_ =	sdelay $0x3  }
0x33: {  	p0 =	seq.s32 s10, $0x1;
	s10 =	sld [smem:$0x3FB6];
	_ =	sdelay $0x3  }
0x34: {  	[smem:$0x3FB6] =	sst s10  }
0x35: {  	s10 =	sld [smem:$0x3FB5];
	_ =	sdelay $0x3  }
0x36: {  	p1 =	seq.s32 s10, $0x1;
	s10 =	sld [smem:$0x3FB6];
	_ =	sdelay $0x3  }
0x37: {  	[smem:$0x3FB6] =	sst s10  }
0x38: {  	s10 =	sld [smem:$0x3FB7]  }
0x39: {  	_ = 	snop;
	(pc) =	sbr.ind lr, $3  }
0x3a: {  	_ = 	snop  }
0x3b: {  	_ = 	snop  }
0x3c: {  	p2 =	seq.s32 s10, $0x1;
	s10 =	sld [smem:$0x3FB6]  }
0x3d: {  	_ =	shalt  }
0x3e: {  	_ =	shalt  }
0x3f: {  	_ =	shalt  }
0x40: {  	_ =	shalt  }
0x41: {  	_ =	shalt  }
0x42: {  	_ =	shalt  }
0x43: {  	_ =	shalt  }
0x44: {  	_ =	shalt  }
0x45: {  	_ =	shalt  }
0x46: {  	_ =	shalt  }
0x47: {  	_ =	shalt  }
0x48: {  	_ =	shalt  }
0x49: {  	_ =	shalt  }
0x4a: {  	_ =	shalt  }
0x4b: {  	_ =	shalt  }
0x4c: {  	_ =	shalt  }
0x4d: {  	_ =	shalt  }
0x4e: {  	_ =	shalt  }
0x4f: {  	_ =	shalt  }
0x50: {  	_ =	shalt  }
0x51: {  	_ =	shalt  }
0x52: {  	_ =	shalt  }
0x53: {  	_ =	shalt  }
0x54: {  	_ =	shalt  }
0x55: {  	_ =	shalt  }
0x56: {  	_ =	shalt  }
0x57: {  	_ =	shalt  }
0x58: {  	_ =	shalt  }
0x59: {  	_ =	shalt  }
0x5a: {  	_ =	shalt  }
0x5b: {  	_ =	shalt  }
0x5c: {  	_ =	shalt  }
0x5d: {  	_ =	shalt  }
0x5e: {  	_ =	shalt  }
0x5f: {  	_ =	shalt  }
0x60: {  	_ =	shalt  }
0x61: {  	_ =	shalt  }
0x62: {  	_ =	shalt  }
0x63: {  	_ =	shalt  }
0x64: {  	_ =	shalt  }
0x65: {  	_ =	shalt  }
0x66: {  	_ =	shalt  }
0x67: {  	_ =	shalt  }
0x68: {  	_ =	shalt  }
0x69: {  	_ =	shalt  }
0x6a: {  	_ =	shalt  }
0x6b: {  	_ =	shalt  }
0x6c: {  	_ =	shalt  }
0x6d: {  	_ =	shalt  }
0x6e: {  	_ =	shalt  }
0x6f: {  	_ =	shalt  }
0x70: {  	_ =	shalt  }
0x71: {  	_ =	shalt  }
0x72: {  	_ =	shalt  }
0x73: {  	_ =	shalt  }
0x74: {  	_ =	shalt  }
0x75: {  	_ =	shalt  }
0x76: {  	_ =	shalt  }
0x77: {  	_ =	shalt  }
0x78: {  	_ =	shalt  }
0x79: {  	_ =	shalt  }
0x7a: {  	_ =	shalt  }
0x7b: {  	_ =	shalt  }
0x7c: {  	_ =	shalt  }
0x7d: {  	_ =	shalt  }
0x7e: {  	_ =	shalt  }
0x7f: {  	_ =	shalt  }
0x80: {  	_ =	shalt  }
0x81: {  	_ =	shalt  }
0x82: {  	_ =	shalt  }
0x83: {  	_ =	shalt  }
0x84: {  	_ =	shalt  }
0x85: {  	_ =	shalt  }
0x86: {  	_ =	shalt  }
0x87: {  	_ =	shalt  }
.Lfunc_end0:
.L_simem_size_0:
called_computation_lowered:
.L_overlay_start_0:
0x88: {  	s2 =	sld [smem:$0x3FD9]  }
0x89: {  	s3 =	sld [smem:$0x3FFE];
	_ =	sdelay $0x1  }
0x8a: {  	s1 =	srdreg.scid  }
0x8b: {  	s0 =	sand.u32 $0x1, s1  }
0x8c: {  	s14 =	sshll.u32 s0, $0xA;
	s2 =	sadd.s32 s3, s2  }
0x8d: {  	s2 =	sadd.s32 s2, s14  }
0x8e: {  	[smem:$0x3FC2] =	sst s2  }
0x8f: {  	_ = 	snop  }
0x90: {  	s2 =	sld [smem:$0x3FD0];
	_ =	sdelay $0x2  }
0x91: {  	s15 =	simm.s32 $0xA;
	s4 =	simm.s32 $0x10  }
0x92: {  	[smem:s4], [sflag:s15] =	dma.local [hbm:s2], $0x1  }
0x93: {  	_ =	swait.eq [sflag:s15], $0x1  }
0x94: {  	[sflag:s15] =	ssyncset.done $0x0  }
0x95: {  	[sflag:s15] =	ssyncadd.s32 $0xFFFFFFFF  }
0x96: {  	s16 =	sld [smem:$0x10];
	(tm) =	ssettm $0x1  }
0x97: {  	s17 =	sld [smem:$0x3FFB];
	_ =	sdelay $0x3  }
0x98: {  	_ =	strace s17  }
0x99: {  	s3 =	sld [smem:$0x3FFC];
	_ =	sdelay $0x3  }
0x9a: {  	_ =	strace s3  }
0x9b: {  	s3 =	sld [smem:$0x3FFD];
	_ =	sdelay $0x3  }
0x9c: {  	_ =	strace s3  }
0x9d: {  	_ =	strace $0x8FFFFFFF  }
0x9e: {  	s18 =	sld [smem:$0x3FDB];
	_ =	sdelay $0x1  }
0x9f: {  	s19 =	simm.s32 $_scs_section_size  }
0xa0: {  	s5 =	simm.s32 $_size__tile_overlayer_lowered;
	s6 =	simm.s32 $_tile_overlayer_lowered  }
0xa1: {  	s22 =	simm.s32 $0x1BFF;
	s21 =	sshll.u32 s6, $0x1;
	s3 =	sadd.s32 s19, s18  }
0xa2: {  	s7 =	simm.s32 $0x0;
	s20 =	sshll.u32 s5, $0x1;
	s5 =	sadd.s32 s21, s3  }
0xa3: {  	[timem:s7], [sflag:s22] =	dma.local [hbm:s5], s20  }
0xa4: {  	_ =	swait.ge [sflag:s22], s20  }
0xa5: {  	s4 =	ssub.s32 $0x0, s20;
	[sflag:s22] =	ssyncset.done $0x0  }
0xa6: {  	[sflag:s22] =	ssyncadd.s32 s4;
	_ =	sdelay $0x1  }
0xa7: {  	s23 =	simm.s32 $0x1B8B  }
0xa8: {  	_ =	swait.ge [sflag:s23], $0x1  }
0xa9: {  	[sflag:s23] =	ssyncset.done $0x0  }
0xaa: {  	s25 =	simm.s32 $0x1B8E;
	s24 =	sld [smem:$0x3FFE];
	[sflag:s23] =	ssyncadd.s32 $0xFFFFFFFF  }
0xab: {  	s26 =	simm.s32 $execute0_lowered;
	[smem:$0x3FD2] =	sst s25  }
0xac: {  	s5 =	sshll.u32 s26, $0x1;
	_ =	strace $0x80000046;
	[dreg:$0x1] =	wrdreg $0xFFFFFFFF  }
0xad: {  	s28 =	simm.s32 $_size_execute0_lowered;
	s3 =	sadd.s32 s3, s5;
	[dreg:$0x0] =	wrdreg $0x0  }
0xae: {  	s5 =	sshll.u32 s28, $0x1;
	[dreg:$0x2] =	wrdreg s3  }
0xaf: {  	[dreg:$0x3] =	wrdreg s5  }
0xb0: {  	[dreg:$0x4] =	wrdreg $0xC0  }
0xb1: {  	_ =	task [dreg:s7], $0x5FFFF  }
0xb2: {  	[dreg:$0x1] =	wrdreg $0xFFFFFFFF  }
0xb3: {  	[dreg:$0x0] =	wrdreg $0x60  }
0xb4: {  	[dreg:$0x2] =	wrdreg s24  }
0xb5: {  	[dreg:$0x3] =	wrdreg s16  }
0xb6: {  	[dreg:$0x4] =	wrdreg $0x9  }
0xb7: {  	_ =	task.clear_ibuf [dreg:s7], $0x5FFFF;
	_ =	strace $0x90000046  }
0xb8: {  	s29 =	simm.s32 $0x9;
	_ =	strace $0x80000048  }
0xb9: {  	_ =	swait.ge [sflag:s29], $0x1  }
0xba: {  	[sflag:s29] =	ssyncadd.s32 $0xFFFFFFFF  }
0xbb: {  	_ =	strace $0x90000048  }
0xbc: {  	_ =	sfence  }
0xbd: {  	s30 =	sld [smem:$0x0];
	_ =	sdelay $0x2  }
0xbe: {  	s31 =	sshll.u32 s1, $0xD;
	s1 =	sshrl.u32 s1, $0x2  }
0xbf: {  	s3 =	sand.u32 $0x4000, s31;
	s1 =	sadd.s32 s1, s30  }
0xc0: {  	s0 =	sor.u32 s3, s0;
	s1 =	sshll.u32 s1, $0x11  }
0xc1: {  	s0 =	sor.u32 s1, s0  }
0xc2: {  	s0 =	sadd.s32 $0x8F2B, s0  }
0xc3: {  	[sflag:s0] =	ssyncadd.remote.s32 $0x1  }
0xc4: {  	_ =	sfence.sel $0xFFFF  }
0xc5: {  	[dreg:$0x0] =	wrdreg $0xFFFFFFFF;
	(pc) =	sbr.abs _section_cstart, $3  }
0xc6: {  	[dreg:$0x1] =	wrdreg $0xFFFFFFFF  }
0xc7: {  	_ =	task.clear_ibuf [dreg:s7], $0x2FFFF;
	_ =	strace $0x9FFFFFFF  }
0xc8: {  	(tm) =	ssettm $0x7FFFFFFF  }
0xc9: {  	_ =	shalt  }
tec
execute0_lowered:
.L_overlay_start_1:
0x0: {  	(tag) =	ssettag $0x1  }
0x1: {  	s3 =	rddreg [dreg:$0x0]  }
0x2: {  	s6 =	rddreg [dreg:$0x1]  }
0x3: {  	s0 =	rddreg [dreg:$0x2];
	s2 =	simm.s32 $0x0;
	s4 =	srdreg.scid  }
0x4: {  	s1 =	stileid.u32;
	s11 =	simm.s32 $0x1;
	s12 =	simm.s32 $0x8000  }
0x5: {  	s13 =	simm.s32 $0x3;
	s14 =	simm.s32 $0x2;
	s15 =	simm.s32 $0x0  }
0x6: {  	[smem:$0x7FF] =	sst s2;
	s4 =	sand.u32 $0x1, s4;
	s5 =	sshll.u32 s1, $0x6  }
0x7: {  	s8 =	sadd.s32 $0x1200, s3;
	s7 =	sshll.u32 s4, $0x5;
	s30 =	ssub.s32 $0x2, s4  }
0x8: {  	_ =	strace $0x80000047;
	s5 =	sor.u32 s7, s5;
	s4 =	sshrl.u32 s30, $0x1  }
0x9: {  	s7 =	sshrl.u32 s5, $0x3;
	s9 =	sor.u32 $0x10, s5;
	s10 =	ssub.s32 s30, s4  }
0xa: {  	s5 =	sadd.s32 s6, s5;
	s3 =	sadd.s32 s8, s7;
	s31 =	sshrl.u32 s9, $0x3  }
0xb: {  	s6 =	sadd.s32 s6, s9;
	s7 =	smax.u32 s10, $0x1;
	s9 =	simm.s32 $0x400  }
0xc: {  	v0 =	vimm.s32 $0x7;
	v1 =	vlaneseq.u32;
	v2 =	vimm.s32 $0x380;
	s10 =	simm.s32 $0x4000;
	s4 =	sadd.s32 s8, s31;
	s8 =	simm.s32 $0x10  }
.LBB2_1:
0xd: {  	[tilespmem:s2], [sflag:$0x1] =	stream.strided.gather [hbm4b:s3+s8], $0x4000, s9, s8, $0x38;
	[tilespmem:$0x8080] =	vst v63  }
0xe: {  	_ = 	snop  }
0xf: {  	[tilespmem:s10], [sflag:$0x2] =	stream.strided.gather [hbm4b:s4+s8], $0x4000, s9, s8, $0x38;
	[tilespmem:$0x8080] =	vst v63  }
0x10: {  	_ =	swait.ge [sflag:s11], $0x4000  }
0x11: {  	[sflag:s11] =	ssyncset.done $0x0  }
0x12: {  	s16 =	simm.s32 $0xFFFFF800;
	[sflag:s11] =	ssyncadd.s32 $0xFFFFC000  }
0x13: {  	v3 =	vld [tilespmem:s16+$0x830]  }
0x14: {  	v4 =	vld [tilespmem:s16+$0x1030]  }
0x15: {  	v5 =	vld [tilespmem:s16+$0x1830]  }
0x16: {  	v6 =	vld [tilespmem:s16+$0x2030]  }
0x17: {  	v8 =	vld [tilespmem:s16+$0x2830]  }
0x18: {  	v9 =	vld [tilespmem:s16+$0x3030]  }
0x19: {  	v7 =	vld [tilespmem:s16+$0x3830]  }
0x1a: {  	v12 =	vld [tilespmem:s16+$0x820]  }
0x1b: {  	v13 =	vld [tilespmem:s16+$0x1020]  }
0x1c: {  	v16 =	vld [tilespmem:s16+$0x1820]  }
0x1d: {  	v17 =	vld [tilespmem:s16+$0x2020]  }
0x1e: {  	v18 =	vld [tilespmem:s16+$0x2820]  }
0x1f: {  	v10 =	vld [tilespmem:s16+$0x3020]  }
0x20: {  	v11 =	vld [tilespmem:s16+$0x3820]  }
0x21: {  	v15 =	vld [tilespmem:s16+$0x810]  }
0x22: {  	v20 =	vld [tilespmem:s16+$0x1010]  }
0x23: {  	v23 =	vld [tilespmem:s16+$0x1810]  }
0x24: {  	v24 =	vld [tilespmem:s16+$0x2010]  }
0x25: {  	v21 =	vld [tilespmem:s16+$0x800]  }
0x26: {  	v22 =	vld [tilespmem:s16+$0x1000]  }
0x27: {  	v25 =	vld [tilespmem:s16+$0x2810]  }
0x28: {  	v19 =	vld [tilespmem:s16+$0x3010]  }
0x29: {  	v28 =	vld [tilespmem:s16+$0x1800]  }
0x2a: {  	v14 =	vimm.f32 $+Inf;
	v29 =	vld [tilespmem:s16+$0x2000]  }
0x2b: {  	v30 =	vld [tilespmem:s16+$0x2800];
	v21 =	vmin.f32 v14, v21;
	v26 =	vmin.f32 v14, v22  }
0x2c: {  	v27 =	vld [tilespmem:s16+$0x3800];
	v15 =	vmin.f32 v21, v15;
	v20 =	vmin.f32 v26, v20;
	v21 =	vimm.f32 $+Inf  }
0x2d: {  	v22 =	vld [tilespmem:s16+$0x3810];
	v31 =	vmin.f32 v15, v12;
	v32 =	vmin.f32 v20, v13;
	v20 =	vimm.f32 $+Inf  }
0x2e: {  	s17 =	simm.s32 $0xFFFFE100;
	v26 =	vld [tilespmem:s16+$0x3000];
	v15 =	vimm.f32 $+Inf;
	v12 =	vimm.f32 $+Inf;
	v13 =	vimm.f32 $+Inf  }
.LBB2_2:
0x2f: {  	p0 =	sne.s32 s17, $0xFFFFFF00;
	v33 =	vld [tilespmem:s16+$0x4000];
	v31 =	vmin.f32 v31, v3;
	v32 =	vmin.f32 v32, v4  }
0x30: {  	v3 =	vmin.f32 v14, v28;
	v4 =	vmin.f32 v20, v29;
	v14 =	vmin.f32 v21, v30;
	v28 =	vld [tilespmem:s16+$0x4010]  }
0x31: {  	v3 =	vmin.f32 v3, v23;
	v4 =	vmin.f32 v4, v24;
	v14 =	vmin.f32 v14, v25;
	v23 =	vld [tilespmem:s16+$0x4020]  }
0x32: {  	v16 =	vmin.f32 v3, v16;
	v4 =	vmin.f32 v4, v17;
	v17 =	vmin.f32 v14, v18;
	v18 =	vld [tilespmem:s16+$0x4030];
	s16 =	sshra.s32 s17, $0x2  }
0x33: {  	v14 =	vmin.f32 v16, v5;
	v20 =	vmin.f32 v4, v6;
	v3 =	vld [tilespmem:s16+$0x830];
	v21 =	vmin.f32 v17, v8  }
0x34: {  	v6 =	vmin.f32 v15, v26;
	v8 =	vmin.f32 v12, v27;
	v4 =	vld [tilespmem:s16+$0x1030];
	v12 =	vmin.f32 v13, v33  }
0x35: {  	v13 =	vmin.f32 v6, v19;
	v8 =	vmin.f32 v8, v22;
	v5 =	vld [tilespmem:s16+$0x1830];
	v12 =	vmin.f32 v12, v28  }
0x36: {  	v10 =	vmin.f32 v13, v10;
	v11 =	vmin.f32 v8, v11;
	v6 =	vld [tilespmem:s16+$0x2030];
	v13 =	vmin.f32 v12, v23  }
0x37: {  	v15 =	vmin.f32 v10, v9;
	v12 =	vmin.f32 v11, v7;
	v8 =	vld [tilespmem:s16+$0x2830];
	v13 =	vmin.f32 v13, v18  }
0x38: {  	v9 =	vld [tilespmem:s16+$0x3030]  }
0x39: {  	v7 =	vld [tilespmem:s16+$0x3830]  }
0x3a: {  	v33 =	vld [tilespmem:s16+$0x820]  }
0x3b: {  	v34 =	vld [tilespmem:s16+$0x1020]  }
0x3c: {  	v16 =	vld [tilespmem:s16+$0x1820]  }
0x3d: {  	v17 =	vld [tilespmem:s16+$0x2020]  }
0x3e: {  	v18 =	vld [tilespmem:s16+$0x2820]  }
0x3f: {  	v10 =	vld [tilespmem:s16+$0x3020]  }
0x40: {  	v11 =	vld [tilespmem:s16+$0x3820]  }
0x41: {  	v27 =	vld [tilespmem:s16+$0x810]  }
0x42: {  	v35 =	vld [tilespmem:s16+$0x1010]  }
0x43: {  	v23 =	vld [tilespmem:s16+$0x1810]  }
0x44: {  	v24 =	vld [tilespmem:s16+$0x2010]  }
0x45: {  	v25 =	vld [tilespmem:s16+$0x2810]  }
0x46: {  	v22 =	vld [tilespmem:s16+$0x800]  }
0x47: {  	v26 =	vld [tilespmem:s16+$0x1000]  }
0x48: {  	v19 =	vld [tilespmem:s16+$0x3010]  }
0x49: {  	v28 =	vld [tilespmem:s16+$0x1800]  }
.Ltmp0:
0x4a: {  	v29 =	vld [tilespmem:s16+$0x2000];
	(pc) =	sbr.rel @p0 .LBB2_2-.Ltmp0, $4  }
0x4b: {  	v30 =	vld [tilespmem:s16+$0x2800]  }
0x4c: {  	v31 =	vmin.f32 v31, v22;
	v32 =	vmin.f32 v32, v26;
	v22 =	vld [tilespmem:s16+$0x3810]  }
0x4d: {  	v31 =	vmin.f32 v31, v27;
	v26 =	vld [tilespmem:s16+$0x3000];
	v32 =	vmin.f32 v32, v35  }
0x4e: {  	s17 =	sadd.s32 $0x100, s17;
	v31 =	vmin.f32 v31, v33;
	v27 =	vld [tilespmem:s16+$0x3800];
	v32 =	vmin.f32 v32, v34  }
0x4f: {  	v3 =	vmin.f32 v31, v3;
	v4 =	vmin.f32 v32, v4;
	v14 =	vmin.f32 v14, v28  }
0x50: {  	v33 =	vld [tilespmem:s16+$0x4000];
	v20 =	vmin.f32 v20, v29;
	v21 =	vmin.f32 v21, v30;
	v14 =	vmin.f32 v14, v23  }
0x51: {  	v23 =	vld [tilespmem:s16+$0x4010];
	v20 =	vmin.f32 v20, v24;
	v21 =	vmin.f32 v21, v25;
	v14 =	vmin.f32 v14, v16  }
0x52: {  	v16 =	vmin.f32 v20, v17;
	v17 =	vmin.f32 v21, v18;
	v5 =	vmin.f32 v14, v5  }
0x53: {  	v14 =	vld [tilespmem:s16+$0x4020];
	v6 =	vmin.f32 v16, v6;
	v15 =	vmin.f32 v15, v26;
	v8 =	vmin.f32 v17, v8  }
0x54: {  	v16 =	vld [tilespmem:s16+$0x4030];
	v12 =	vmin.f32 v12, v27;
	v17 =	vmin.f32 v3, v4;
	v15 =	vmin.f32 v15, v19  }
0x55: {  	v13 =	vmin.f32 v13, v33;
	v12 =	vmin.f32 v12, v22;
	v17 =	vmin.f32 v17, v5  }
0x56: {  	v10 =	vmin.f32 v15, v10;
	v13 =	vmin.f32 v13, v23;
	v15 =	vmin.f32 v17, v6  }
0x57: {  	v11 =	vmin.f32 v12, v11;
	v10 =	vmin.f32 v10, v9;
	v9 =	vmin.f32 v15, v8  }
0x58: {  	v11 =	vmin.f32 v11, v7;
	v12 =	vmin.f32 v13, v14;
	v7 =	vmin.f32 v9, v10  }
0x59: {  	v12 =	vmin.f32 v12, v16;
	v7 =	vmin.f32 v7, v11  }
0x5a: {  	v7 =	vmin.f32 v7, v12  }
0x5b: {  	vm0 =	veq.f32 v11, v7  }
0x5c: {  	v9 =	vsel vm0, $0x6, v0;
	vm0 =	veq.f32 v10, v7  }
0x5d: {  	v9 =	vsel vm0, $0x5, v9;
	vm0 =	veq.f32 v8, v7  }
0x5e: {  	v9 =	vsel vm0, $0x4, v9;
	vm0 =	veq.f32 v6, v7  }
0x5f: {  	v9 =	vsel vm0, $0x3, v9;
	vm0 =	veq.f32 v5, v7  }
0x60: {  	v9 =	vsel vm0, $0x2, v9;
	vm0 =	veq.f32 v4, v7  }
0x61: {  	vm1 =	vne.f32 v3, v7;
	v9 =	vsel vm0, $0x1, v9  }
0x62: {  	v13 =	vnsel vm1, $0x0, v9  }
0x63: {  	s25 =	simm.s32 $0x20;
	v9 =	vshll.u32 v13, $0x7  }
0x64: {  	s17 =	simm.s32 $0x40;
	v14 =	vor.u32 s25, v9  }
0x65: {  	s26 =	simm.s32 $0x60;
	v7 =	vor.u32 s17, v9;
	v15 =	vshll.u32 v14, $0x4  }
0x66: {  	v22 =	vor.u32 s26, v9;
	v16 =	vshll.u32 v7, $0x4;
	v15 =	vor.u32 v1, v15  }
0x67: {  	v17 =	vshll.u32 v22, $0x4;
	v16 =	vor.u32 v1, v16  }
0x68: {  	s28 =	simm.s32 $0x0;
	v19 =	vor.u32 v1, v17  }
0x69: {  	v24 =	vor.u32 s28, v9  }
0x6a: {  	v17 =	vshll.u32 v24, $0x4  }
0x6b: {  	s30 =	simm.s32 $0x41;
	v23 =	vor.u32 v1, v17;
	v21 =	vld.idx.msk [tilespmem:v15+s2+$0x0], $0xffff  }
0x6c: {  	s18 =	simm.s32 $0x61;
	v17 =	vor.u32 s30, v9;
	v25 =	vld.idx.msk [tilespmem:v16+s2+$0x0], $0xffff  }
0x6d: {  	s29 =	simm.s32 $0x21;
	v20 =	vor.u32 s18, v9;
	v27 =	vshll.u32 v17, $0x4;
	v26 =	vld.idx.msk [tilespmem:v19+s2+$0x0], $0xffff  }
0x6e: {  	v18 =	vor.u32 s29, v9;
	v30 =	vshll.u32 v20, $0x4;
	v27 =	vor.u32 v1, v27  }
0x6f: {  	v33 =	vor.u32 v1, v30;
	v16 =	vimm.f32 $+Inf;
	v19 =	vshll.u32 v18, $0x4  }
0x70: {  	s31 =	simm.s32 $0x1;
	v15 =	vimm.s32 $0x0;
	v31 =	vld.idx.msk [tilespmem:v23+s2+$0x0], $0xffff;
	v63 =	vor.u32 v1, v19;
	vm3 =	vlt.f32 v21, v16  }
0x71: {  	v23 =	vor.u32 s31, v9;
	vm2 =	vlt.f32 v25, v16;
	v19 =	vsel vm3, v21, v16  }
0x72: {  	v21 =	vsel vm3, v14, v15;
	v28 =	vsel vm3, v16, v19;
	vm3 =	vlt.f32 v26, v16  }
0x73: {  	v14 =	vsel vm2, v25, v16;
	v25 =	vsel vm3, v26, v16;
	v26 =	vld.idx.msk [tilespmem:v27+s2+$0x0], $0xffff;
	v27 =	vshll.u32 v23, $0x4  }
0x74: {  	v29 =	vsel vm2, v16, v14  }
0x75: {  	v32 =	vld.idx.msk [tilespmem:v63+s2+$0x0], $0xffff;
	v22 =	vsel vm3, v22, v15;
	v30 =	vsel vm3, v16, v25;
	vm3 =	vlt.f32 v31, v16  }
0x76: {  	s16 =	simm.s32 $0x2;
	v34 =	vor.u32 v1, v27;
	v35 =	vsel vm3, v31, v16;
	v24 =	vsel vm3, v24, v15;
	v27 =	vmovc v25  }
.LBB2_4:
0x77: {  	s17 =	sadd.s32 $0x20, s16;
	s18 =	sadd.s32 $0x40, s16;
	s19 =	sadd.s32 $0x60, s16;
	v35 =	vsel vm3, v16, v35;
	v16 =	vsel vm3, v31, v16;
	v15 =	vsel vm2, v7, v15;
	v7 =	vmovc v17  }
0x78: {  	p0 =	sne.s32 s16, $0x1F;
	v36 =	vor.u32 s17, v9;
	v17 =	vor.u32 s18, v9;
	v37 =	vor.u32 s19, v9;
	v38 =	vld.idx.msk [tilespmem:v33+s2+$0x0], $0xffff;
	s17 =	smov.u32 s16;
	s16 =	sadd.s32 $0x1, s16  }
0x79: {  	v31 =	vshll.u32 v36, $0x4;
	v33 =	vshll.u32 v17, $0x4;
	v39 =	vshll.u32 v37, $0x4  }
0x7a: {  	vm2 =	vlt.f32 v26, v14;
	v40 =	vor.u32 v1, v31;
	v41 =	vor.u32 v1, v33  }
0x7b: {  	vm5 =	vlt.f32 v26, v29;
	vm3 =	vlt.f32 v32, v19;
	vm4 =	vlt.f32 v32, v28;
	v31 =	vld.idx.msk [tilespmem:v34+s2+$0x0], $0xffff  }
0x7c: {  	v29 =	vsel vm5, v26, v29;
	v28 =	vsel vm4, v32, v28;
	v21 =	vsel vm3, v18, v21;
	v18 =	vmovc v36  }
0x7d: {  	v29 =	vsel vm2, v14, v29;
	v28 =	vsel vm3, v19, v28;
	v19 =	vsel vm3, v32, v19  }
.Ltmp1:
0x7e: {  	v33 =	vor.u32 v1, v39;
	vm3 =	vlt.f32 v38, v25;
	vm4 =	vlt.f32 v38, v30;
	(pc) =	sbr.rel @p0 .LBB2_4-.Ltmp1, $4  }
0x7f: {  	v30 =	vsel vm4, v38, v30;
	v25 =	vsel vm3, v38, v25;
	v22 =	vsel vm3, v20, v22;
	v20 =	vmovc v37  }
0x80: {  	v36 =	vor.u32 s17, v9;
	v14 =	vsel vm2, v26, v14;
	v30 =	vsel vm3, v27, v30;
	v27 =	vmovc v25;
	v26 =	vld.idx.msk [tilespmem:v41+s2+$0x0], $0xffff  }
0x81: {  	v34 =	vshll.u32 v36, $0x4;
	vm3 =	vlt.f32 v31, v16;
	vm4 =	vlt.f32 v31, v35;
	v32 =	vld.idx.msk [tilespmem:v40+s2+$0x0], $0xffff  }
0x82: {  	v34 =	vor.u32 v1, v34;
	v35 =	vsel vm4, v31, v35;
	v24 =	vsel vm3, v23, v24;
	v23 =	vmovc v36  }
0x83: {  	_ =	sdelay $0x3  }
0x84: {  	v9 =	vld.idx.msk [tilespmem:v33+s2+$0x0], $0xffff  }
0x85: {  	v62 =	vld.idx.msk [tilespmem:v34+s2+$0x0], $0xffff  }
0x86: {  	v63 =	vsel vm3, v16, v35;
	v16 =	vsel vm3, v31, v16;
	vm3 =	vlt.f32 v32, v28  }
0x87: {  	vm5 =	vlt.f32 v26, v29;
	vm4 =	vlt.f32 v32, v19;
	v28 =	vsel vm3, v32, v28  }
0x88: {  	v29 =	vsel vm5, v26, v29;
	vm3 =	vlt.f32 v26, v14;
	v28 =	vsel vm4, v19, v28  }
0x89: {  	v19 =	vsel vm4, v32, v19;
	v29 =	vsel vm3, v14, v29;
	vm6 =	vlt.f32 v9, v30  }
0x8a: {  	vm5 =	vlt.f32 v9, v25;
	vm7 =	vlt.f32 v62, v63;
	v14 =	vsel vm3, v26, v14  }
0x8b: {  	v30 =	vsel vm6, v9, v30;
	vm6 =	vlt.f32 v62, v16;
	v9 =	vsel vm5, v9, v25  }
0x8c: {  	v26 =	vsel vm7, v62, v63;
	v25 =	vsel vm6, v62, v16;
	v27 =	vsel vm5, v27, v30  }
0x8d: {  	v16 =	vsel vm6, v16, v26;
	vm8 =	vlt.f32 v9, v14;
	vm7 =	vlt.f32 v19, v25  }
0x8e: {  	v16 =	vmin.f32 v16, v28;
	v26 =	vsel vm7, v19, v25;
	v19 =	vsel vm7, v25, v19  }
0x8f: {  	v25 =	vsel vm8, v9, v14;
	v9 =	vsel vm8, v14, v9;
	v14 =	vmin.f32 v29, v27  }
0x90: {  	v16 =	vmin.f32 v16, v19;
	v9 =	vmin.f32 v14, v9;
	vm9 =	vlt.f32 v25, v26  }
0x91: {  	v14 =	vsel vm9, v26, v25;
	v9 =	vmin.f32 v16, v9  }
0x92: {  	vm0 =	vmand vm1, vm0;
	v14 =	vmin.f32 v9, v14  }
0x93: {  	v3 =	vsel vm1, v3, v14;
	v4 =	vsel vm0, v14, v4;
	vm0 =	veq.s32 v13, $0x2  }
0x94: {  	v5 =	vsel vm0, v14, v5;
	vm0 =	veq.s32 v13, $0x3;
	v9 =	vmin.f32 v3, v4  }
0x95: {  	v6 =	vsel vm0, v14, v6;
	vm0 =	veq.s32 v13, $0x4;
	v16 =	vmin.f32 v9, v5  }
0x96: {  	v9 =	vsel vm0, v14, v8;
	vm0 =	veq.s32 v13, $0x5;
	v8 =	vmin.f32 v16, v6  }
0x97: {  	v10 =	vsel vm0, v14, v10;
	vm0 =	veq.s32 v13, $0x6;
	v8 =	vmin.f32 v8, v9  }
0x98: {  	v11 =	vsel vm0, v14, v11;
	vm0 =	veq.s32 v13, $0x7;
	v8 =	vmin.f32 v8, v10  }
0x99: {  	v12 =	vsel vm0, v14, v12;
	v8 =	vmin.f32 v8, v11  }
0x9a: {  	v8 =	vmin.f32 v8, v12  }
0x9b: {  	vm0 =	veq.f32 v11, v8  }
0x9c: {  	v13 =	vsel vm0, $0x6, v0;
	vm0 =	veq.f32 v10, v8  }
0x9d: {  	v13 =	vsel vm0, $0x5, v13;
	vm0 =	veq.f32 v9, v8  }
0x9e: {  	v13 =	vsel vm0, $0x4, v13;
	vm0 =	veq.f32 v6, v8  }
0x9f: {  	v13 =	vsel vm0, $0x3, v13;
	vm0 =	veq.f32 v5, v8  }
0xa0: {  	v13 =	vsel vm0, $0x2, v13;
	vm0 =	veq.f32 v4, v8  }
0xa1: {  	vm1 =	vne.f32 v3, v8;
	v13 =	vsel vm0, $0x1, v13  }
0xa2: {  	v13 =	vnsel vm1, $0x0, v13  }
0xa3: {  	s16 =	simm.s32 $0x0;
	v26 =	vshll.u32 v13, $0x7  }
0xa4: {  	s25 =	simm.s32 $0x60;
	v7 =	vsel vm2, v7, v15;
	v33 =	vimm.f32 $+Inf;
	v8 =	vor.u32 s16, v26  }
0xa5: {  	s17 =	simm.s32 $0x40;
	v34 =	vimm.f32 $+Inf;
	v16 =	vor.u32 s25, v26;
	v14 =	vshll.u32 v8, $0x4  }
0xa6: {  	s26 =	simm.s32 $0x20;
	v19 =	vshll.u32 v16, $0x4;
	v25 =	vor.u32 v1, v14;
	v14 =	vor.u32 s17, v26  }
0xa7: {  	v28 =	vor.u32 v1, v19;
	v19 =	vor.u32 s26, v26;
	v27 =	vshll.u32 v14, $0x4  }
0xa8: {  	v31 =	vimm.f32 $+Inf;
	v29 =	vshll.u32 v19, $0x4;
	v27 =	vor.u32 v1, v27  }
0xa9: {  	v15 =	vsel vm4, v18, v21;
	v7 =	vsel vm3, v17, v7;
	v18 =	vor.u32 v1, v29  }
0xaa: {  	v32 =	vimm.f32 $+Inf;
	v20 =	vsel vm5, v20, v22;
	v21 =	vsel vm6, v23, v24  }
0xab: {  	s28 =	simm.s32 $0x1;
	v30 =	vimm.f32 $+Inf;
	v7 =	vsel vm8, v20, v7;
	v15 =	vsel vm7, v15, v21;
	v22 =	vld.idx.msk [tilespmem:v25+s2+$0x0], $0xffff  }
0xac: {  	v20 =	vimm.s32 $0x0;
	v7 =	vsel vm9, v7, v15;
	v17 =	vor.u32 s28, v26;
	v23 =	vld.idx.msk [tilespmem:v28+s2+$0x0], $0xffff  }
0xad: {  	s30 =	simm.s32 $0x41;
	v15 =	vimm.f32 $+Inf;
	v21 =	vshll.u32 v17, $0x4;
	vm2 =	veq.s32 v8, v7;
	v24 =	vld.idx.msk [tilespmem:v27+s2+$0x0], $0xffff  }
0xae: {  	s29 =	simm.s32 $0x61;
	v36 =	vor.u32 v1, v21;
	v21 =	vor.u32 s30, v26;
	vm3 =	veq.s32 v19, v7;
	v25 =	vld.idx.msk [tilespmem:v18+s2+$0x0], $0xffff  }
0xaf: {  	v29 =	vimm.f32 $+Inf;
	v18 =	vor.u32 s29, v26;
	v27 =	vshll.u32 v21, $0x4  }
0xb0: {  	s31 =	simm.s32 $0x21;
	v37 =	vor.u32 v1, v27;
	v28 =	vsel vm2, $0x7F800000, v22;
	v22 =	vshll.u32 v18, $0x4  }
0xb1: {  	vm2 =	veq.s32 v16, v7;
	v39 =	vor.u32 v1, v22;
	v22 =	vor.u32 s31, v26  }
0xb2: {  	v35 =	vsel vm2, $0x7F800000, v23;
	vm2 =	veq.s32 v14, v7;
	v23 =	vshll.u32 v22, $0x4  }
0xb3: {  	v40 =	vsel vm2, $0x7F800000, v24;
	vm2 =	vlt.f32 v28, v15;
	v41 =	vsel vm3, $0x7F800000, v25  }
0xb4: {  	vm3 =	vlt.f32 v35, v15;
	vm7 =	vlt.f32 v35, v15;
	v25 =	vimm.s32 $0x0  }
0xb5: {  	v24 =	vimm.s32 $0x0;
	v38 =	vor.u32 v1, v23;
	v23 =	vsel vm2, v28, v15  }
0xb6: {  	vm4 =	vlt.f32 v41, v15;
	vm5 =	vlt.f32 v40, v15;
	vm8 =	vlt.f32 v41, v15  }
0xb7: {  	s16 =	simm.s32 $0x2;
	vm6 =	vlt.f32 v40, v15;
	v27 =	vsel vm2, v15, v23;
	v23 =	vimm.s32 $0x0  }
.LBB2_6:
0xb8: {  	p0 =	sne.s32 s16, $0x1F;
	v42 =	vld.idx.msk [tilespmem:v36+s2+$0x0], $0xffff;
	v15 =	vsel vm8, v41, v15;
	v33 =	vsel vm6, v40, v33;
	v34 =	vsel vm7, v35, v34  }
0xb9: {  	v15 =	vsel vm4, v30, v15;
	v33 =	vsel vm5, v31, v33;
	v34 =	vsel vm3, v32, v34  }
0xba: {  	v30 =	vsel vm4, v41, v30;
	v31 =	vsel vm5, v40, v31;
	v32 =	vsel vm3, v35, v32;
	v43 =	vld.idx.msk [tilespmem:v39+s2+$0x0], $0xffff  }
0xbb: {  	v29 =	vsel vm2, v28, v29;
	v20 =	vsel vm4, v19, v20;
	v25 =	vsel vm5, v14, v25;
	v14 =	vmovc v21  }
0xbc: {  	v23 =	vsel vm2, v8, v23;
	v24 =	vsel vm3, v16, v24;
	v8 =	vmovc v17;
	v17 =	vor.u32 s16, v26;
	v40 =	vld.idx.msk [tilespmem:v37+s2+$0x0], $0xffff  }
0xbd: {  	s17 =	sadd.s32 $0x60, s16;
	v16 =	vmovc v18;
	v19 =	vmov v22;
	v21 =	vshll.u32 v17, $0x4;
	vm2 =	veq.s32 v8, v7;
	v41 =	vld.idx.msk [tilespmem:v38+s2+$0x0], $0xffff  }
0xbe: {  	s18 =	sadd.s32 $0x40, s16;
	v18 =	vor.u32 s17, v26;
	v36 =	vor.u32 v1, v21;
	v28 =	vsel vm2, $0x7F800000, v42  }
0xbf: {  	v21 =	vor.u32 s18, v26;
	v22 =	vshll.u32 v18, $0x4;
	vm2 =	veq.s32 v16, v7  }
0xc0: {  	s17 =	sadd.s32 $0x20, s16;
	v39 =	vor.u32 v1, v22;
	v37 =	vshll.u32 v21, $0x4;
	v35 =	vsel vm2, $0x7F800000, v43  }
0xc1: {  	v22 =	vor.u32 s17, v26;
	v37 =	vor.u32 v1, v37;
	vm2 =	veq.s32 v14, v7  }
.Ltmp2:
0xc2: {  	vm3 =	veq.s32 v19, v7;
	v38 =	vshll.u32 v22, $0x4;
	v40 =	vsel vm2, $0x7F800000, v40;
	(pc) =	sbr.rel @p0 .LBB2_6-.Ltmp2, $4  }
0xc3: {  	v38 =	vor.u32 v1, v38;
	vm4 =	vlt.f32 v28, v27;
	v41 =	vsel vm3, $0x7F800000, v41  }
0xc4: {  	v27 =	vsel vm4, v28, v27;
	vm2 =	vlt.f32 v28, v29;
	vm4 =	vlt.f32 v41, v30  }
0xc5: {  	v27 =	vsel vm2, v29, v27;
	vm5 =	vlt.f32 v40, v31;
	vm3 =	vlt.f32 v35, v32  }
0xc6: {  	s16 =	sadd.s32 $0x1, s16;
	vm7 =	vlt.f32 v35, v34;
	vm6 =	vlt.f32 v40, v33;
	vm8 =	vlt.f32 v41, v15  }
0xc7: {  	_ =	sdelay $0x3  }
0xc8: {  	v26 =	vld.idx.msk [tilespmem:v36+s2+$0x0], $0xffff  }
0xc9: {  	v58 =	vld.idx.msk [tilespmem:v39+s2+$0x0], $0xffff  }
0xca: {  	v15 =	vsel vm8, v41, v15;
	v38 =	vld.idx.msk [tilespmem:v38+s2+$0x0], $0xffff  }
0xcb: {  	v33 =	vsel vm6, v40, v33;
	v34 =	vsel vm7, v35, v34;
	v59 =	vsel vm3, v35, v32  }
0xcc: {  	v37 =	vld.idx.msk [tilespmem:v37+s2+$0x0], $0xffff;
	vm6 =	veq.s32 v17, v7;
	v28 =	vsel vm2, v28, v29;
	vm7 =	veq.s32 v22, v7  }
0xcd: {  	v15 =	vsel vm4, v30, v15;
	v33 =	vsel vm5, v31, v33;
	v34 =	vsel vm3, v32, v34  }
0xce: {  	v30 =	vsel vm4, v41, v30;
	v26 =	vsel vm6, $0x7F800000, v26;
	vm6 =	veq.s32 v18, v7  }
0xcf: {  	v31 =	vsel vm5, v40, v31;
	v61 =	vsel vm7, $0x7F800000, v38;
	v29 =	vsel vm6, $0x7F800000, v58  }
0xd0: {  	vm6 =	veq.s32 v21, v7;
	vm7 =	vlt.f32 v26, v28;
	vm8 =	vlt.f32 v61, v30  }
0xd1: {  	vm9 =	vlt.f32 v61, v15;
	v60 =	vsel vm6, $0x7F800000, v37;
	vm6 =	vlt.f32 v26, v27  }
0xd2: {  	vm12 =	vlt.f32 v29, v34;
	v15 =	vsel vm9, v61, v15;
	v27 =	vsel vm6, v26, v27  }
0xd3: {  	vm10 =	vlt.f32 v60, v31;
	vm6 =	vlt.f32 v29, v59;
	vm11 =	vlt.f32 v60, v33  }
0xd4: {  	v34 =	vsel vm12, v29, v34;
	v15 =	vsel vm8, v30, v15;
	v30 =	vsel vm8, v61, v30  }
0xd5: {  	v26 =	vsel vm7, v26, v28;
	v27 =	vsel vm7, v28, v27;
	v33 =	vsel vm11, v60, v33  }
0xd6: {  	v62 =	vsel vm6, v59, v34;
	vm9 =	vlt.f32 v30, v26;
	v29 =	vsel vm6, v29, v59  }
0xd7: {  	v28 =	vsel vm10, v31, v33;
	v31 =	vsel vm10, v60, v31;
	v63 =	vsel vm9, v30, v26  }
0xd8: {  	v26 =	vsel vm9, v26, v30;
	v15 =	vmin.f32 v27, v15;
	vm11 =	vlt.f32 v29, v31  }
0xd9: {  	v28 =	vmin.f32 v28, v62;
	v27 =	vsel vm11, v29, v31;
	v29 =	vsel vm11, v31, v29  }
0xda: {  	v15 =	vmin.f32 v15, v26;
	v26 =	vmin.f32 v28, v29;
	vm12 =	vlt.f32 v27, v63  }
0xdb: {  	v27 =	vsel vm12, v63, v27;
	v15 =	vmin.f32 v15, v26  }
0xdc: {  	vm0 =	vmand vm1, vm0;
	v15 =	vmin.f32 v15, v27  }
0xdd: {  	v3 =	vsel vm1, v3, v15;
	v4 =	vsel vm0, v15, v4;
	vm0 =	veq.s32 v13, $0x2  }
0xde: {  	v5 =	vsel vm0, v15, v5;
	vm0 =	veq.s32 v13, $0x3;
	v26 =	vmin.f32 v3, v4  }
0xdf: {  	v6 =	vsel vm0, v15, v6;
	vm0 =	veq.s32 v13, $0x4;
	v26 =	vmin.f32 v26, v5  }
0xe0: {  	v9 =	vsel vm0, v15, v9;
	vm0 =	veq.s32 v13, $0x5;
	v26 =	vmin.f32 v26, v6  }
0xe1: {  	v10 =	vsel vm0, v15, v10;
	vm0 =	veq.s32 v13, $0x6;
	v26 =	vmin.f32 v26, v9  }
0xe2: {  	v11 =	vsel vm0, v15, v11;
	vm0 =	veq.s32 v13, $0x7;
	v13 =	vmin.f32 v26, v10  }
0xe3: {  	v12 =	vsel vm0, v15, v12;
	v13 =	vmin.f32 v13, v11  }
0xe4: {  	v13 =	vmin.f32 v13, v12  }
0xe5: {  	vm0 =	veq.f32 v11, v13  }
0xe6: {  	v15 =	vsel vm0, $0x6, v0;
	vm0 =	veq.f32 v10, v13  }
0xe7: {  	v15 =	vsel vm0, $0x5, v15;
	vm0 =	veq.f32 v9, v13  }
0xe8: {  	v15 =	vsel vm0, $0x4, v15;
	vm0 =	veq.f32 v6, v13  }
0xe9: {  	v15 =	vsel vm0, $0x3, v15;
	vm0 =	veq.f32 v5, v13  }
0xea: {  	v15 =	vsel vm0, $0x2, v15;
	vm0 =	veq.f32 v4, v13  }
0xeb: {  	vm1 =	vne.f32 v3, v13;
	v15 =	vsel vm0, $0x1, v15  }
0xec: {  	v15 =	vnsel vm1, $0x0, v15  }
0xed: {  	s16 =	simm.s32 $0x0;
	v19 =	vsel vm4, v19, v20;
	v26 =	vshll.u32 v15, $0x7  }
0xee: {  	v14 =	vsel vm5, v14, v25;
	v8 =	vsel vm2, v8, v23;
	s24 =	simm.s32 $0x60;
	v13 =	vor.u32 s16, v26  }
0xef: {  	v21 =	vsel vm10, v21, v14;
	v14 =	vor.u32 s24, v26;
	v20 =	vshll.u32 v13, $0x4  }
0xf0: {  	v8 =	vsel vm7, v17, v8;
	v17 =	vshll.u32 v14, $0x4;
	v20 =	vor.u32 v1, v20  }
0xf1: {  	v23 =	vsel vm3, v16, v24;
	s25 =	simm.s32 $0x40;
	v22 =	vsel vm8, v22, v19;
	v24 =	vor.u32 v1, v17  }
0xf2: {  	s26 =	simm.s32 $0x20;
	v18 =	vsel vm6, v18, v23;
	v8 =	vsel vm9, v22, v8;
	v16 =	vor.u32 s25, v26  }
0xf3: {  	v18 =	vsel vm11, v18, v21;
	v19 =	vor.u32 s26, v26;
	v17 =	vshll.u32 v16, $0x4  }
0xf4: {  	v8 =	vsel vm12, v18, v8;
	v23 =	vor.u32 v1, v17;
	v17 =	vshll.u32 v19, $0x4  }
0xf5: {  	s28 =	simm.s32 $0x1;
	v18 =	vimm.s32 $0x0;
	v27 =	vimm.f32 $+Inf;
	v22 =	vor.u32 v1, v17;
	v21 =	vld.idx.msk [tilespmem:v20+s2+$0x0], $0xffff  }
0xf6: {  	vm2 =	veq.s32 v13, v7;
	vm3 =	veq.s32 v13, v8;
	v17 =	vor.u32 s28, v26;
	v24 =	vld.idx.msk [tilespmem:v24+s2+$0x0], $0xffff  }
0xf7: {  	s29 =	simm.s32 $0x61;
	vm4 =	veq.s32 v14, v8;
	vm2 =	vmor vm3, vm2;
	v20 =	vshll.u32 v17, $0x4  }
0xf8: {  	vm3 =	veq.s32 v14, v7;
	v35 =	vor.u32 v1, v20;
	v20 =	vor.u32 s29, v26  }
0xf9: {  	vm5 =	veq.s32 v16, v8;
	vm3 =	vmor vm4, vm3;
	v23 =	vld.idx.msk [tilespmem:v23+s2+$0x0], $0xffff;
	v25 =	vshll.u32 v20, $0x4  }
0xfa: {  	s30 =	simm.s32 $0x41;
	vm4 =	veq.s32 v19, v8;
	v22 =	vld.idx.msk [tilespmem:v22+s2+$0x0], $0xffff;
	v36 =	vor.u32 v1, v25;
	v37 =	vsel vm2, $0x7F800000, v21  }
0xfb: {  	v21 =	vor.u32 s30, v26;
	vm2 =	veq.s32 v16, v7;
	v24 =	vsel vm3, $0x7F800000, v24  }
0xfc: {  	vm3 =	veq.s32 v19, v7;
	v25 =	vshll.u32 v21, $0x4;
	vm2 =	vmor vm5, vm2  }
0xfd: {  	s31 =	simm.s32 $0x21;
	vm3 =	vmor vm4, vm3;
	vm4 =	vlt.f32 v24, v27;
	v38 =	vor.u32 v1, v25  }
0xfe: {  	v25 =	vor.u32 s31, v26;
	v23 =	vsel vm2, $0x7F800000, v23;
	vm2 =	vlt.f32 v37, v27  }
0xff: {  	v22 =	vsel vm3, $0x7F800000, v22;
	v39 =	vshll.u32 v25, $0x4;
	v28 =	vsel vm2, v37, v27  }
0x100: {  	vm5 =	vlt.f32 v22, v27;
	vm3 =	vlt.f32 v23, v27;
	v31 =	vsel vm2, v27, v28  }
0x101: {  	v30 =	vsel vm5, v22, v27;
	v29 =	vsel vm3, v23, v27;
	v28 =	vsel vm4, v24, v27  }
0x102: {  	v24 =	vimm.s32 $0x0;
	v22 =	vimm.s32 $0x0;
	v23 =	vimm.s32 $0x0  }
0x103: {  	s16 =	simm.s32 $0x2;
	v34 =	vsel vm5, v27, v30;
	v33 =	vsel vm3, v27, v29;
	v32 =	vsel vm4, v27, v28  }
.LBB2_8:
0x104: {  	p0 =	sne.s32 s16, $0x1F;
	v40 =	vld.idx.msk [tilespmem:v35+s2+$0x0], $0xffff;
	v39 =	vor.u32 v1, v39;
	v27 =	vsel vm2, v37, v27;
	v18 =	vsel vm5, v19, v18  }
0x105: {  	v24 =	vsel vm2, v13, v24;
	v22 =	vsel vm3, v16, v22;
	v23 =	vsel vm4, v14, v23;
	v13 =	vmovc v17  }
0x106: {  	v17 =	vor.u32 s16, v26;
	v14 =	vmovc v20;
	v16 =	vmov v21;
	v19 =	vmov v25;
	v41 =	vld.idx.msk [tilespmem:v36+s2+$0x0], $0xffff  }
0x107: {  	s17 =	sadd.s32 $0x60, s16;
	v20 =	vshll.u32 v17, $0x4;
	vm2 =	veq.s32 v13, v7;
	vm3 =	veq.s32 v13, v8  }
0x108: {  	v35 =	vor.u32 v1, v20;
	v20 =	vor.u32 s17, v26;
	vm2 =	vmor vm3, vm2;
	v42 =	vld.idx.msk [tilespmem:v38+s2+$0x0], $0xffff  }
0x109: {  	vm4 =	veq.s32 v14, v8;
	vm3 =	veq.s32 v14, v7;
	v21 =	vshll.u32 v20, $0x4;
	v43 =	vld.idx.msk [tilespmem:v39+s2+$0x0], $0xffff  }
0x10a: {  	s17 =	sadd.s32 $0x40, s16;
	v36 =	vor.u32 v1, v21;
	v37 =	vsel vm2, $0x7F800000, v40;
	vm2 =	vmor vm4, vm3  }
0x10b: {  	v21 =	vor.u32 s17, v26;
	vm3 =	veq.s32 v16, v7;
	vm4 =	veq.s32 v16, v8  }
0x10c: {  	v25 =	vshll.u32 v21, $0x4;
	vm3 =	vmor vm4, vm3;
	v40 =	vsel vm2, $0x7F800000, v41  }
0x10d: {  	s17 =	sadd.s32 $0x20, s16;
	v38 =	vor.u32 v1, v25;
	vm4 =	veq.s32 v19, v8;
	vm2 =	veq.s32 v19, v7  }
0x10e: {  	v25 =	vor.u32 s17, v26;
	vm2 =	vmor vm4, vm2;
	v41 =	vsel vm3, $0x7F800000, v42  }
0x10f: {  	v39 =	vshll.u32 v25, $0x4;
	vm3 =	vlt.f32 v37, v31;
	v42 =	vsel vm2, $0x7F800000, v43  }
0x110: {  	vm2 =	vlt.f32 v37, v27;
	v31 =	vsel vm3, v37, v31;
	vm5 =	vlt.f32 v42, v30  }
.Ltmp3:
0x111: {  	vm4 =	vlt.f32 v40, v28;
	vm3 =	vlt.f32 v41, v29;
	v31 =	vsel vm2, v27, v31;
	(pc) =	sbr.rel @p0 .LBB2_8-.Ltmp3, $4  }
0x112: {  	vm8 =	vlt.f32 v40, v32;
	vm7 =	vlt.f32 v41, v33;
	vm6 =	vlt.f32 v42, v34  }
0x113: {  	v32 =	vsel vm8, v40, v32;
	v33 =	vsel vm7, v41, v33;
	v34 =	vsel vm6, v42, v34  }
0x114: {  	v32 =	vsel vm4, v28, v32;
	v33 =	vsel vm3, v29, v33;
	v34 =	vsel vm5, v30, v34  }
0x115: {  	s16 =	sadd.s32 $0x1, s16;
	v28 =	vsel vm4, v40, v28;
	v29 =	vsel vm3, v41, v29;
	v30 =	vsel vm5, v42, v30  }
0x116: {  	_ =	sdelay $0x3  }
0x117: {  	v35 =	vld.idx.msk [tilespmem:v35+s2+$0x0], $0xffff  }
0x118: {  	v26 =	vor.u32 v1, v39;
	v38 =	vld.idx.msk [tilespmem:v38+s2+$0x0], $0xffff  }
0x119: {  	v36 =	vld.idx.msk [tilespmem:v36+s2+$0x0], $0xffff;
	v27 =	vsel vm2, v37, v27;
	vm6 =	veq.s32 v17, v7;
	vm7 =	veq.s32 v17, v8  }
0x11a: {  	vm12 =	veq.s32 v20, v7;
	vm8 =	veq.s32 v20, v8;
	vm14 =	veq.s32 v21, v7  }
0x11b: {  	vm15 =	veq.s32 v21, v8;
	vm9 =	veq.s32 v25, v7;
	vm10 =	veq.s32 v25, v8  }
0x11c: {  	vm6 =	vmor vm7, vm6;
	vm13 =	vmor vm8, vm12;
	vm7 =	vmor vm15, vm14  }
0x11d: {  	vm12 =	vmor vm10, vm9;
	v26 =	vld.idx.msk [tilespmem:v26+s2+$0x0], $0xffff;
	v35 =	vsel vm6, $0x7F800000, v35;
	v53 =	vsel vm7, $0x7F800000, v38  }
0x11e: {  	v36 =	vsel vm13, $0x7F800000, v36;
	vm13 =	vlt.f32 v35, v31;
	vm14 =	vlt.f32 v53, v33  }
0x11f: {  	vm15 =	vlt.f32 v36, v32;
	vm7 =	vlt.f32 v53, v29;
	vm8 =	vlt.f32 v36, v28  }
0x120: {  	v31 =	vsel vm13, v35, v31;
	v33 =	vsel vm14, v53, v33;
	v32 =	vsel vm15, v36, v32  }
0x121: {  	v55 =	vsel vm7, v53, v29;
	v56 =	vsel vm8, v36, v28;
	v54 =	vsel vm7, v29, v33  }
0x122: {  	v32 =	vsel vm8, v28, v32;
	vm11 =	vlt.f32 v56, v55;
	v26 =	vsel vm12, $0x7F800000, v26  }
0x123: {  	v59 =	vsel vm11, v56, v55;
	v28 =	vsel vm11, v55, v56;
	vm6 =	vlt.f32 v26, v34  }
0x124: {  	vm10 =	vlt.f32 v26, v30;
	v34 =	vsel vm6, v26, v34;
	vm6 =	vlt.f32 v35, v27  }
0x125: {  	v26 =	vsel vm10, v26, v30;
	v31 =	vsel vm6, v27, v31;
	v27 =	vsel vm6, v35, v27  }
0x126: {  	v60 =	vmin.f32 v54, v32;
	v34 =	vsel vm10, v30, v34;
	vm9 =	vlt.f32 v26, v27  }
0x127: {  	v58 =	vmin.f32 v31, v34;
	v57 =	vsel vm9, v26, v27;
	v26 =	vsel vm9, v27, v26  }
0x128: {  	v61 =	vmin.f32 v60, v28;
	v26 =	vmin.f32 v58, v26;
	vm12 =	vlt.f32 v59, v57  }
0x129: {  	v62 =	vsel vm12, v57, v59;
	v26 =	vmin.f32 v26, v61  }
0x12a: {  	vm0 =	vmand vm1, vm0;
	v26 =	vmin.f32 v26, v62  }
0x12b: {  	v3 =	vsel vm1, v3, v26;
	v4 =	vsel vm0, v26, v4;
	vm0 =	veq.s32 v15, $0x2  }
0x12c: {  	v5 =	vsel vm0, v26, v5;
	vm0 =	veq.s32 v15, $0x3;
	v63 =	vmin.f32 v3, v4  }
0x12d: {  	v6 =	vsel vm0, v26, v6;
	vm0 =	veq.s32 v15, $0x4;
	v27 =	vmin.f32 v63, v5  }
0x12e: {  	v9 =	vsel vm0, v26, v9;
	vm0 =	veq.s32 v15, $0x5;
	v27 =	vmin.f32 v27, v6  }
0x12f: {  	v10 =	vsel vm0, v26, v10;
	vm0 =	veq.s32 v15, $0x6;
	v27 =	vmin.f32 v27, v9  }
0x130: {  	v11 =	vsel vm0, v26, v11;
	vm0 =	veq.s32 v15, $0x7;
	v15 =	vmin.f32 v27, v10  }
0x131: {  	v12 =	vsel vm0, v26, v12;
	v15 =	vmin.f32 v15, v11  }
0x132: {  	v12 =	vmin.f32 v15, v12  }
0x133: {  	vm0 =	veq.f32 v11, v12  }
0x134: {  	v11 =	vsel vm0, $0x300, v2;
	vm0 =	veq.f32 v10, v12  }
0x135: {  	v10 =	vsel vm0, $0x280, v11;
	vm0 =	veq.f32 v9, v12  }
0x136: {  	v9 =	vsel vm0, $0x200, v10;
	vm0 =	veq.f32 v6, v12  }
0x137: {  	v10 =	vsel vm4, v14, v23;
	v6 =	vsel vm0, $0x180, v9  }
0x138: {  	vm0 =	veq.f32 v5, v12;
	v9 =	vsel vm3, v16, v22;
	v10 =	vsel vm8, v20, v10  }
0x139: {  	v16 =	vimm.f32 $+Inf;
	v5 =	vsel vm0, $0x100, v6;
	vm0 =	veq.f32 v4, v12  }
0x13a: {  	v6 =	vsel vm2, v13, v24;
	v9 =	vsel vm7, v21, v9;
	v13 =	vimm.s32 $0x0  }
0x13b: {  	v4 =	vsel vm0, $0x80, v5;
	vm0 =	veq.f32 v3, v12;
	v3 =	vsel vm5, v19, v18  }
0x13c: {  	s16 =	simm.s32 $0x0;
	s26 =	simm.s32 $0x60;
	v6 =	vsel vm6, v17, v6;
	v9 =	vsel vm11, v10, v9;
	v5 =	vsel vm0, $0x0, v4  }
0x13d: {  	s28 =	simm.s32 $0x40;
	v11 =	vsel vm10, v25, v3;
	v4 =	vadd.s32 s16, v5;
	v3 =	vadd.s32 s26, v5  }
0x13e: {  	v6 =	vsel vm9, v11, v6;
	v11 =	vadd.s32 s28, v5;
	v12 =	vshll.u32 v4, $0x4  }
0x13f: {  	s17 =	simm.s32 $0x20;
	v9 =	vsel vm12, v9, v6;
	v14 =	vor.u32 v1, v12;
	v12 =	vshll.u32 v3, $0x4  }
0x140: {  	v6 =	vshll.u32 v11, $0x4;
	v15 =	vor.u32 v1, v12;
	v12 =	vadd.s32 s17, v5  }
0x141: {  	vm0 =	veq.s32 v4, v8;
	v17 =	vor.u32 v1, v6;
	v10 =	vshll.u32 v12, $0x4  }
0x142: {  	vm2 =	veq.s32 v4, v7;
	vm1 =	veq.s32 v4, v9;
	v18 =	vor.u32 v1, v10  }
0x143: {  	s29 =	simm.s32 $0x1;
	vm3 =	veq.s32 v3, v9;
	vm0 =	vmor vm1, vm0;
	vm1 =	veq.s32 v3, v8  }
0x144: {  	vm4 =	veq.s32 v3, v7;
	v6 =	vadd.s32 s29, v5;
	vm1 =	vmor vm3, vm1;
	v14 =	vld.idx.msk [tilespmem:v14+s2+$0x0], $0xffff  }
0x145: {  	vm0 =	vmor vm0, vm2;
	vm2 =	veq.s32 v12, v8;
	vm3 =	veq.s32 v12, v9;
	v15 =	vld.idx.msk [tilespmem:v15+s2+$0x0], $0xffff  }
0x146: {  	s30 =	simm.s32 $0x61;
	vm5 =	veq.s32 v12, v7;
	v10 =	vshll.u32 v6, $0x4;
	vm1 =	vmor vm1, vm4;
	v20 =	vld.idx.msk [tilespmem:v17+s2+$0x0], $0xffff  }
0x147: {  	vm2 =	vmor vm3, vm2;
	v19 =	vor.u32 v1, v10;
	v10 =	vadd.s32 s30, v5;
	v21 =	vld.idx.msk [tilespmem:v18+s2+$0x0], $0xffff  }
0x148: {  	vm4 =	veq.s32 v11, v9;
	vm2 =	vmor vm2, vm5;
	v17 =	vshll.u32 v10, $0x4  }
0x149: {  	v23 =	vor.u32 v1, v17;
	v14 =	vsel vm0, $0x7F800000, v14;
	vm0 =	veq.s32 v11, v8  }
0x14a: {  	s31 =	simm.s32 $0x41;
	v22 =	vsel vm1, $0x7F800000, v15;
	vm1 =	veq.s32 v11, v7;
	vm3 =	vmor vm4, vm0  }
0x14b: {  	v18 =	vadd.s32 s31, v5;
	vm0 =	vlt.f32 v14, v16;
	vm1 =	vmor vm3, vm1  }
0x14c: {  	v17 =	vsel vm0, v14, v16;
	v14 =	vsel vm2, $0x7F800000, v21;
	v15 =	vsel vm1, $0x7F800000, v20  }
0x14d: {  	vm1 =	vlt.f32 v22, v16;
	v21 =	vimm.s32 $0x0;
	vm3 =	vlt.f32 v14, v16  }
0x14e: {  	v20 =	vimm.s32 $0x0;
	vm2 =	vlt.f32 v15, v16;
	v14 =	vsel vm3, v14, v16  }
0x14f: {  	s16 =	simm.s32 $0x2;
	s17 =	simm.s32 $0x21;
	v15 =	vsel vm2, v15, v16;
	v16 =	vsel vm1, v22, v16;
	v22 =	vimm.s32 $0x0  }
.LBB2_10:
0x150: {  	p0 =	sne.s32 s16, $0x1F;
	v24 =	vshll.u32 v18, $0x4;
	v13 =	vsel vm3, v12, v13;
	v12 =	vadd.s32 s17, v5  }
0x151: {  	v22 =	vsel vm2, v11, v22;
	v11 =	vmovc v18;
	v25 =	vld.idx.msk [tilespmem:v19+s2+$0x0], $0xffff;
	v19 =	vshll.u32 v12, $0x4;
	v24 =	vor.u32 v1, v24  }
0x152: {  	v21 =	vsel vm0, v4, v21;
	v20 =	vsel vm1, v3, v20;
	v18 =	vor.u32 v1, v19;
	v26 =	vld.idx.msk [tilespmem:v23+s2+$0x0], $0xffff  }
0x153: {  	vm0 =	veq.s32 v6, v8;
	vm1 =	veq.s32 v6, v9;
	v4 =	vmovc v6;
	v6 =	vadd.s32 s16, v5;
	v3 =	vmovc v10  }
0x154: {  	v10 =	vshll.u32 v6, $0x4;
	vm2 =	veq.s32 v4, v7;
	vm0 =	vmor vm1, vm0  }
0x155: {  	s17 =	sadd.s32 $0x60, s16;
	vm1 =	veq.s32 v3, v8;
	vm3 =	veq.s32 v3, v9;
	v19 =	vor.u32 v1, v10  }
0x156: {  	vm4 =	veq.s32 v3, v7;
	v10 =	vadd.s32 s17, v5;
	vm1 =	vmor vm3, vm1;
	v24 =	vld.idx.msk [tilespmem:v24+s2+$0x0], $0xffff  }
0x157: {  	vm0 =	vmor vm0, vm2;
	v23 =	vshll.u32 v10, $0x4;
	vm1 =	vmor vm1, vm4;
	v27 =	vld.idx.msk [tilespmem:v18+s2+$0x0], $0xffff  }
0x158: {  	s17 =	sadd.s32 $0x40, s16;
	v23 =	vor.u32 v1, v23;
	v25 =	vsel vm0, $0x7F800000, v25;
	v26 =	vsel vm1, $0x7F800000, v26  }
0x159: {  	vm0 =	veq.s32 v11, v8;
	v18 =	vadd.s32 s17, v5;
	vm1 =	veq.s32 v11, v7  }
0x15a: {  	vm2 =	veq.s32 v12, v8;
	vm3 =	veq.s32 v12, v9;
	vm4 =	veq.s32 v11, v9  }
.Ltmp4:
0x15b: {  	vm5 =	veq.s32 v12, v7;
	vm2 =	vmor vm3, vm2;
	vm3 =	vmor vm4, vm0;
	(pc) =	sbr.rel @p0 .LBB2_10-.Ltmp4, $4  }
0x15c: {  	vm2 =	vmor vm2, vm5;
	vm0 =	vlt.f32 v25, v17;
	vm1 =	vmor vm3, vm1  }
0x15d: {  	v17 =	vsel vm0, v25, v17;
	v24 =	vsel vm1, $0x7F800000, v24;
	v25 =	vsel vm2, $0x7F800000, v27  }
0x15e: {  	vm1 =	vlt.f32 v26, v16;
	vm2 =	vlt.f32 v24, v15;
	vm3 =	vlt.f32 v25, v14  }
0x15f: {  	s17 =	sadd.s32 $0x20, s16;
	s16 =	sadd.s32 $0x1, s16;
	v16 =	vsel vm1, v26, v16;
	v15 =	vsel vm2, v24, v15;
	v14 =	vsel vm3, v25, v14  }
0x160: {  	v5 =	vadd.s32 s17, v5;
	v25 =	vshll.u32 v18, $0x4  }
0x161: {  	v12 =	vsel vm3, v12, v13;
	v24 =	vshll.u32 v5, $0x4;
	v13 =	vor.u32 v1, v25  }
0x162: {  	v11 =	vsel vm2, v11, v22;
	v24 =	vor.u32 v1, v24  }
0x163: {  	v21 =	vsel vm0, v4, v21;
	vm14 =	veq.s32 v6, v8;
	vm15 =	veq.s32 v6, v9  }
0x164: {  	v19 =	vld.idx.msk [tilespmem:v19+s2+$0x0], $0xffff;
	vm8 =	veq.s32 v6, v7;
	vm4 =	veq.s32 v10, v8;
	vm5 =	veq.s32 v10, v9  }
0x165: {  	v22 =	vld.idx.msk [tilespmem:v23+s2+$0x0], $0xffff;
	vm9 =	veq.s32 v10, v7;
	v20 =	vsel vm1, v3, v20;
	vm11 =	veq.s32 v18, v7  }
0x166: {  	vm12 =	veq.s32 v18, v8;
	vm0 =	vmor vm15, vm14;
	vm4 =	vmor vm5, vm4;
	v4 =	vld.idx.msk [tilespmem:v13+s2+$0x0], $0xffff  }
0x167: {  	vm13 =	veq.s32 v5, v8;
	vm14 =	veq.s32 v5, v9;
	vm15 =	veq.s32 v18, v9;
	v3 =	vld.idx.msk [tilespmem:v24+s2+$0x0], $0xffff  }
0x168: {  	vm0 =	vmor vm0, vm8;
	vm10 =	vmor vm4, vm9;
	vm8 =	veq.s32 v5, v7  }
0x169: {  	vm2 =	vmor vm14, vm13;
	vm1 =	vmor vm15, vm12;
	v13 =	vsel vm0, $0x7F800000, v19  }
0x16a: {  	vm2 =	vmor vm2, vm8;
	v19 =	vsel vm10, $0x7F800000, v22;
	vm9 =	vlt.f32 v13, v17  }
0x16b: {  	vm0 =	vmor vm1, vm11;
	vm12 =	vlt.f32 v19, v16;
	v13 =	vsel vm9, v13, v17  }
0x16c: {  	v4 =	vsel vm0, $0x7F800000, v4;
	v17 =	vsel vm2, $0x7F800000, v3;
	v3 =	vmul.u32 $0x8, v1  }
0x16d: {  	v16 =	vsel vm12, v19, v16;
	v10 =	vsel vm12, v10, v20;
	vm11 =	vlt.f32 v4, v15  }
0x16e: {  	vm10 =	vlt.f32 v17, v14;
	v15 =	vsel vm11, v4, v15;
	v4 =	vor.u32 $0x1, v3  }
0x16f: {  	v14 =	vsel vm10, v17, v14;
	v12 =	vsel vm10, v5, v12;
	v5 =	vor.u32 $0x2, v3  }
0x170: {  	v17 =	vsel vm9, v6, v21;
	v6 =	vor.u32 $0x3, v3;
	vm13 =	vlt.f32 v14, v13  }
0x171: {  	v11 =	vsel vm11, v18, v11;
	vm14 =	vlt.f32 v16, v15;
	v13 =	vsel vm13, v14, v13  }
0x172: {  	v12 =	vsel vm13, v12, v17;
	v14 =	vsel vm14, v16, v15;
	[tilespmem:v3+s12+$0x0] =	vst.idx.msk $0xffff, v7  }
0x173: {  	vm15 =	vlt.f32 v14, v13;
	v7 =	vsel vm14, v10, v11;
	[tilespmem:v4+s12+$0x0] =	vst.idx.msk $0xffff, v8  }
0x174: {  	v7 =	vsel vm15, v7, v12;
	[tilespmem:v5+s12+$0x0] =	vst.idx.msk $0xffff, v9  }
0x175: {  	[tilespmem:v6+s12+$0x0] =	vst.idx.msk $0xffff, v7  }
0x176: {  	[hbm4b:s5+s2] =	stream.linear.scatter [tilespmem:s12], [sflag:$0x3], $0x80, $0x38;
	[tilespmem:$0x8080] =	vst v63  }
0x177: {  	_ =	swait.ge [sflag:s13], $0x80  }
0x178: {  	[sflag:s13] =	ssyncset.done $0x0  }
0x179: {  	[sflag:s13] =	ssyncadd.s32 $0xFFFFFF80  }
0x17a: {  	_ =	swait.ge [sflag:s14], $0x4000  }
0x17b: {  	[sflag:s14] =	ssyncset.done $0x0  }
0x17c: {  	s16 =	simm.s32 $0xFFFFF800;
	[sflag:s14] =	ssyncadd.s32 $0xFFFFC000  }
0x17d: {  	v7 =	vld [tilespmem:s16+$0x4830]  }
0x17e: {  	v8 =	vld [tilespmem:s16+$0x5030]  }
0x17f: {  	v11 =	vld [tilespmem:s16+$0x5830]  }
0x180: {  	v12 =	vld [tilespmem:s16+$0x6030]  }
0x181: {  	v13 =	vld [tilespmem:s16+$0x6830]  }
0x182: {  	v10 =	vld [tilespmem:s16+$0x7030]  }
0x183: {  	v9 =	vld [tilespmem:s16+$0x7830]  }
0x184: {  	v16 =	vld [tilespmem:s16+$0x4820]  }
0x185: {  	v17 =	vld [tilespmem:s16+$0x5020]  }
0x186: {  	v20 =	vld [tilespmem:s16+$0x5820]  }
0x187: {  	v21 =	vld [tilespmem:s16+$0x6020]  }
0x188: {  	v22 =	vld [tilespmem:s16+$0x6820]  }
0x189: {  	v14 =	vld [tilespmem:s16+$0x7020]  }
0x18a: {  	v15 =	vld [tilespmem:s16+$0x7820]  }
0x18b: {  	v19 =	vld [tilespmem:s16+$0x4810]  }
0x18c: {  	v24 =	vld [tilespmem:s16+$0x5010]  }
0x18d: {  	v27 =	vld [tilespmem:s16+$0x5810]  }
0x18e: {  	v28 =	vld [tilespmem:s16+$0x6010]  }
0x18f: {  	v25 =	vld [tilespmem:s16+$0x4800]  }
0x190: {  	v26 =	vld [tilespmem:s16+$0x5000]  }
0x191: {  	v29 =	vld [tilespmem:s16+$0x6810]  }
0x192: {  	v23 =	vld [tilespmem:s16+$0x7010]  }
0x193: {  	v32 =	vld [tilespmem:s16+$0x5800]  }
0x194: {  	v18 =	vimm.f32 $+Inf;
	v33 =	vld [tilespmem:s16+$0x6000]  }
0x195: {  	v34 =	vld [tilespmem:s16+$0x6800];
	v25 =	vmin.f32 v18, v25;
	v30 =	vmin.f32 v18, v26  }
0x196: {  	v31 =	vld [tilespmem:s16+$0x7800];
	v19 =	vmin.f32 v25, v19;
	v24 =	vmin.f32 v30, v24;
	v25 =	vimm.f32 $+Inf  }
0x197: {  	v26 =	vld [tilespmem:s16+$0x7810];
	v35 =	vmin.f32 v19, v16;
	v36 =	vmin.f32 v24, v17;
	v24 =	vimm.f32 $+Inf  }
0x198: {  	s17 =	simm.s32 $0xFFFFE100;
	v30 =	vld [tilespmem:s16+$0x7000];
	v19 =	vimm.f32 $+Inf;
	v16 =	vimm.f32 $+Inf;
	v17 =	vimm.f32 $+Inf  }
.LBB2_12:
0x199: {  	p0 =	sne.s32 s17, $0xFFFFFF00;
	v37 =	vld [tilespmem:s16+$0x8000];
	v35 =	vmin.f32 v35, v7;
	v36 =	vmin.f32 v36, v8  }
0x19a: {  	v7 =	vmin.f32 v18, v32;
	v8 =	vmin.f32 v24, v33;
	v18 =	vmin.f32 v25, v34;
	v32 =	vld [tilespmem:s16+$0x8010]  }
0x19b: {  	v7 =	vmin.f32 v7, v27;
	v8 =	vmin.f32 v8, v28;
	v18 =	vmin.f32 v18, v29;
	v27 =	vld [tilespmem:s16+$0x8020]  }
0x19c: {  	v20 =	vmin.f32 v7, v20;
	v8 =	vmin.f32 v8, v21;
	v21 =	vmin.f32 v18, v22;
	v22 =	vld [tilespmem:s16+$0x8030];
	s16 =	sshra.s32 s17, $0x2  }
0x19d: {  	v18 =	vmin.f32 v20, v11;
	v24 =	vmin.f32 v8, v12;
	v7 =	vld [tilespmem:s16+$0x4830];
	v25 =	vmin.f32 v21, v13  }
0x19e: {  	v12 =	vmin.f32 v19, v30;
	v13 =	vmin.f32 v16, v31;
	v8 =	vld [tilespmem:s16+$0x5030];
	v16 =	vmin.f32 v17, v37  }
0x19f: {  	v17 =	vmin.f32 v12, v23;
	v13 =	vmin.f32 v13, v26;
	v11 =	vld [tilespmem:s16+$0x5830];
	v16 =	vmin.f32 v16, v32  }
0x1a0: {  	v14 =	vmin.f32 v17, v14;
	v15 =	vmin.f32 v13, v15;
	v12 =	vld [tilespmem:s16+$0x6030];
	v17 =	vmin.f32 v16, v27  }
0x1a1: {  	v19 =	vmin.f32 v14, v10;
	v16 =	vmin.f32 v15, v9;
	v13 =	vld [tilespmem:s16+$0x6830];
	v17 =	vmin.f32 v17, v22  }
0x1a2: {  	v10 =	vld [tilespmem:s16+$0x7030]  }
0x1a3: {  	v9 =	vld [tilespmem:s16+$0x7830]  }
0x1a4: {  	v37 =	vld [tilespmem:s16+$0x4820]  }
0x1a5: {  	v38 =	vld [tilespmem:s16+$0x5020]  }
0x1a6: {  	v20 =	vld [tilespmem:s16+$0x5820]  }
0x1a7: {  	v21 =	vld [tilespmem:s16+$0x6020]  }
0x1a8: {  	v22 =	vld [tilespmem:s16+$0x6820]  }
0x1a9: {  	v14 =	vld [tilespmem:s16+$0x7020]  }
0x1aa: {  	v15 =	vld [tilespmem:s16+$0x7820]  }
0x1ab: {  	v31 =	vld [tilespmem:s16+$0x4810]  }
0x1ac: {  	v39 =	vld [tilespmem:s16+$0x5010]  }
0x1ad: {  	v27 =	vld [tilespmem:s16+$0x5810]  }
0x1ae: {  	v28 =	vld [tilespmem:s16+$0x6010]  }
0x1af: {  	v29 =	vld [tilespmem:s16+$0x6810]  }
0x1b0: {  	v26 =	vld [tilespmem:s16+$0x4800]  }
0x1b1: {  	v30 =	vld [tilespmem:s16+$0x5000]  }
0x1b2: {  	v23 =	vld [tilespmem:s16+$0x7010]  }
0x1b3: {  	v32 =	vld [tilespmem:s16+$0x5800]  }
.Ltmp5:
0x1b4: {  	v33 =	vld [tilespmem:s16+$0x6000];
	(pc) =	sbr.rel @p0 .LBB2_12-.Ltmp5, $4  }
0x1b5: {  	v34 =	vld [tilespmem:s16+$0x6800]  }
0x1b6: {  	v35 =	vmin.f32 v35, v26;
	v36 =	vmin.f32 v36, v30;
	v26 =	vld [tilespmem:s16+$0x7810]  }
0x1b7: {  	v35 =	vmin.f32 v35, v31;
	v30 =	vld [tilespmem:s16+$0x7000];
	v36 =	vmin.f32 v36, v39  }
0x1b8: {  	s17 =	sadd.s32 $0x100, s17;
	v35 =	vmin.f32 v35, v37;
	v31 =	vld [tilespmem:s16+$0x7800];
	v36 =	vmin.f32 v36, v38  }
0x1b9: {  	v7 =	vmin.f32 v35, v7;
	v8 =	vmin.f32 v36, v8;
	v18 =	vmin.f32 v18, v32  }
0x1ba: {  	v37 =	vld [tilespmem:s16+$0x8000];
	v24 =	vmin.f32 v24, v33;
	v25 =	vmin.f32 v25, v34;
	v18 =	vmin.f32 v18, v27  }
0x1bb: {  	v27 =	vld [tilespmem:s16+$0x8010];
	v24 =	vmin.f32 v24, v28;
	v25 =	vmin.f32 v25, v29;
	v18 =	vmin.f32 v18, v20  }
0x1bc: {  	v20 =	vmin.f32 v24, v21;
	v21 =	vmin.f32 v25, v22;
	v11 =	vmin.f32 v18, v11  }
0x1bd: {  	v18 =	vld [tilespmem:s16+$0x8020];
	v12 =	vmin.f32 v20, v12;
	v19 =	vmin.f32 v19, v30;
	v13 =	vmin.f32 v21, v13  }
0x1be: {  	v20 =	vld [tilespmem:s16+$0x8030];
	v16 =	vmin.f32 v16, v31;
	v21 =	vmin.f32 v7, v8;
	v19 =	vmin.f32 v19, v23  }
0x1bf: {  	v17 =	vmin.f32 v17, v37;
	v16 =	vmin.f32 v16, v26;
	v21 =	vmin.f32 v21, v11  }
0x1c0: {  	v14 =	vmin.f32 v19, v14;
	v17 =	vmin.f32 v17, v27;
	v19 =	vmin.f32 v21, v12  }
0x1c1: {  	v15 =	vmin.f32 v16, v15;
	v14 =	vmin.f32 v14, v10;
	v10 =	vmin.f32 v19, v13  }
0x1c2: {  	v15 =	vmin.f32 v15, v9;
	v16 =	vmin.f32 v17, v18;
	v9 =	vmin.f32 v10, v14  }
0x1c3: {  	v16 =	vmin.f32 v16, v20;
	v9 =	vmin.f32 v9, v15  }
0x1c4: {  	v9 =	vmin.f32 v9, v16  }
0x1c5: {  	vm0 =	veq.f32 v15, v9  }
0x1c6: {  	v10 =	vsel vm0, $0x6, v0;
	vm0 =	veq.f32 v14, v9  }
0x1c7: {  	v10 =	vsel vm0, $0x5, v10;
	vm0 =	veq.f32 v13, v9  }
0x1c8: {  	v10 =	vsel vm0, $0x4, v10;
	vm0 =	veq.f32 v12, v9  }
0x1c9: {  	v10 =	vsel vm0, $0x3, v10;
	vm0 =	veq.f32 v11, v9  }
0x1ca: {  	v10 =	vsel vm0, $0x2, v10;
	vm0 =	veq.f32 v8, v9  }
0x1cb: {  	vm1 =	vne.f32 v7, v9;
	v10 =	vsel vm0, $0x1, v10  }
0x1cc: {  	v17 =	vnsel vm1, $0x0, v10  }
0x1cd: {  	s25 =	simm.s32 $0x20;
	v9 =	vshll.u32 v17, $0x7  }
0x1ce: {  	s17 =	simm.s32 $0x40;
	v10 =	vor.u32 s25, v9  }
0x1cf: {  	v19 =	vor.u32 s17, v9;
	v18 =	vshll.u32 v10, $0x4  }
0x1d0: {  	s26 =	simm.s32 $0x60;
	v20 =	vshll.u32 v19, $0x4;
	v18 =	vor.u32 v1, v18  }
0x1d1: {  	v27 =	vor.u32 s26, v9;
	v20 =	vor.u32 v1, v20  }
0x1d2: {  	s28 =	simm.s32 $0x0;
	v21 =	vshll.u32 v27, $0x4  }
0x1d3: {  	v29 =	vor.u32 s28, v9;
	v23 =	vor.u32 v1, v21  }
0x1d4: {  	v21 =	vshll.u32 v29, $0x4  }
0x1d5: {  	s30 =	simm.s32 $0x41;
	v28 =	vor.u32 v1, v21;
	v26 =	vld.idx.msk [tilespmem:v18+s10+$0x0], $0xffff  }
0x1d6: {  	s18 =	simm.s32 $0x61;
	v22 =	vor.u32 s30, v9;
	v30 =	vld.idx.msk [tilespmem:v20+s10+$0x0], $0xffff  }
0x1d7: {  	s29 =	simm.s32 $0x21;
	v25 =	vor.u32 s18, v9;
	v31 =	vshll.u32 v22, $0x4  }
0x1d8: {  	v24 =	vor.u32 s29, v9;
	v62 =	vshll.u32 v25, $0x4;
	v31 =	vor.u32 v1, v31;
	v23 =	vld.idx.msk [tilespmem:v23+s10+$0x0], $0xffff  }
0x1d9: {  	v37 =	vor.u32 v1, v62;
	v20 =	vshll.u32 v24, $0x4  }
0x1da: {  	s31 =	simm.s32 $0x1;
	v21 =	vimm.s32 $0x0;
	v18 =	vimm.f32 $+Inf;
	v35 =	vld.idx.msk [tilespmem:v28+s10+$0x0], $0xffff;
	v63 =	vor.u32 v1, v20  }
0x1db: {  	v28 =	vor.u32 s31, v9;
	vm3 =	vlt.f32 v26, v18;
	vm2 =	vlt.f32 v30, v18  }
0x1dc: {  	v20 =	vsel vm3, v26, v18;
	v26 =	vsel vm3, v10, v21;
	v10 =	vsel vm2, v30, v18  }
0x1dd: {  	v30 =	vld.idx.msk [tilespmem:v31+s10+$0x0], $0xffff;
	v31 =	vshll.u32 v28, $0x4;
	v32 =	vsel vm3, v18, v20;
	vm3 =	vlt.f32 v23, v18  }
0x1de: {  	v33 =	vsel vm2, v18, v10;
	v23 =	vsel vm3, v23, v18  }
0x1df: {  	v36 =	vld.idx.msk [tilespmem:v63+s10+$0x0], $0xffff;
	v27 =	vsel vm3, v27, v21;
	v34 =	vsel vm3, v18, v23;
	vm3 =	vlt.f32 v35, v18  }
0x1e0: {  	s16 =	simm.s32 $0x2;
	v38 =	vor.u32 v1, v31;
	v31 =	vmovc v23;
	v39 =	vsel vm3, v35, v18;
	v29 =	vsel vm3, v29, v21  }
.LBB2_14:
0x1e1: {  	s17 =	sadd.s32 $0x20, s16;
	s18 =	sadd.s32 $0x40, s16;
	s19 =	sadd.s32 $0x60, s16;
	v39 =	vsel vm3, v18, v39;
	v18 =	vsel vm3, v35, v18;
	v21 =	vsel vm2, v19, v21;
	v19 =	vmovc v22  }
0x1e2: {  	p0 =	sne.s32 s16, $0x1F;
	v40 =	vor.u32 s17, v9;
	v22 =	vor.u32 s18, v9;
	v41 =	vor.u32 s19, v9;
	v42 =	vld.idx.msk [tilespmem:v37+s10+$0x0], $0xffff;
	s17 =	smov.u32 s16;
	s16 =	sadd.s32 $0x1, s16  }
0x1e3: {  	v35 =	vshll.u32 v40, $0x4;
	v37 =	vshll.u32 v22, $0x4;
	v43 =	vshll.u32 v41, $0x4  }
0x1e4: {  	vm2 =	vlt.f32 v30, v10;
	v44 =	vor.u32 v1, v35;
	v45 =	vor.u32 v1, v37  }
0x1e5: {  	vm5 =	vlt.f32 v30, v33;
	vm3 =	vlt.f32 v36, v20;
	vm4 =	vlt.f32 v36, v32;
	v35 =	vld.idx.msk [tilespmem:v38+s10+$0x0], $0xffff  }
0x1e6: {  	v33 =	vsel vm5, v30, v33;
	v32 =	vsel vm4, v36, v32;
	v26 =	vsel vm3, v24, v26;
	v24 =	vmovc v40  }
0x1e7: {  	v33 =	vsel vm2, v10, v33;
	v32 =	vsel vm3, v20, v32;
	v20 =	vsel vm3, v36, v20  }
.Ltmp6:
0x1e8: {  	v37 =	vor.u32 v1, v43;
	vm3 =	vlt.f32 v42, v23;
	vm4 =	vlt.f32 v42, v34;
	(pc) =	sbr.rel @p0 .LBB2_14-.Ltmp6, $4  }
0x1e9: {  	v34 =	vsel vm4, v42, v34;
	v23 =	vsel vm3, v42, v23;
	v27 =	vsel vm3, v25, v27;
	v25 =	vmovc v41  }
0x1ea: {  	v40 =	vor.u32 s17, v9;
	v10 =	vsel vm2, v30, v10;
	v34 =	vsel vm3, v31, v34;
	v31 =	vmovc v23;
	v30 =	vld.idx.msk [tilespmem:v45+s10+$0x0], $0xffff  }
0x1eb: {  	v38 =	vshll.u32 v40, $0x4;
	vm3 =	vlt.f32 v35, v18;
	vm4 =	vlt.f32 v35, v39;
	v36 =	vld.idx.msk [tilespmem:v44+s10+$0x0], $0xffff  }
0x1ec: {  	v38 =	vor.u32 v1, v38;
	v39 =	vsel vm4, v35, v39;
	v29 =	vsel vm3, v28, v29;
	v28 =	vmovc v40  }
0x1ed: {  	_ =	sdelay $0x3  }
0x1ee: {  	v9 =	vld.idx.msk [tilespmem:v37+s10+$0x0], $0xffff  }
0x1ef: {  	v60 =	vld.idx.msk [tilespmem:v38+s10+$0x0], $0xffff  }
0x1f0: {  	v61 =	vsel vm3, v18, v39;
	v18 =	vsel vm3, v35, v18;
	vm3 =	vlt.f32 v36, v32  }
0x1f1: {  	vm5 =	vlt.f32 v30, v33;
	vm4 =	vlt.f32 v36, v20;
	v32 =	vsel vm3, v36, v32  }
0x1f2: {  	v33 =	vsel vm5, v30, v33;
	vm3 =	vlt.f32 v30, v10;
	v32 =	vsel vm4, v20, v32  }
0x1f3: {  	v20 =	vsel vm4, v36, v20;
	v33 =	vsel vm3, v10, v33;
	vm6 =	vlt.f32 v9, v34  }
0x1f4: {  	vm5 =	vlt.f32 v9, v23;
	vm7 =	vlt.f32 v60, v61;
	v10 =	vsel vm3, v30, v10  }
0x1f5: {  	v34 =	vsel vm6, v9, v34;
	vm6 =	vlt.f32 v60, v18;
	v9 =	vsel vm5, v9, v23  }
0x1f6: {  	v30 =	vsel vm7, v60, v61;
	v23 =	vsel vm6, v60, v18;
	v31 =	vsel vm5, v31, v34  }
0x1f7: {  	v18 =	vsel vm6, v18, v30;
	vm8 =	vlt.f32 v9, v10;
	vm7 =	vlt.f32 v20, v23  }
0x1f8: {  	v18 =	vmin.f32 v18, v32;
	v30 =	vsel vm7, v20, v23;
	v20 =	vsel vm7, v23, v20  }
0x1f9: {  	v23 =	vsel vm8, v9, v10;
	v9 =	vsel vm8, v10, v9;
	v10 =	vmin.f32 v33, v31  }
0x1fa: {  	v18 =	vmin.f32 v18, v20;
	v9 =	vmin.f32 v10, v9;
	vm9 =	vlt.f32 v23, v30  }
0x1fb: {  	v10 =	vsel vm9, v30, v23;
	v9 =	vmin.f32 v18, v9  }
0x1fc: {  	vm0 =	vmand vm1, vm0;
	v18 =	vmin.f32 v9, v10  }
0x1fd: {  	v9 =	vsel vm1, v7, v18;
	v10 =	vsel vm0, v18, v8;
	vm0 =	veq.s32 v17, $0x2  }
0x1fe: {  	v11 =	vsel vm0, v18, v11;
	vm0 =	veq.s32 v17, $0x3;
	v7 =	vmin.f32 v9, v10  }
0x1ff: {  	v12 =	vsel vm0, v18, v12;
	vm0 =	veq.s32 v17, $0x4;
	v7 =	vmin.f32 v7, v11  }
0x200: {  	v13 =	vsel vm0, v18, v13;
	vm0 =	veq.s32 v17, $0x5;
	v7 =	vmin.f32 v7, v12  }
0x201: {  	v14 =	vsel vm0, v18, v14;
	vm0 =	veq.s32 v17, $0x6;
	v7 =	vmin.f32 v7, v13  }
0x202: {  	v15 =	vsel vm0, v18, v15;
	vm0 =	veq.s32 v17, $0x7;
	v7 =	vmin.f32 v7, v14  }
0x203: {  	v16 =	vsel vm0, v18, v16;
	v7 =	vmin.f32 v7, v15  }
0x204: {  	v7 =	vmin.f32 v7, v16  }
0x205: {  	vm0 =	veq.f32 v15, v7  }
0x206: {  	v8 =	vsel vm0, $0x6, v0;
	vm0 =	veq.f32 v14, v7  }
0x207: {  	v8 =	vsel vm0, $0x5, v8;
	vm0 =	veq.f32 v13, v7  }
0x208: {  	v8 =	vsel vm0, $0x4, v8;
	vm0 =	veq.f32 v12, v7  }
0x209: {  	v8 =	vsel vm0, $0x3, v8;
	vm0 =	veq.f32 v11, v7  }
0x20a: {  	v8 =	vsel vm0, $0x2, v8;
	vm0 =	veq.f32 v10, v7  }
0x20b: {  	vm1 =	vne.f32 v9, v7;
	v8 =	vsel vm0, $0x1, v8  }
0x20c: {  	v17 =	vnsel vm1, $0x0, v8  }
0x20d: {  	s16 =	simm.s32 $0x0;
	v30 =	vshll.u32 v17, $0x7  }
0x20e: {  	s25 =	simm.s32 $0x60;
	v19 =	vsel vm2, v19, v21;
	v37 =	vimm.f32 $+Inf;
	v8 =	vor.u32 s16, v30  }
0x20f: {  	v38 =	vimm.f32 $+Inf;
	v20 =	vor.u32 s25, v30;
	v7 =	vshll.u32 v8, $0x4  }
0x210: {  	s17 =	simm.s32 $0x40;
	v35 =	vimm.f32 $+Inf;
	v23 =	vshll.u32 v20, $0x4;
	v7 =	vor.u32 v1, v7  }
0x211: {  	s26 =	simm.s32 $0x20;
	v21 =	vsel vm4, v24, v26;
	v18 =	vor.u32 s17, v30;
	v62 =	vor.u32 v1, v23  }
0x212: {  	v19 =	vsel vm3, v22, v19;
	v31 =	vshll.u32 v18, $0x4;
	v23 =	vor.u32 s26, v30  }
0x213: {  	v36 =	vimm.f32 $+Inf;
	v31 =	vor.u32 v1, v31;
	v63 =	vshll.u32 v23, $0x4  }
0x214: {  	v24 =	vsel vm5, v25, v27;
	v25 =	vsel vm6, v28, v29;
	v26 =	vor.u32 v1, v63  }
0x215: {  	s28 =	simm.s32 $0x1;
	v34 =	vimm.f32 $+Inf;
	v19 =	vsel vm8, v24, v19;
	v24 =	vimm.s32 $0x0;
	v27 =	vld.idx.msk [tilespmem:v7+s10+$0x0], $0xffff  }
0x216: {  	s30 =	simm.s32 $0x41;
	v33 =	vimm.f32 $+Inf;
	v7 =	vsel vm7, v21, v25;
	v28 =	vld.idx.msk [tilespmem:v62+s10+$0x0], $0xffff;
	v21 =	vor.u32 s28, v30  }
0x217: {  	s29 =	simm.s32 $0x61;
	v25 =	vor.u32 s30, v30;
	v7 =	vsel vm9, v19, v7;
	v22 =	vshll.u32 v21, $0x4  }
0x218: {  	v29 =	vld.idx.msk [tilespmem:v31+s10+$0x0], $0xffff;
	v19 =	vimm.f32 $+Inf;
	v40 =	vor.u32 v1, v22;
	v22 =	vor.u32 s29, v30  }
0x219: {  	vm2 =	veq.s32 v8, v7;
	v31 =	vld.idx.msk [tilespmem:v26+s10+$0x0], $0xffff;
	vm3 =	veq.s32 v23, v7;
	v26 =	vshll.u32 v22, $0x4  }
0x21a: {  	s31 =	simm.s32 $0x21;
	v43 =	vor.u32 v1, v26;
	v32 =	vsel vm2, $0x7F800000, v27;
	vm2 =	veq.s32 v20, v7  }
0x21b: {  	v26 =	vor.u32 s31, v30;
	v27 =	vshll.u32 v25, $0x4;
	v39 =	vsel vm2, $0x7F800000, v28  }
0x21c: {  	v41 =	vor.u32 v1, v27;
	vm2 =	veq.s32 v18, v7;
	v27 =	vshll.u32 v26, $0x4  }
0x21d: {  	v28 =	vimm.s32 $0x0;
	v44 =	vsel vm2, $0x7F800000, v29;
	vm2 =	vlt.f32 v32, v19  }
0x21e: {  	v45 =	vsel vm3, $0x7F800000, v31;
	v42 =	vor.u32 v1, v27;
	vm3 =	vlt.f32 v39, v19  }
0x21f: {  	vm7 =	vlt.f32 v39, v19;
	v29 =	vimm.s32 $0x0;
	v27 =	vsel vm2, v32, v19  }
0x220: {  	vm4 =	vlt.f32 v45, v19;
	vm5 =	vlt.f32 v44, v19;
	vm8 =	vlt.f32 v45, v19  }
0x221: {  	s16 =	simm.s32 $0x2;
	vm6 =	vlt.f32 v44, v19;
	v31 =	vsel vm2, v19, v27;
	v27 =	vimm.s32 $0x0  }
.LBB2_16:
0x222: {  	p0 =	sne.s32 s16, $0x1F;
	v46 =	vld.idx.msk [tilespmem:v40+s10+$0x0], $0xffff;
	v19 =	vsel vm8, v45, v19;
	v37 =	vsel vm6, v44, v37;
	v38 =	vsel vm7, v39, v38  }
0x223: {  	v19 =	vsel vm4, v34, v19;
	v37 =	vsel vm5, v35, v37;
	v38 =	vsel vm3, v36, v38  }
0x224: {  	v34 =	vsel vm4, v45, v34;
	v35 =	vsel vm5, v44, v35;
	v36 =	vsel vm3, v39, v36;
	v47 =	vld.idx.msk [tilespmem:v43+s10+$0x0], $0xffff  }
0x225: {  	v33 =	vsel vm2, v32, v33;
	v24 =	vsel vm4, v23, v24;
	v29 =	vsel vm5, v18, v29;
	v18 =	vmovc v25  }
0x226: {  	v27 =	vsel vm2, v8, v27;
	v28 =	vsel vm3, v20, v28;
	v8 =	vmovc v21;
	v21 =	vor.u32 s16, v30;
	v44 =	vld.idx.msk [tilespmem:v41+s10+$0x0], $0xffff  }
0x227: {  	s17 =	sadd.s32 $0x60, s16;
	v20 =	vmovc v22;
	v23 =	vmov v26;
	v25 =	vshll.u32 v21, $0x4;
	vm2 =	veq.s32 v8, v7;
	v45 =	vld.idx.msk [tilespmem:v42+s10+$0x0], $0xffff  }
0x228: {  	s18 =	sadd.s32 $0x40, s16;
	v22 =	vor.u32 s17, v30;
	v40 =	vor.u32 v1, v25;
	v32 =	vsel vm2, $0x7F800000, v46  }
0x229: {  	v25 =	vor.u32 s18, v30;
	v26 =	vshll.u32 v22, $0x4;
	vm2 =	veq.s32 v20, v7  }
0x22a: {  	s17 =	sadd.s32 $0x20, s16;
	v43 =	vor.u32 v1, v26;
	v41 =	vshll.u32 v25, $0x4;
	v39 =	vsel vm2, $0x7F800000, v47  }
0x22b: {  	v26 =	vor.u32 s17, v30;
	v41 =	vor.u32 v1, v41;
	vm2 =	veq.s32 v18, v7  }
.Ltmp7:
0x22c: {  	vm3 =	veq.s32 v23, v7;
	v42 =	vshll.u32 v26, $0x4;
	v44 =	vsel vm2, $0x7F800000, v44;
	(pc) =	sbr.rel @p0 .LBB2_16-.Ltmp7, $4  }
0x22d: {  	v42 =	vor.u32 v1, v42;
	vm4 =	vlt.f32 v32, v31;
	v45 =	vsel vm3, $0x7F800000, v45  }
0x22e: {  	v31 =	vsel vm4, v32, v31;
	vm2 =	vlt.f32 v32, v33;
	vm4 =	vlt.f32 v45, v34  }
0x22f: {  	v31 =	vsel vm2, v33, v31;
	vm5 =	vlt.f32 v44, v35;
	vm3 =	vlt.f32 v39, v36  }
0x230: {  	s16 =	sadd.s32 $0x1, s16;
	vm7 =	vlt.f32 v39, v38;
	vm6 =	vlt.f32 v44, v37;
	vm8 =	vlt.f32 v45, v19  }
0x231: {  	_ =	sdelay $0x3  }
0x232: {  	v30 =	vld.idx.msk [tilespmem:v40+s10+$0x0], $0xffff  }
0x233: {  	v53 =	vld.idx.msk [tilespmem:v43+s10+$0x0], $0xffff  }
0x234: {  	v19 =	vsel vm8, v45, v19;
	v42 =	vld.idx.msk [tilespmem:v42+s10+$0x0], $0xffff  }
0x235: {  	v37 =	vsel vm6, v44, v37;
	v38 =	vsel vm7, v39, v38;
	v54 =	vsel vm4, v45, v34  }
0x236: {  	v41 =	vld.idx.msk [tilespmem:v41+s10+$0x0], $0xffff;
	v55 =	vsel vm5, v44, v35;
	v56 =	vsel vm3, v39, v36;
	vm6 =	veq.s32 v21, v7  }
0x237: {  	v32 =	vsel vm2, v32, v33;
	vm7 =	veq.s32 v26, v7;
	v19 =	vsel vm4, v34, v19  }
0x238: {  	v37 =	vsel vm5, v35, v37;
	v30 =	vsel vm6, $0x7F800000, v30;
	vm6 =	veq.s32 v22, v7  }
0x239: {  	v38 =	vsel vm3, v36, v38;
	v59 =	vsel vm7, $0x7F800000, v42;
	v57 =	vsel vm6, $0x7F800000, v53  }
0x23a: {  	vm6 =	veq.s32 v25, v7;
	vm7 =	vlt.f32 v30, v32;
	vm8 =	vlt.f32 v59, v54  }
0x23b: {  	vm9 =	vlt.f32 v59, v19;
	v58 =	vsel vm6, $0x7F800000, v41;
	vm6 =	vlt.f32 v30, v31  }
0x23c: {  	vm12 =	vlt.f32 v57, v38;
	v19 =	vsel vm9, v59, v19;
	v34 =	vsel vm8, v59, v54  }
0x23d: {  	v31 =	vsel vm6, v30, v31;
	vm10 =	vlt.f32 v58, v55;
	vm6 =	vlt.f32 v57, v56  }
0x23e: {  	vm11 =	vlt.f32 v58, v37;
	v38 =	vsel vm12, v57, v38;
	v19 =	vsel vm8, v54, v19  }
0x23f: {  	v30 =	vsel vm7, v30, v32;
	v31 =	vsel vm7, v32, v31;
	v37 =	vsel vm11, v58, v37  }
0x240: {  	v61 =	vsel vm6, v56, v38;
	vm9 =	vlt.f32 v34, v30;
	v35 =	vsel vm10, v58, v55  }
0x241: {  	v33 =	vsel vm6, v57, v56;
	v60 =	vsel vm10, v55, v37;
	v62 =	vsel vm9, v34, v30  }
0x242: {  	v30 =	vsel vm9, v30, v34;
	v19 =	vmin.f32 v31, v19;
	vm11 =	vlt.f32 v33, v35  }
0x243: {  	v31 =	vsel vm11, v33, v35;
	v33 =	vsel vm11, v35, v33;
	v32 =	vmin.f32 v60, v61  }
0x244: {  	v19 =	vmin.f32 v19, v30;
	v30 =	vmin.f32 v32, v33;
	vm12 =	vlt.f32 v31, v62  }
0x245: {  	v31 =	vsel vm12, v62, v31;
	v19 =	vmin.f32 v19, v30  }
0x246: {  	vm0 =	vmand vm1, vm0;
	v19 =	vmin.f32 v19, v31  }
0x247: {  	v9 =	vsel vm1, v9, v19;
	v10 =	vsel vm0, v19, v10;
	vm0 =	veq.s32 v17, $0x2  }
0x248: {  	v11 =	vsel vm0, v19, v11;
	vm0 =	veq.s32 v17, $0x3;
	v30 =	vmin.f32 v9, v10  }
0x249: {  	v12 =	vsel vm0, v19, v12;
	vm0 =	veq.s32 v17, $0x4;
	v30 =	vmin.f32 v30, v11  }
0x24a: {  	v13 =	vsel vm0, v19, v13;
	vm0 =	veq.s32 v17, $0x5;
	v30 =	vmin.f32 v30, v12  }
0x24b: {  	v14 =	vsel vm0, v19, v14;
	vm0 =	veq.s32 v17, $0x6;
	v30 =	vmin.f32 v30, v13  }
0x24c: {  	v15 =	vsel vm0, v19, v15;
	vm0 =	veq.s32 v17, $0x7;
	v17 =	vmin.f32 v30, v14  }
0x24d: {  	v16 =	vsel vm0, v19, v16;
	v17 =	vmin.f32 v17, v15  }
0x24e: {  	v17 =	vmin.f32 v17, v16  }
0x24f: {  	vm0 =	veq.f32 v15, v17  }
0x250: {  	v19 =	vsel vm0, $0x6, v0;
	vm0 =	veq.f32 v14, v17  }
0x251: {  	v19 =	vsel vm0, $0x5, v19;
	vm0 =	veq.f32 v13, v17  }
0x252: {  	v19 =	vsel vm0, $0x4, v19;
	vm0 =	veq.f32 v12, v17  }
0x253: {  	v19 =	vsel vm0, $0x3, v19;
	vm0 =	veq.f32 v11, v17  }
0x254: {  	v19 =	vsel vm0, $0x2, v19;
	vm0 =	veq.f32 v10, v17  }
0x255: {  	vm1 =	vne.f32 v9, v17;
	v19 =	vsel vm0, $0x1, v19  }
0x256: {  	v19 =	vnsel vm1, $0x0, v19  }
0x257: {  	s16 =	simm.s32 $0x0;
	v23 =	vsel vm4, v23, v24;
	v30 =	vshll.u32 v19, $0x7  }
0x258: {  	v18 =	vsel vm5, v18, v29;
	v8 =	vsel vm2, v8, v27;
	s24 =	simm.s32 $0x60;
	v17 =	vor.u32 s16, v30  }
0x259: {  	v25 =	vsel vm10, v25, v18;
	v18 =	vor.u32 s24, v30;
	v24 =	vshll.u32 v17, $0x4  }
0x25a: {  	v8 =	vsel vm7, v21, v8;
	v21 =	vshll.u32 v18, $0x4;
	v24 =	vor.u32 v1, v24  }
0x25b: {  	v27 =	vsel vm3, v20, v28;
	s25 =	simm.s32 $0x40;
	v26 =	vsel vm8, v26, v23;
	v28 =	vor.u32 v1, v21  }
0x25c: {  	s26 =	simm.s32 $0x20;
	v22 =	vsel vm6, v22, v27;
	v8 =	vsel vm9, v26, v8;
	v20 =	vor.u32 s25, v30  }
0x25d: {  	v22 =	vsel vm11, v22, v25;
	v23 =	vor.u32 s26, v30;
	v21 =	vshll.u32 v20, $0x4  }
0x25e: {  	v8 =	vsel vm12, v22, v8;
	v27 =	vor.u32 v1, v21;
	v21 =	vshll.u32 v23, $0x4  }
0x25f: {  	s28 =	simm.s32 $0x1;
	v22 =	vimm.s32 $0x0;
	v31 =	vimm.f32 $+Inf;
	v26 =	vor.u32 v1, v21;
	v25 =	vld.idx.msk [tilespmem:v24+s10+$0x0], $0xffff  }
0x260: {  	vm2 =	veq.s32 v17, v7;
	vm3 =	veq.s32 v17, v8;
	v21 =	vor.u32 s28, v30;
	v28 =	vld.idx.msk [tilespmem:v28+s10+$0x0], $0xffff  }
0x261: {  	s29 =	simm.s32 $0x61;
	vm4 =	veq.s32 v18, v8;
	vm2 =	vmor vm3, vm2;
	v24 =	vshll.u32 v21, $0x4  }
0x262: {  	vm3 =	veq.s32 v18, v7;
	v39 =	vor.u32 v1, v24;
	v24 =	vor.u32 s29, v30  }
0x263: {  	vm5 =	veq.s32 v20, v8;
	vm3 =	vmor vm4, vm3;
	v27 =	vld.idx.msk [tilespmem:v27+s10+$0x0], $0xffff;
	v29 =	vshll.u32 v24, $0x4  }
0x264: {  	s30 =	simm.s32 $0x41;
	vm4 =	veq.s32 v23, v8;
	v26 =	vld.idx.msk [tilespmem:v26+s10+$0x0], $0xffff;
	v40 =	vor.u32 v1, v29;
	v41 =	vsel vm2, $0x7F800000, v25  }
0x265: {  	v25 =	vor.u32 s30, v30;
	vm2 =	veq.s32 v20, v7;
	v28 =	vsel vm3, $0x7F800000, v28  }
0x266: {  	vm3 =	veq.s32 v23, v7;
	v29 =	vshll.u32 v25, $0x4;
	vm2 =	vmor vm5, vm2  }
0x267: {  	s31 =	simm.s32 $0x21;
	vm3 =	vmor vm4, vm3;
	vm4 =	vlt.f32 v28, v31;
	v42 =	vor.u32 v1, v29  }
0x268: {  	v29 =	vor.u32 s31, v30;
	v27 =	vsel vm2, $0x7F800000, v27;
	vm2 =	vlt.f32 v41, v31  }
0x269: {  	v26 =	vsel vm3, $0x7F800000, v26;
	v32 =	vsel vm4, v28, v31;
	v28 =	vimm.s32 $0x0  }
0x26a: {  	v43 =	vshll.u32 v29, $0x4;
	v63 =	vsel vm2, v41, v31;
	vm5 =	vlt.f32 v26, v31  }
0x26b: {  	vm3 =	vlt.f32 v27, v31;
	v36 =	vsel vm4, v31, v32;
	v35 =	vsel vm2, v31, v63  }
0x26c: {  	v34 =	vsel vm5, v26, v31;
	v33 =	vsel vm3, v27, v31;
	v26 =	vimm.s32 $0x0  }
0x26d: {  	s16 =	simm.s32 $0x2;
	v27 =	vimm.s32 $0x0;
	v38 =	vsel vm5, v31, v34;
	v37 =	vsel vm3, v31, v33  }
.LBB2_18:
0x26e: {  	p0 =	sne.s32 s16, $0x1F;
	v44 =	vld.idx.msk [tilespmem:v39+s10+$0x0], $0xffff;
	v43 =	vor.u32 v1, v43;
	v31 =	vsel vm2, v41, v31;
	v22 =	vsel vm5, v23, v22  }
0x26f: {  	v28 =	vsel vm2, v17, v28;
	v26 =	vsel vm3, v20, v26;
	v27 =	vsel vm4, v18, v27;
	v17 =	vmovc v21  }
0x270: {  	v21 =	vor.u32 s16, v30;
	v18 =	vmovc v24;
	v20 =	vmov v25;
	v23 =	vmov v29;
	v45 =	vld.idx.msk [tilespmem:v40+s10+$0x0], $0xffff  }
0x271: {  	s17 =	sadd.s32 $0x60, s16;
	v24 =	vshll.u32 v21, $0x4;
	vm2 =	veq.s32 v17, v7;
	vm3 =	veq.s32 v17, v8  }
0x272: {  	v39 =	vor.u32 v1, v24;
	v24 =	vor.u32 s17, v30;
	vm2 =	vmor vm3, vm2;
	v46 =	vld.idx.msk [tilespmem:v42+s10+$0x0], $0xffff  }
0x273: {  	vm4 =	veq.s32 v18, v8;
	vm3 =	veq.s32 v18, v7;
	v25 =	vshll.u32 v24, $0x4;
	v47 =	vld.idx.msk [tilespmem:v43+s10+$0x0], $0xffff  }
0x274: {  	s17 =	sadd.s32 $0x40, s16;
	v40 =	vor.u32 v1, v25;
	v41 =	vsel vm2, $0x7F800000, v44;
	vm2 =	vmor vm4, vm3  }
0x275: {  	v25 =	vor.u32 s17, v30;
	vm3 =	veq.s32 v20, v7;
	vm4 =	veq.s32 v20, v8  }
0x276: {  	v29 =	vshll.u32 v25, $0x4;
	vm3 =	vmor vm4, vm3;
	v44 =	vsel vm2, $0x7F800000, v45  }
0x277: {  	s17 =	sadd.s32 $0x20, s16;
	v42 =	vor.u32 v1, v29;
	vm4 =	veq.s32 v23, v8;
	vm2 =	veq.s32 v23, v7  }
0x278: {  	v29 =	vor.u32 s17, v30;
	vm2 =	vmor vm4, vm2;
	v45 =	vsel vm3, $0x7F800000, v46  }
0x279: {  	v43 =	vshll.u32 v29, $0x4;
	vm3 =	vlt.f32 v41, v35;
	v46 =	vsel vm2, $0x7F800000, v47  }
0x27a: {  	vm2 =	vlt.f32 v41, v31;
	v35 =	vsel vm3, v41, v35;
	vm5 =	vlt.f32 v46, v34  }
.Ltmp8:
0x27b: {  	vm4 =	vlt.f32 v44, v32;
	vm3 =	vlt.f32 v45, v33;
	v35 =	vsel vm2, v31, v35;
	(pc) =	sbr.rel @p0 .LBB2_18-.Ltmp8, $4  }
0x27c: {  	vm8 =	vlt.f32 v44, v36;
	vm7 =	vlt.f32 v45, v37;
	vm6 =	vlt.f32 v46, v38  }
0x27d: {  	v36 =	vsel vm8, v44, v36;
	v37 =	vsel vm7, v45, v37;
	v38 =	vsel vm6, v46, v38  }
0x27e: {  	v36 =	vsel vm4, v32, v36;
	v37 =	vsel vm3, v33, v37;
	v38 =	vsel vm5, v34, v38  }
0x27f: {  	s16 =	sadd.s32 $0x1, s16;
	v32 =	vsel vm4, v44, v32;
	v33 =	vsel vm3, v45, v33;
	v34 =	vsel vm5, v46, v34  }
0x280: {  	_ =	sdelay $0x3  }
0x281: {  	v39 =	vld.idx.msk [tilespmem:v39+s10+$0x0], $0xffff  }
0x282: {  	v30 =	vor.u32 v1, v43;
	v42 =	vld.idx.msk [tilespmem:v42+s10+$0x0], $0xffff  }
0x283: {  	v40 =	vld.idx.msk [tilespmem:v40+s10+$0x0], $0xffff;
	v31 =	vsel vm2, v41, v31;
	vm6 =	veq.s32 v21, v7;
	vm7 =	veq.s32 v21, v8  }
0x284: {  	vm12 =	veq.s32 v24, v7;
	vm8 =	veq.s32 v24, v8;
	vm14 =	veq.s32 v25, v7  }
0x285: {  	vm15 =	veq.s32 v25, v8;
	vm9 =	veq.s32 v29, v7;
	vm10 =	veq.s32 v29, v8  }
0x286: {  	vm6 =	vmor vm7, vm6;
	vm13 =	vmor vm8, vm12;
	vm7 =	vmor vm15, vm14  }
0x287: {  	vm12 =	vmor vm10, vm9;
	v30 =	vld.idx.msk [tilespmem:v30+s10+$0x0], $0xffff;
	v39 =	vsel vm6, $0x7F800000, v39;
	v53 =	vsel vm7, $0x7F800000, v42  }
0x288: {  	v40 =	vsel vm13, $0x7F800000, v40;
	vm13 =	vlt.f32 v39, v35;
	vm14 =	vlt.f32 v53, v37  }
0x289: {  	vm15 =	vlt.f32 v40, v36;
	vm7 =	vlt.f32 v53, v33;
	vm8 =	vlt.f32 v40, v32  }
0x28a: {  	v35 =	vsel vm13, v39, v35;
	v37 =	vsel vm14, v53, v37;
	v36 =	vsel vm15, v40, v36  }
0x28b: {  	v55 =	vsel vm7, v53, v33;
	v56 =	vsel vm8, v40, v32;
	v54 =	vsel vm7, v33, v37  }
0x28c: {  	v36 =	vsel vm8, v32, v36;
	vm11 =	vlt.f32 v56, v55;
	v30 =	vsel vm12, $0x7F800000, v30  }
0x28d: {  	v59 =	vsel vm11, v56, v55;
	v32 =	vsel vm11, v55, v56;
	vm6 =	vlt.f32 v30, v38  }
0x28e: {  	vm10 =	vlt.f32 v30, v34;
	v38 =	vsel vm6, v30, v38;
	vm6 =	vlt.f32 v39, v31  }
0x28f: {  	v30 =	vsel vm10, v30, v34;
	v35 =	vsel vm6, v31, v35;
	v31 =	vsel vm6, v39, v31  }
0x290: {  	v60 =	vmin.f32 v54, v36;
	v38 =	vsel vm10, v34, v38;
	vm9 =	vlt.f32 v30, v31  }
0x291: {  	v58 =	vmin.f32 v35, v38;
	v57 =	vsel vm9, v30, v31;
	v30 =	vsel vm9, v31, v30  }
0x292: {  	v61 =	vmin.f32 v60, v32;
	v30 =	vmin.f32 v58, v30;
	vm12 =	vlt.f32 v59, v57  }
0x293: {  	v62 =	vsel vm12, v57, v59;
	v30 =	vmin.f32 v30, v61  }
0x294: {  	vm0 =	vmand vm1, vm0;
	v30 =	vmin.f32 v30, v62  }
0x295: {  	v9 =	vsel vm1, v9, v30;
	v10 =	vsel vm0, v30, v10;
	vm0 =	veq.s32 v19, $0x2  }
0x296: {  	v11 =	vsel vm0, v30, v11;
	vm0 =	veq.s32 v19, $0x3;
	v63 =	vmin.f32 v9, v10  }
0x297: {  	v12 =	vsel vm0, v30, v12;
	vm0 =	veq.s32 v19, $0x4;
	v31 =	vmin.f32 v63, v11  }
0x298: {  	v13 =	vsel vm0, v30, v13;
	vm0 =	veq.s32 v19, $0x5;
	v31 =	vmin.f32 v31, v12  }
0x299: {  	v14 =	vsel vm0, v30, v14;
	vm0 =	veq.s32 v19, $0x6;
	v31 =	vmin.f32 v31, v13  }
0x29a: {  	v15 =	vsel vm0, v30, v15;
	vm0 =	veq.s32 v19, $0x7;
	v19 =	vmin.f32 v31, v14  }
0x29b: {  	v16 =	vsel vm0, v30, v16;
	v19 =	vmin.f32 v19, v15  }
0x29c: {  	v16 =	vmin.f32 v19, v16  }
0x29d: {  	vm0 =	veq.f32 v15, v16  }
0x29e: {  	v15 =	vsel vm0, $0x300, v2;
	vm0 =	veq.f32 v14, v16  }
0x29f: {  	v14 =	vsel vm0, $0x280, v15;
	vm0 =	veq.f32 v13, v16;
	v15 =	vsel vm4, v18, v27  }
0x2a0: {  	v13 =	vsel vm0, $0x200, v14;
	vm0 =	veq.f32 v12, v16;
	v14 =	vsel vm2, v17, v28  }
0x2a1: {  	v15 =	vsel vm8, v24, v15;
	v12 =	vsel vm0, $0x180, v13;
	vm0 =	veq.f32 v11, v16  }
0x2a2: {  	v17 =	vimm.s32 $0x0;
	v11 =	vsel vm0, $0x100, v12;
	vm0 =	veq.f32 v10, v16  }
0x2a3: {  	v14 =	vsel vm6, v21, v14;
	v10 =	vsel vm0, $0x80, v11;
	vm0 =	veq.f32 v9, v16  }
0x2a4: {  	v21 =	vimm.f32 $+Inf;
	v9 =	vsel vm5, v23, v22;
	v13 =	vsel vm0, $0x0, v10  }
0x2a5: {  	s16 =	simm.s32 $0x0;
	s26 =	simm.s32 $0x60;
	v10 =	vsel vm3, v20, v26;
	v9 =	vsel vm10, v29, v9;
	v26 =	vimm.s32 $0x0  }
0x2a6: {  	v11 =	vadd.s32 s16, v13;
	v12 =	vadd.s32 s26, v13;
	v10 =	vsel vm7, v25, v10  }
0x2a7: {  	s28 =	simm.s32 $0x40;
	v9 =	vsel vm9, v9, v14;
	v16 =	vshll.u32 v11, $0x4;
	v10 =	vsel vm11, v15, v10  }
0x2a8: {  	s17 =	simm.s32 $0x20;
	v15 =	vadd.s32 s28, v13;
	v18 =	vor.u32 v1, v16;
	v16 =	vshll.u32 v12, $0x4  }
0x2a9: {  	vm0 =	veq.s32 v11, v8;
	v19 =	vor.u32 v1, v16;
	v16 =	vadd.s32 s17, v13  }
0x2aa: {  	vm2 =	veq.s32 v11, v7;
	vm4 =	veq.s32 v12, v7;
	v14 =	vshll.u32 v16, $0x4  }
0x2ab: {  	s29 =	simm.s32 $0x1;
	v9 =	vsel vm12, v10, v9;
	v10 =	vshll.u32 v15, $0x4;
	v22 =	vor.u32 v1, v14  }
0x2ac: {  	v20 =	vor.u32 v1, v10;
	v10 =	vadd.s32 s29, v13;
	vm1 =	veq.s32 v11, v9  }
0x2ad: {  	vm3 =	veq.s32 v12, v9;
	vm0 =	vmor vm1, vm0;
	vm1 =	veq.s32 v12, v8;
	v18 =	vld.idx.msk [tilespmem:v18+s10+$0x0], $0xffff  }
0x2ae: {  	vm5 =	veq.s32 v16, v7;
	v14 =	vshll.u32 v10, $0x4;
	vm1 =	vmor vm3, vm1;
	v19 =	vld.idx.msk [tilespmem:v19+s10+$0x0], $0xffff  }
0x2af: {  	s30 =	simm.s32 $0x61;
	vm0 =	vmor vm0, vm2;
	vm2 =	veq.s32 v16, v8;
	vm3 =	veq.s32 v16, v9  }
0x2b0: {  	v23 =	vor.u32 v1, v14;
	v14 =	vadd.s32 s30, v13;
	vm1 =	vmor vm1, vm4;
	v25 =	vld.idx.msk [tilespmem:v22+s10+$0x0], $0xffff  }
0x2b1: {  	s31 =	simm.s32 $0x41;
	vm4 =	veq.s32 v15, v9;
	vm2 =	vmor vm3, vm2;
	v24 =	vshll.u32 v14, $0x4;
	v20 =	vld.idx.msk [tilespmem:v20+s10+$0x0], $0xffff  }
0x2b2: {  	vm2 =	vmor vm2, vm5;
	v27 =	vor.u32 v1, v24;
	v22 =	vadd.s32 s31, v13  }
0x2b3: {  	v18 =	vsel vm0, $0x7F800000, v18;
	vm0 =	veq.s32 v15, v8;
	v24 =	vsel vm1, $0x7F800000, v19  }
0x2b4: {  	vm1 =	veq.s32 v15, v7;
	vm3 =	vmor vm4, vm0;
	vm0 =	vlt.f32 v18, v21  }
0x2b5: {  	vm1 =	vmor vm3, vm1;
	v18 =	vsel vm0, v18, v21;
	v19 =	vsel vm2, $0x7F800000, v25  }
0x2b6: {  	v20 =	vsel vm1, $0x7F800000, v20;
	vm1 =	vlt.f32 v24, v21;
	vm3 =	vlt.f32 v19, v21  }
0x2b7: {  	v25 =	vimm.s32 $0x0;
	vm2 =	vlt.f32 v20, v21;
	v19 =	vsel vm3, v19, v21  }
0x2b8: {  	s16 =	simm.s32 $0x2;
	s17 =	simm.s32 $0x21;
	v20 =	vsel vm2, v20, v21;
	v21 =	vsel vm1, v24, v21;
	v24 =	vimm.s32 $0x0  }
.LBB2_20:
0x2b9: {  	p0 =	sne.s32 s16, $0x1F;
	v28 =	vshll.u32 v22, $0x4;
	v17 =	vsel vm3, v16, v17;
	v16 =	vadd.s32 s17, v13  }
0x2ba: {  	v26 =	vsel vm2, v15, v26;
	v15 =	vmovc v22;
	v29 =	vld.idx.msk [tilespmem:v23+s10+$0x0], $0xffff;
	v23 =	vshll.u32 v16, $0x4;
	v28 =	vor.u32 v1, v28  }
0x2bb: {  	v25 =	vsel vm0, v11, v25;
	v24 =	vsel vm1, v12, v24;
	v22 =	vor.u32 v1, v23;
	v30 =	vld.idx.msk [tilespmem:v27+s10+$0x0], $0xffff  }
0x2bc: {  	vm0 =	veq.s32 v10, v8;
	vm1 =	veq.s32 v10, v9;
	v11 =	vmovc v10;
	v10 =	vadd.s32 s16, v13;
	v12 =	vmovc v14  }
0x2bd: {  	v14 =	vshll.u32 v10, $0x4;
	vm2 =	veq.s32 v11, v7;
	vm0 =	vmor vm1, vm0  }
0x2be: {  	s17 =	sadd.s32 $0x60, s16;
	vm1 =	veq.s32 v12, v8;
	vm3 =	veq.s32 v12, v9;
	v23 =	vor.u32 v1, v14  }
0x2bf: {  	vm4 =	veq.s32 v12, v7;
	v14 =	vadd.s32 s17, v13;
	vm1 =	vmor vm3, vm1;
	v28 =	vld.idx.msk [tilespmem:v28+s10+$0x0], $0xffff  }
0x2c0: {  	vm0 =	vmor vm0, vm2;
	v27 =	vshll.u32 v14, $0x4;
	vm1 =	vmor vm1, vm4;
	v31 =	vld.idx.msk [tilespmem:v22+s10+$0x0], $0xffff  }
0x2c1: {  	s17 =	sadd.s32 $0x40, s16;
	v27 =	vor.u32 v1, v27;
	v29 =	vsel vm0, $0x7F800000, v29;
	v30 =	vsel vm1, $0x7F800000, v30  }
0x2c2: {  	vm0 =	veq.s32 v15, v8;
	v22 =	vadd.s32 s17, v13;
	vm1 =	veq.s32 v15, v7  }
0x2c3: {  	vm2 =	veq.s32 v16, v8;
	vm3 =	veq.s32 v16, v9;
	vm4 =	veq.s32 v15, v9  }
.Ltmp9:
0x2c4: {  	vm5 =	veq.s32 v16, v7;
	vm2 =	vmor vm3, vm2;
	vm3 =	vmor vm4, vm0;
	(pc) =	sbr.rel @p0 .LBB2_20-.Ltmp9, $4  }
0x2c5: {  	vm2 =	vmor vm2, vm5;
	vm0 =	vlt.f32 v29, v18;
	vm1 =	vmor vm3, vm1  }
0x2c6: {  	v18 =	vsel vm0, v29, v18;
	v28 =	vsel vm1, $0x7F800000, v28;
	v29 =	vsel vm2, $0x7F800000, v31  }
0x2c7: {  	vm1 =	vlt.f32 v30, v21;
	vm2 =	vlt.f32 v28, v20;
	vm3 =	vlt.f32 v29, v19  }
0x2c8: {  	s17 =	sadd.s32 $0x20, s16;
	s16 =	sadd.s32 $0x1, s16;
	v21 =	vsel vm1, v30, v21;
	v20 =	vsel vm2, v28, v20;
	v19 =	vsel vm3, v29, v19  }
0x2c9: {  	_ = 	snop  }
0x2ca: {  	v13 =	vadd.s32 s17, v13;
	v29 =	vshll.u32 v22, $0x4;
	v16 =	vsel vm3, v16, v17  }
0x2cb: {  	v15 =	vsel vm2, v15, v26;
	v28 =	vshll.u32 v13, $0x4;
	v56 =	vor.u32 v1, v29  }
0x2cc: {  	vm13 =	veq.s32 v10, v8;
	vm14 =	veq.s32 v10, v9;
	v28 =	vor.u32 v1, v28  }
0x2cd: {  	v23 =	vld.idx.msk [tilespmem:v23+s10+$0x0], $0xffff;
	vm15 =	veq.s32 v14, v8;
	vm4 =	veq.s32 v14, v9;
	vm5 =	veq.s32 v10, v7  }
0x2ce: {  	v27 =	vld.idx.msk [tilespmem:v27+s10+$0x0], $0xffff;
	vm8 =	veq.s32 v14, v7;
	v11 =	vsel vm0, v11, v25;
	v12 =	vsel vm1, v12, v24  }
0x2cf: {  	vm11 =	veq.s32 v22, v8;
	vm2 =	vmor vm14, vm13;
	vm3 =	vmor vm4, vm15  }
0x2d0: {  	vm12 =	veq.s32 v13, v8;
	vm13 =	veq.s32 v13, v9;
	vm14 =	veq.s32 v22, v9;
	v17 =	vld.idx.msk [tilespmem:v56+s10+$0x0], $0xffff  }
0x2d1: {  	vm15 =	veq.s32 v13, v7;
	vm9 =	vmor vm2, vm5;
	vm10 =	vmor vm3, vm8;
	v57 =	vld.idx.msk [tilespmem:v28+s10+$0x0], $0xffff  }
0x2d2: {  	vm1 =	vmor vm13, vm12;
	vm8 =	veq.s32 v22, v7;
	vm0 =	vmor vm14, vm11  }
0x2d3: {  	vm1 =	vmor vm1, vm15;
	v23 =	vsel vm9, $0x7F800000, v23;
	v58 =	vsel vm10, $0x7F800000, v27  }
0x2d4: {  	vm0 =	vmor vm0, vm8;
	vm9 =	vlt.f32 v23, v18;
	vm12 =	vlt.f32 v58, v21  }
0x2d5: {  	v18 =	vsel vm9, v23, v18;
	v59 =	vsel vm12, v58, v21;
	v60 =	vsel vm9, v10, v11  }
0x2d6: {  	v61 =	vsel vm12, v14, v12;
	v17 =	vsel vm0, $0x7F800000, v17;
	v25 =	vsel vm1, $0x7F800000, v57  }
0x2d7: {  	[tilespmem:v3+s12+$0x0] =	vst.idx.msk $0xffff, v7;
	vm11 =	vlt.f32 v17, v20;
	vm10 =	vlt.f32 v25, v19  }
0x2d8: {  	[tilespmem:v4+s12+$0x0] =	vst.idx.msk $0xffff, v8;
	v17 =	vsel vm11, v17, v20;
	v19 =	vsel vm10, v25, v19  }
0x2d9: {  	v15 =	vsel vm11, v22, v15;
	vm14 =	vlt.f32 v59, v17;
	vm13 =	vlt.f32 v19, v18  }
0x2da: {  	v13 =	vsel vm10, v13, v16;
	v63 =	vsel vm14, v59, v17;
	v62 =	vsel vm13, v19, v18  }
0x2db: {  	s15 =	sadd.s32 $0x1, s15;
	v3 =	vsel vm14, v61, v15;
	v10 =	vsel vm13, v13, v60;
	vm15 =	vlt.f32 v63, v62  }
0x2dc: {  	p0 =	sne.s32 s15, s7;
	[tilespmem:v5+s12+$0x0] =	vst.idx.msk $0xffff, v9;
	v3 =	vsel vm15, v3, v10  }
.Ltmp10:
0x2dd: {  	[tilespmem:v6+s12+$0x0] =	vst.idx.msk $0xffff, v3;
	(pc) =	sbr.rel @p0 .LBB2_1-.Ltmp10, $4  }
0x2de: {  	[hbm4b:s6+s2] =	stream.linear.scatter [tilespmem:s12], [sflag:$0x3], $0x80, $0x38;
	[tilespmem:$0x8080] =	vst v63  }
0x2df: {  	_ =	swait.ge [sflag:s13], $0x80  }
0x2e0: {  	[sflag:s13] =	ssyncset.done $0x0  }
0x2e1: {  	[sflag:s13] =	ssyncadd.s32 $0xFFFFFF80  }
0x2e2: {  	_ =	sfence.sel $0x180000  }
0x2e3: {  	[bflag:$0x0] =	sbarrier.arrive $0xFFFF  }
0x2e4: {  	p0 =	sne.s32 s1, $0x0;
	_ =	strace $0x90000047  }
0x2e5: {  	s0 =	sadd.s32 @!p0 $0x100000, s0;
	[bflag:$0x2] =	sbarrier.arrive $0xFFFF  }
0x2e6: {  	[sflag:s0] =	ssyncadd.tile.s32 @!p0 $0x1;
	_ =	shalt  }
.Lfunc_end2:
_tile_overlayer_lowered:
.L_overlay_start_2:
0x2e7: {  	(tag) =	ssettag $0x2  }
0x2e8: {  	s0 =	rddreg [dreg:$0x0];
	s2 =	stileid.u32  }
0x2e9: {  	s1 =	rddreg [dreg:$0x1];
	p0 =	sne.s32 s2, $0x0  }
0x2ea: {  	s3 =	rddreg [dreg:$0x2];
	[bflag:$0x3] =	sbarrier.arrive $0xFFFF;
	s2 =	simm.s32 @!p0 $0x1C03  }
0x2eb: {  	[timem:s3], [sflag:s2] =	dma.local @!p0 [hbm:s0], s1  }
0x2ec: {  	s0 =	simm.s32 @!p0 $0x3  }
0x2ed: {  	_ =	swait.ge @!p0 [sflag:s0], s1  }
0x2ee: {  	s1 =	ssub.s32 @!p0 $0x0, s1;
	[sflag:s0] =	ssyncset.done @!p0 $0x0  }
0x2ef: {  	[sflag:s0] =	ssyncadd.s32 @!p0 s1  }
0x2f0: {  	[bflag:$0x3] =	sbarrier.arrive $0xFFFF  }
0x2f1: {  	_ =	shalt  }

</sc_bundles>
